<compile_context>
chip_gen: v7x
topology: tpu7x:2x2x1
jax: 0.10.2.dev20260603
libtpu: 0.0.44.dev20260713+nightly
codegen_flags: <defaults>
</compile_context>

<pallas_src>
import functools
import jax
import jax.numpy as jnp
from jax import lax
from jax.experimental import pallas as pl
from jax.experimental.pallas import tpu as pltpu
from jax.experimental.pallas import tpu_sc as plsc

_B, _L, _LOC_MAX, _EMB = 4, 50, 2000, 16
_SU, _SL, _TU, _TL = 100.0, 0.0, 500.0, 0.0
_NPAIR = _B * _L
_NW = 32
_KMAX = 7

_DNUMS = lax.GatherDimensionNumbers(
    offset_dims=(), collapsed_slice_dims=(0,), start_index_map=(0,))


def _splat(x, m):
    idxs = jnp.full((16, 1), m, jnp.int32)
    return lax.gather(x, idxs, _DNUMS, (1,),
                      mode=lax.GatherScatterMode.PROMISE_IN_BOUNDS)


def _sc_body(idxw_hbm, vfw_hbm, vecw_hbm, esl_hbm, esu_hbm, etl_hbm, etu_hbm,
             mat2_hbm, out_hbm,
             esl_v, esu_v, etl_v, etu_v,
             idx16_v, vf16_v, vec16_v, rows_v, out_stage, gsem):
    wid = lax.axis_index("s") * 2 + lax.axis_index("c")
    start = jnp.where(wid < 8, wid * 7, 56 + 6 * (wid - 8))
    nw = jnp.where(wid < 8, 7, 6)

    pltpu.sync_copy(idxw_hbm.at[wid], idx16_v)
    pltpu.sync_copy(vfw_hbm.at[wid], vf16_v)
    pltpu.sync_copy(vecw_hbm.at[wid], vec16_v)
    pltpu.sync_copy(esl_hbm, esl_v)
    pltpu.sync_copy(esu_hbm, esu_v)
    pltpu.sync_copy(etl_hbm, etl_v)
    pltpu.sync_copy(etu_hbm, etu_v)

    pltpu.async_copy(mat2_hbm.at[idx16_v], rows_v, gsem).wait()

    esl0 = esl_v[0, :]
    esl1 = esl_v[1, :]
    esu0 = esu_v[0, :]
    esu1 = esu_v[1, :]
    etl0 = etl_v[0, :]
    etl1 = etl_v[1, :]
    etu0 = etu_v[0, :]
    etu1 = etu_v[1, :]
    vfw = vf16_v[...]
    vecw = vec16_v[...]

    for k0, gsize in ((0, 3), (3, 3), (6, 1)):
        for k in range(k0, k0 + gsize):
            buf = k - k0

            @pl.when(k < nw)
            def _():
                v = _splat(vfw, k)
                t = _splat(vecw, k)

                esl = esl0 + v * (esl1 - esl0)
                esu = esu0 + v * (esu1 - esu0)
                etl = etl0 + v * (etl1 - etl0)
                etu = etu0 + v * (etu1 - etu0)
                base = esl + etl + (etu - etl) * (t * (1.0 / _TU))
                coef = (esu - esl) * (v * (1.0 / _SU))

                def jblock(j0, _):
                    rv = rows_v[k, pl.ds(j0 * 16, 16)]
                    for m in range(16):
                        out_stage[buf, j0 * 16 + m] = (
                            base + coef * _splat(rv, m))
                    return 0

                lax.fori_loop(0, _LOC_MAX // 16, jblock, 0)

        @pl.when(k0 < nw)
        def _():
            pltpu.sync_copy(out_stage.at[pl.ds(0, gsize)],
                            out_hbm.at[pl.ds(start + k0, gsize)])



def kernel(traj_loc, mat2, vec, traj_len, emb_su, emb_sl, emb_tu, emb_tl):
    idx = (traj_loc.reshape(-1) - 1).astype(jnp.int32)
    vf = (jnp.arange(_L)[None, :] < traj_len[:, None]).astype(
        jnp.float32).reshape(-1)
    vecv = vec.reshape(-1).astype(jnp.float32)

    starts = jnp.where(jnp.arange(_NW) < 8,
                       jnp.arange(_NW) * 7,
                       56 + 6 * (jnp.arange(_NW) - 8))
    m8 = jnp.minimum(starts[:, None] + jnp.arange(8)[None, :],
                     _NPAIR - 1)
    m16 = jnp.minimum(starts[:, None] + jnp.arange(16)[None, :],
                      _NPAIR - 1)
    idxw = idx[m8]
    vfw = vf[m16]
    vecw = vecv[m16]

    mesh = plsc.VectorSubcoreMesh(core_axis_name="c", subcore_axis_name="s")
    run = functools.partial(
        pl.kernel,
        out_type=jax.ShapeDtypeStruct((_NPAIR, _LOC_MAX, _EMB), jnp.float32),
        mesh=mesh,
        compiler_params=pltpu.CompilerParams(use_tc_tiling_on_sc=False),
        scratch_types=[
            pltpu.VMEM((2, _EMB), jnp.float32),
            pltpu.VMEM((2, _EMB), jnp.float32),
            pltpu.VMEM((2, _EMB), jnp.float32),
            pltpu.VMEM((2, _EMB), jnp.float32),
            pltpu.VMEM((8,), jnp.int32),
            pltpu.VMEM((16,), jnp.float32),
            pltpu.VMEM((16,), jnp.float32),
            pltpu.VMEM((8, _LOC_MAX), jnp.float32),
            pltpu.VMEM((3, _LOC_MAX, _EMB), jnp.float32),
            pltpu.SemaphoreType.DMA,
        ],
    )(_sc_body)
    out = run(idxw, vfw, vecw, emb_sl, emb_su, emb_tl, emb_tu, mat2)
    return out.reshape(_B, _L, _LOC_MAX, _EMB)

# --- scband reference (transcript-rebuilt; emitter-appended) ---
"""Pipeline reference for scband-embed-88725434401528 (READ-ONLY COPY).

The authoritative reference and input builder live on the scoring server;
editing this copy changes nothing except your own understanding.
"""

import jax, jax.numpy as jnp
import numpy as np

B, L, LOC_MAX, EMB = 4, 50, 2000, 16
SU, SL, TU, TL = 100.0, 0.0, 500.0, 0.0


def setup_inputs(seed: int = 0) -> dict:
    key = jax.random.key(seed)
    k1, k2, k3, k4, k5, k6, k7, k8 = jax.random.split(key, 8)
    traj_loc = jax.random.randint(k1, (B, L), 1, LOC_MAX + 1, dtype=jnp.int64) if jax.config.jax_enable_x64 else jax.random.randint(k1, (B, L), 1, LOC_MAX + 1, dtype=jnp.int32)
    mat2 = jax.random.uniform(k2, (LOC_MAX, LOC_MAX), jnp.float32, 0.0, SU)
    vec = jax.random.uniform(k3, (B, L), jnp.float32, 0.0, TU)
    traj_len = jax.random.randint(k4, (B,), 1, L + 1, dtype=jnp.int32)
    emb_su = jax.random.normal(k5, (2, EMB), jnp.float32) * 0.02
    emb_sl = jax.random.normal(k6, (2, EMB), jnp.float32) * 0.02
    emb_tu = jax.random.normal(k7, (2, EMB), jnp.float32) * 0.02
    emb_tl = jax.random.normal(k8, (2, EMB), jnp.float32) * 0.02
    return {"traj_loc": traj_loc, "mat2": mat2, "vec": vec, "traj_len": traj_len,
            "emb_su": emb_su, "emb_sl": emb_sl, "emb_tu": emb_tu, "emb_tl": emb_tl}


def reference(traj_loc, mat2, vec, traj_len, emb_su, emb_sl, emb_tu, emb_tl):
    # delta_t: [B, L, LOC_MAX]
    delta_t = jnp.broadcast_to(vec[:, :, None], (B, L, LOC_MAX))
    # validity mask per (batch, step): [B, L]
    pos = jnp.arange(L)[None, :]
    valid2 = pos < traj_len[:, None]
    mask = jnp.broadcast_to(valid2[:, :, None], (B, L, LOC_MAX)).astype(jnp.int32)
    # delta_s: rows of mat2 gathered by (traj_loc - 1), zeroed on invalid steps
    gathered = jnp.take(mat2, traj_loc - 1, axis=0)  # [B, L, LOC_MAX]
    delta_s = gathered * valid2[:, :, None].astype(jnp.float32)
    # embedding lookups on the 0/1 mask: [B, L, LOC_MAX, EMB]
    esl = jnp.take(emb_sl, mask, axis=0)
    esu = jnp.take(emb_su, mask, axis=0)
    etl = jnp.take(emb_tl, mask, axis=0)
    etu = jnp.take(emb_tu, mask, axis=0)
    vsl = (delta_s - SL)[..., None]
    vsu = (SU - delta_s)[..., None]
    vtl = (delta_t - TL)[..., None]
    vtu = (TU - delta_t)[..., None]
    space_interval = (esl * vsu + esu * vsl) / max(SU - SL, 1e-06)
    time_interval = (etl * vtu + etu * vtl) / max(TU - TL, 1e-06)
    return space_interval + time_interval

if __name__ == "__main__":
    import jax
    _d = setup_inputs()
    print(jax.jit(kernel)(*tuple(_d.values())))

</pallas_src>

<mosaic_0001>
#map = affine_map<(d0, d1) -> (0, 0)>
#map1 = affine_map<(d0, d1) -> (0, 0, 0)>
module attributes {stable_mosaic.version = 14 : i64} {
  func.func @_sc_body(%arg0: i32, %arg1: i32, %arg2: memref<32x8xi32, #tpu.memory_space<hbm>>, %arg3: memref<32x16xf32, #tpu.memory_space<hbm>>, %arg4: memref<32x16xf32, #tpu.memory_space<hbm>>, %arg5: memref<2x16xf32, #tpu.memory_space<hbm>>, %arg6: memref<2x16xf32, #tpu.memory_space<hbm>>, %arg7: memref<2x16xf32, #tpu.memory_space<hbm>>, %arg8: memref<2x16xf32, #tpu.memory_space<hbm>>, %arg9: memref<2000x2000xf32, #tpu.memory_space<hbm>>, %arg10: memref<200x2000x16xf32, #tpu.memory_space<hbm>>, %arg11: memref<2x16xf32, #tpu.memory_space<vmem>>, %arg12: memref<2x16xf32, #tpu.memory_space<vmem>>, %arg13: memref<2x16xf32, #tpu.memory_space<vmem>>, %arg14: memref<2x16xf32, #tpu.memory_space<vmem>>, %arg15: memref<8xi32, #tpu.memory_space<vmem>>, %arg16: memref<16xf32, #tpu.memory_space<vmem>>, %arg17: memref<16xf32, #tpu.memory_space<vmem>>, %arg18: memref<8x2000xf32, #tpu.memory_space<vmem>>, %arg19: memref<3x2000x16xf32, #tpu.memory_space<vmem>>, %arg20: memref<!tpu.dma_semaphore, #tpu.memory_space<semaphore_mem>>) attributes {dimension_semantics = [#tpu.dimension_semantics<core_parallel>, #tpu.dimension_semantics<subcore_parallel>], iteration_bounds = array<i64: 2, 16>, scalar_prefetch = 0 : i64, scratch_operands = 10 : i64, tpu.core_type = #tpu.core_type<sc_vector_subcore>, window_params = [{transform_indices = #map}, {transform_indices = #map}, {transform_indices = #map}, {transform_indices = #map}, {transform_indices = #map}, {transform_indices = #map}, {transform_indices = #map}, {transform_indices = #map}, {transform_indices = #map1}]} {
    %mul3A = arith.constant 2 : i32
    %mul3A_0 = arith.muli %arg1, %mul3A : i32
    %add3A = arith.addi %mul3A_0, %arg0 : i32
    %lt3A = arith.constant 8 : i32
    %lt3A_1 = arith.cmpi slt, %add3A, %lt3A : i32
    %mul3A_2 = arith.constant 7 : i32
    %mul3A_3 = arith.muli %add3A, %mul3A_2 : i32
    %sub3A = arith.constant 8 : i32
    %sub3A_4 = arith.subi %add3A, %sub3A : i32
    %mul3A_5 = arith.constant 6 : i32
    %mul3A_6 = arith.muli %mul3A_5, %sub3A_4 : i32
    %add3A_7 = arith.constant 56 : i32
    %add3A_8 = arith.addi %add3A_7, %mul3A_6 : i32
    %select_n3A = arith.select %lt3A_1, %mul3A_3, %add3A_8 : i32
    %lt3A_9 = arith.constant 8 : i32
    %lt3A_10 = arith.cmpi slt, %add3A, %lt3A_9 : i32
    %jit3A = arith.constant 7 : i32
    %jit3A_11 = arith.constant 6 : i32
    %select_n3A_12 = arith.select %lt3A_10, %jit3A, %jit3A_11 : i32
    "tpu.region"() ({
      %run_scoped3A = tpu.sem_alloc : memref<!tpu.dma_semaphore, #tpu.memory_space<semaphore_mem>>
      %dma_start3A_109 = arith.constant 0 : i32
      %dma_start3A_110 = tpu.memref_slice %arg2[%add3A, %dma_start3A_109] : memref<32x8xi32, #tpu.memory_space<hbm>> -> memref<1x8xi32, #tpu.memory_space<hbm>>
      %dma_start3A_111 = tpu.memref_squeeze %dma_start3A_110 : memref<1x8xi32, #tpu.memory_space<hbm>> -> memref<8xi32, #tpu.memory_space<hbm>>
      %dma_start3A_112 = arith.constant 0 : i32
      %dma_start3A_113 = tpu.memref_slice %arg2[%add3A, %dma_start3A_112] : memref<32x8xi32, #tpu.memory_space<hbm>> -> memref<1x8xi32, #tpu.memory_space<hbm>>
      %dma_start3A_114 = tpu.memref_squeeze %dma_start3A_113 : memref<1x8xi32, #tpu.memory_space<hbm>> -> memref<8xi32, #tpu.memory_space<hbm>>
      tpu.enqueue_dma source(%dma_start3A_114 : memref<8xi32, #tpu.memory_space<hbm>>) target(%arg15 : memref<8xi32, #tpu.memory_space<vmem>>) target_semaphore(%run_scoped3A : memref<!tpu.dma_semaphore, #tpu.memory_space<semaphore_mem>>)
      %dma_wait3A_115 = arith.constant 0 : i32
      %dma_wait3A_116 = tpu.memref_slice %arg2[%add3A, %dma_wait3A_115] : memref<32x8xi32, #tpu.memory_space<hbm>> -> memref<1x8xi32, #tpu.memory_space<hbm>>
      %dma_wait3A_117 = tpu.memref_squeeze %dma_wait3A_116 : memref<1x8xi32, #tpu.memory_space<hbm>> -> memref<8xi32, #tpu.memory_space<hbm>>
      %dma_wait3A_118 = arith.constant 0 : i32
      %dma_wait3A_119 = tpu.memref_slice %arg2[%add3A, %dma_wait3A_118] : memref<32x8xi32, #tpu.memory_space<hbm>> -> memref<1x8xi32, #tpu.memory_space<hbm>>
      %dma_wait3A_120 = tpu.memref_squeeze %dma_wait3A_119 : memref<1x8xi32, #tpu.memory_space<hbm>> -> memref<8xi32, #tpu.memory_space<hbm>>
      tpu.wait_dma2 semaphore(%run_scoped3A : memref<!tpu.dma_semaphore, #tpu.memory_space<semaphore_mem>>) src(%dma_wait3A_120 : memref<8xi32, #tpu.memory_space<hbm>>) dst(%arg15 : memref<8xi32, #tpu.memory_space<vmem>>)
      tpu.yield
    }) : () -> ()
    "tpu.region"() ({
      %run_scoped3A = tpu.sem_alloc : memref<!tpu.dma_semaphore, #tpu.memory_space<semaphore_mem>>
      %dma_start3A_109 = arith.constant 0 : i32
      %dma_start3A_110 = tpu.memref_slice %arg3[%add3A, %dma_start3A_109] : memref<32x16xf32, #tpu.memory_space<hbm>> -> memref<1x16xf32, #tpu.memory_space<hbm>>
      %dma_start3A_111 = tpu.memref_squeeze %dma_start3A_110 : memref<1x16xf32, #tpu.memory_space<hbm>> -> memref<16xf32, #tpu.memory_space<hbm>>
      %dma_start3A_112 = arith.constant 0 : i32
      %dma_start3A_113 = tpu.memref_slice %arg3[%add3A, %dma_start3A_112] : memref<32x16xf32, #tpu.memory_space<hbm>> -> memref<1x16xf32, #tpu.memory_space<hbm>>
      %dma_start3A_114 = tpu.memref_squeeze %dma_start3A_113 : memref<1x16xf32, #tpu.memory_space<hbm>> -> memref<16xf32, #tpu.memory_space<hbm>>
      tpu.enqueue_dma source(%dma_start3A_114 : memref<16xf32, #tpu.memory_space<hbm>>) target(%arg16 : memref<16xf32, #tpu.memory_space<vmem>>) target_semaphore(%run_scoped3A : memref<!tpu.dma_semaphore, #tpu.memory_space<semaphore_mem>>)
      %dma_wait3A_115 = arith.constant 0 : i32
      %dma_wait3A_116 = tpu.memref_slice %arg3[%add3A, %dma_wait3A_115] : memref<32x16xf32, #tpu.memory_space<hbm>> -> memref<1x16xf32, #tpu.memory_space<hbm>>
      %dma_wait3A_117 = tpu.memref_squeeze %dma_wait3A_116 : memref<1x16xf32, #tpu.memory_space<hbm>> -> memref<16xf32, #tpu.memory_space<hbm>>
      %dma_wait3A_118 = arith.constant 0 : i32
      %dma_wait3A_119 = tpu.memref_slice %arg3[%add3A, %dma_wait3A_118] : memref<32x16xf32, #tpu.memory_space<hbm>> -> memref<1x16xf32, #tpu.memory_space<hbm>>
      %dma_wait3A_120 = tpu.memref_squeeze %dma_wait3A_119 : memref<1x16xf32, #tpu.memory_space<hbm>> -> memref<16xf32, #tpu.memory_space<hbm>>
      tpu.wait_dma2 semaphore(%run_scoped3A : memref<!tpu.dma_semaphore, #tpu.memory_space<semaphore_mem>>) src(%dma_wait3A_120 : memref<16xf32, #tpu.memory_space<hbm>>) dst(%arg16 : memref<16xf32, #tpu.memory_space<vmem>>)
      tpu.yield
    }) : () -> ()
    "tpu.region"() ({
      %run_scoped3A = tpu.sem_alloc : memref<!tpu.dma_semaphore, #tpu.memory_space<semaphore_mem>>
      %dma_start3A_109 = arith.constant 0 : i32
      %dma_start3A_110 = tpu.memref_slice %arg4[%add3A, %dma_start3A_109] : memref<32x16xf32, #tpu.memory_space<hbm>> -> memref<1x16xf32, #tpu.memory_space<hbm>>
      %dma_start3A_111 = tpu.memref_squeeze %dma_start3A_110 : memref<1x16xf32, #tpu.memory_space<hbm>> -> memref<16xf32, #tpu.memory_space<hbm>>
      %dma_start3A_112 = arith.constant 0 : i32
      %dma_start3A_113 = tpu.memref_slice %arg4[%add3A, %dma_start3A_112] : memref<32x16xf32, #tpu.memory_space<hbm>> -> memref<1x16xf32, #tpu.memory_space<hbm>>
      %dma_start3A_114 = tpu.memref_squeeze %dma_start3A_113 : memref<1x16xf32, #tpu.memory_space<hbm>> -> memref<16xf32, #tpu.memory_space<hbm>>
      tpu.enqueue_dma source(%dma_start3A_114 : memref<16xf32, #tpu.memory_space<hbm>>) target(%arg17 : memref<16xf32, #tpu.memory_space<vmem>>) target_semaphore(%run_scoped3A : memref<!tpu.dma_semaphore, #tpu.memory_space<semaphore_mem>>)
      %dma_wait3A_115 = arith.constant 0 : i32
      %dma_wait3A_116 = tpu.memref_slice %arg4[%add3A, %dma_wait3A_115] : memref<32x16xf32, #tpu.memory_space<hbm>> -> memref<1x16xf32, #tpu.memory_space<hbm>>
      %dma_wait3A_117 = tpu.memref_squeeze %dma_wait3A_116 : memref<1x16xf32, #tpu.memory_space<hbm>> -> memref<16xf32, #tpu.memory_space<hbm>>
      %dma_wait3A_118 = arith.constant 0 : i32
      %dma_wait3A_119 = tpu.memref_slice %arg4[%add3A, %dma_wait3A_118] : memref<32x16xf32, #tpu.memory_space<hbm>> -> memref<1x16xf32, #tpu.memory_space<hbm>>
      %dma_wait3A_120 = tpu.memref_squeeze %dma_wait3A_119 : memref<1x16xf32, #tpu.memory_space<hbm>> -> memref<16xf32, #tpu.memory_space<hbm>>
      tpu.wait_dma2 semaphore(%run_scoped3A : memref<!tpu.dma_semaphore, #tpu.memory_space<semaphore_mem>>) src(%dma_wait3A_120 : memref<16xf32, #tpu.memory_space<hbm>>) dst(%arg17 : memref<16xf32, #tpu.memory_space<vmem>>)
      tpu.yield
    }) : () -> ()
    "tpu.region"() ({
      %run_scoped3A = tpu.sem_alloc : memref<!tpu.dma_semaphore, #tpu.memory_space<semaphore_mem>>
      tpu.enqueue_dma source(%arg5 : memref<2x16xf32, #tpu.memory_space<hbm>>) target(%arg11 : memref<2x16xf32, #tpu.memory_space<vmem>>) target_semaphore(%run_scoped3A : memref<!tpu.dma_semaphore, #tpu.memory_space<semaphore_mem>>)
      tpu.wait_dma2 semaphore(%run_scoped3A : memref<!tpu.dma_semaphore, #tpu.memory_space<semaphore_mem>>) src(%arg5 : memref<2x16xf32, #tpu.memory_space<hbm>>) dst(%arg11 : memref<2x16xf32, #tpu.memory_space<vmem>>)
      tpu.yield
    }) : () -> ()
    "tpu.region"() ({
      %run_scoped3A = tpu.sem_alloc : memref<!tpu.dma_semaphore, #tpu.memory_space<semaphore_mem>>
      tpu.enqueue_dma source(%arg6 : memref<2x16xf32, #tpu.memory_space<hbm>>) target(%arg12 : memref<2x16xf32, #tpu.memory_space<vmem>>) target_semaphore(%run_scoped3A : memref<!tpu.dma_semaphore, #tpu.memory_space<semaphore_mem>>)
      tpu.wait_dma2 semaphore(%run_scoped3A : memref<!tpu.dma_semaphore, #tpu.memory_space<semaphore_mem>>) src(%arg6 : memref<2x16xf32, #tpu.memory_space<hbm>>) dst(%arg12 : memref<2x16xf32, #tpu.memory_space<vmem>>)
      tpu.yield
    }) : () -> ()
    "tpu.region"() ({
      %run_scoped3A = tpu.sem_alloc : memref<!tpu.dma_semaphore, #tpu.memory_space<semaphore_mem>>
      tpu.enqueue_dma source(%arg7 : memref<2x16xf32, #tpu.memory_space<hbm>>) target(%arg13 : memref<2x16xf32, #tpu.memory_space<vmem>>) target_semaphore(%run_scoped3A : memref<!tpu.dma_semaphore, #tpu.memory_space<semaphore_mem>>)
      tpu.wait_dma2 semaphore(%run_scoped3A : memref<!tpu.dma_semaphore, #tpu.memory_space<semaphore_mem>>) src(%arg7 : memref<2x16xf32, #tpu.memory_space<hbm>>) dst(%arg13 : memref<2x16xf32, #tpu.memory_space<vmem>>)
      tpu.yield
    }) : () -> ()
    "tpu.region"() ({
      %run_scoped3A = tpu.sem_alloc : memref<!tpu.dma_semaphore, #tpu.memory_space<semaphore_mem>>
      tpu.enqueue_dma source(%arg8 : memref<2x16xf32, #tpu.memory_space<hbm>>) target(%arg14 : memref<2x16xf32, #tpu.memory_space<vmem>>) target_semaphore(%run_scoped3A : memref<!tpu.dma_semaphore, #tpu.memory_space<semaphore_mem>>)
      tpu.wait_dma2 semaphore(%run_scoped3A : memref<!tpu.dma_semaphore, #tpu.memory_space<semaphore_mem>>) src(%arg8 : memref<2x16xf32, #tpu.memory_space<hbm>>) dst(%arg14 : memref<2x16xf32, #tpu.memory_space<vmem>>)
      tpu.yield
    }) : () -> ()
    %dma_start3A = arith.constant 0 : i32
    %dma_start3A_13 = arith.constant 0 : i32
    %dma_start3A_14 = tpu.memref_slice %arg9[%dma_start3A, %dma_start3A_13] : memref<2000x2000xf32, #tpu.memory_space<hbm>> -> memref<2000x2000xf32, #tpu.memory_space<hbm>>
    tpu.enqueue_indirect_dma source(%dma_start3A_14 : memref<2000x2000xf32, #tpu.memory_space<hbm>>) target(%arg18 : memref<8x2000xf32, #tpu.memory_space<vmem>>) offsets(%arg15 : memref<8xi32, #tpu.memory_space<vmem>>) semaphore(%arg20 : memref<!tpu.dma_semaphore, #tpu.memory_space<semaphore_mem>>)
    %dma_wait3A = arith.constant 0 : i32
    %dma_wait3A_15 = arith.constant 0 : i32
    %dma_wait3A_16 = tpu.memref_slice %arg9[%dma_wait3A, %dma_wait3A_15] : memref<2000x2000xf32, #tpu.memory_space<hbm>> -> memref<2000x2000xf32, #tpu.memory_space<hbm>>
    tpu.wait_indirect_dma semaphore(%arg20 : memref<!tpu.dma_semaphore, #tpu.memory_space<semaphore_mem>>) src(%dma_wait3A_16 : memref<2000x2000xf32, #tpu.memory_space<hbm>>) dst(%arg18 : memref<8x2000xf32, #tpu.memory_space<vmem>>)
    %get3A = arith.constant 0 : i32
    %get3A_17 = arith.index_cast %get3A : i32 to index
    %get3A_18 = arith.constant 0 : index
    %get3A_19 = tpu.vector_load %arg11[%get3A_17, %get3A_18] {strides = array<i32>} : memref<2x16xf32, #tpu.memory_space<vmem>>, vector<1x16xf32>,
    %get3A_20 = vector.shape_cast %get3A_19 : vector<1x16xf32> to vector<16xf32>
    %get3A_21 = arith.constant 1 : i32
    %get3A_22 = arith.index_cast %get3A_21 : i32 to index
    %get3A_23 = arith.constant 0 : index
    %get3A_24 = tpu.vector_load %arg11[%get3A_22, %get3A_23] {strides = array<i32>} : memref<2x16xf32, #tpu.memory_space<vmem>>, vector<1x16xf32>,
    %get3A_25 = vector.shape_cast %get3A_24 : vector<1x16xf32> to vector<16xf32>
    %get3A_26 = arith.constant 0 : i32
    %get3A_27 = arith.index_cast %get3A_26 : i32 to index
    %get3A_28 = arith.constant 0 : index
    %get3A_29 = tpu.vector_load %arg12[%get3A_27, %get3A_28] {strides = array<i32>} : memref<2x16xf32, #tpu.memory_space<vmem>>, vector<1x16xf32>,
    %get3A_30 = vector.shape_cast %get3A_29 : vector<1x16xf32> to vector<16xf32>
    %get3A_31 = arith.constant 1 : i32
    %get3A_32 = arith.index_cast %get3A_31 : i32 to index
    %get3A_33 = arith.constant 0 : index
    %get3A_34 = tpu.vector_load %arg12[%get3A_32, %get3A_33] {strides = array<i32>} : memref<2x16xf32, #tpu.memory_space<vmem>>, vector<1x16xf32>,
    %get3A_35 = vector.shape_cast %get3A_34 : vector<1x16xf32> to vector<16xf32>
    %get3A_36 = arith.constant 0 : i32
    %get3A_37 = arith.index_cast %get3A_36 : i32 to index
    %get3A_38 = arith.constant 0 : index
    %get3A_39 = tpu.vector_load %arg13[%get3A_37, %get3A_38] {strides = array<i32>} : memref<2x16xf32, #tpu.memory_space<vmem>>, vector<1x16xf32>,
    %get3A_40 = vector.shape_cast %get3A_39 : vector<1x16xf32> to vector<16xf32>
    %get3A_41 = arith.constant 1 : i32
    %get3A_42 = arith.index_cast %get3A_41 : i32 to index
    %get3A_43 = arith.constant 0 : index
    %get3A_44 = tpu.vector_load %arg13[%get3A_42, %get3A_43] {strides = array<i32>} : memref<2x16xf32, #tpu.memory_space<vmem>>, vector<1x16xf32>,
    %get3A_45 = vector.shape_cast %get3A_44 : vector<1x16xf32> to vector<16xf32>
    %get3A_46 = arith.constant 0 : i32
    %get3A_47 = arith.index_cast %get3A_46 : i32 to index
    %get3A_48 = arith.constant 0 : index
    %get3A_49 = tpu.vector_load %arg14[%get3A_47, %get3A_48] {strides = array<i32>} : memref<2x16xf32, #tpu.memory_space<vmem>>, vector<1x16xf32>,
    %get3A_50 = vector.shape_cast %get3A_49 : vector<1x16xf32> to vector<16xf32>
    %get3A_51 = arith.constant 1 : i32
    %get3A_52 = arith.index_cast %get3A_51 : i32 to index
    %get3A_53 = arith.constant 0 : index
    %get3A_54 = tpu.vector_load %arg14[%get3A_52, %get3A_53] {strides = array<i32>} : memref<2x16xf32, #tpu.memory_space<vmem>>, vector<1x16xf32>,
    %get3A_55 = vector.shape_cast %get3A_54 : vector<1x16xf32> to vector<16xf32>
    %get3A_56 = arith.constant 0 : index
    %get3A_57 = tpu.vector_load %arg16[%get3A_56] {strides = array<i32>} : memref<16xf32, #tpu.memory_space<vmem>>, vector<16xf32>,
    %get3A_58 = vector.shape_cast %get3A_57 : vector<16xf32> to vector<16xf32>
    %get3A_59 = arith.constant 0 : index
    %get3A_60 = tpu.vector_load %arg17[%get3A_59] {strides = array<i32>} : memref<16xf32, #tpu.memory_space<vmem>>, vector<16xf32>,
    %get3A_61 = vector.shape_cast %get3A_60 : vector<16xf32> to vector<16xf32>
    %gt3A = arith.constant 0 : i32
    %gt3A_62 = arith.cmpi sgt, %select_n3A_12, %gt3A : i32
    %convert_element_type3A = arith.extui %gt3A_62 : i1 to i32
    %cond3A = arith.constant 0 : i32
    %cond3A_63 = arith.cmpi ne, %convert_element_type3A, %cond3A : i32
    scf.if %cond3A_63 {
      %broadcast_in_dim3A = arith.constant 0 : i32
      %broadcast_in_dim3A_109 = vector.broadcast %broadcast_in_dim3A : i32 to vector<16x1xi32>
      %gather3A = vector.shape_cast %broadcast_in_dim3A_109 : vector<16x1xi32> to vector<16xi32>
      %gather3A_110 = tpu.dynamic_gather %get3A_58[%gather3A] in [0] : vector<16xf32>, vector<16xi32> -> vector<16xf32>
      %broadcast_in_dim3A_111 = arith.constant 0 : i32
      %broadcast_in_dim3A_112 = vector.broadcast %broadcast_in_dim3A_111 : i32 to vector<16x1xi32>
      %gather3A_113 = vector.shape_cast %broadcast_in_dim3A_112 : vector<16x1xi32> to vector<16xi32>
      %gather3A_114 = tpu.dynamic_gather %get3A_61[%gather3A_113] in [0] : vector<16xf32>, vector<16xi32> -> vector<16xf32>
      %sub3A_115 = arith.subf %get3A_25, %get3A_20 : vector<16xf32>
      %mul3A_116 = arith.mulf %gather3A_110, %sub3A_115 : vector<16xf32>
      %add3A_117 = arith.addf %get3A_20, %mul3A_116 : vector<16xf32>
      %sub3A_118 = arith.subf %get3A_35, %get3A_30 : vector<16xf32>
      %mul3A_119 = arith.mulf %gather3A_110, %sub3A_118 : vector<16xf32>
      %add3A_120 = arith.addf %get3A_30, %mul3A_119 : vector<16xf32>
      %sub3A_121 = arith.subf %get3A_45, %get3A_40 : vector<16xf32>
      %mul3A_122 = arith.mulf %gather3A_110, %sub3A_121 : vector<16xf32>
      %add3A_123 = arith.addf %get3A_40, %mul3A_122 : vector<16xf32>
      %sub3A_124 = arith.subf %get3A_55, %get3A_50 : vector<16xf32>
      %mul3A_125 = arith.mulf %gather3A_110, %sub3A_124 : vector<16xf32>
      %add3A_126 = arith.addf %get3A_50, %mul3A_125 : vector<16xf32>
      %add3A_127 = arith.addf %add3A_117, %add3A_123 : vector<16xf32>
      %sub3A_128 = arith.subf %add3A_126, %add3A_123 : vector<16xf32>
      %mul3A_129 = arith.constant 2.000000e-03 : f32
      %mul3A_130 = vector.broadcast %mul3A_129 : f32 to vector<16xf32>
      %mul3A_131 = arith.mulf %gather3A_114, %mul3A_130 : vector<16xf32>
      %mul3A_132 = arith.mulf %sub3A_128, %mul3A_131 : vector<16xf32>
      %add3A_133 = arith.addf %add3A_127, %mul3A_132 : vector<16xf32>
      %sub3A_134 = arith.subf %add3A_120, %add3A_117 : vector<16xf32>
      %mul3A_135 = arith.constant 0.00999999977 : f32
      %mul3A_136 = vector.broadcast %mul3A_135 : f32 to vector<16xf32>
      %mul3A_137 = arith.mulf %gather3A_110, %mul3A_136 : vector<16xf32>
      %mul3A_138 = arith.mulf %sub3A_134, %mul3A_137 : vector<16xf32>
      %scan3A = arith.constant 0 : i32
      %scan3A_139 = arith.constant 0 : i32
      %scan3A_140 = arith.constant 125 : i32
      %scan3A_141 = arith.addi %scan3A_139, %scan3A_140 : i32
      %scan3A_142 = arith.constant 1 : i32
      %scan3A_143 = scf.for %scan3A_145 = %scan3A_139 to %scan3A_141 step %scan3A_142 iter_args(%scan3A_146 = %scan3A) -> (i32)  : i32 {
        %mul3A_147 = arith.constant 16 : i32
        %mul3A_148 = arith.muli %scan3A_145, %mul3A_147 : i32
        %get3A_149 = arith.constant 0 : i32
        %get3A_150 = arith.index_cast %get3A_149 : i32 to index
        %get3A_151 = arith.index_cast %mul3A_148 : i32 to index
        %get3A_152 = tpu.vector_load %arg18[%get3A_150, %get3A_151] {strides = array<i32>} : memref<8x2000xf32, #tpu.memory_space<vmem>>, vector<1x16xf32>,
        %get3A_153 = vector.shape_cast %get3A_152 : vector<1x16xf32> to vector<16xf32>
        %broadcast_in_dim3A_154 = arith.constant 0 : i32
        %broadcast_in_dim3A_155 = vector.broadcast %broadcast_in_dim3A_154 : i32 to vector<16x1xi32>
        %gather3A_156 = vector.shape_cast %broadcast_in_dim3A_155 : vector<16x1xi32> to vector<16xi32>
        %gather3A_157 = tpu.dynamic_gather %get3A_153[%gather3A_156] in [0] : vector<16xf32>, vector<16xi32> -> vector<16xf32>
        %mul3A_158 = arith.mulf %mul3A_138, %gather3A_157 : vector<16xf32>
        %add3A_159 = arith.addf %add3A_133, %mul3A_158 : vector<16xf32>
        %mul3A_160 = arith.constant 16 : i32
        %mul3A_161 = arith.muli %scan3A_145, %mul3A_160 : i32
        %add3A_162 = arith.constant 0 : i32
        %add3A_163 = arith.addi %mul3A_161, %add3A_162 : i32
        %swap3A = arith.constant 0 : i32
        %swap3A_164 = arith.index_cast %swap3A : i32 to index
        %swap3A_165 = arith.index_cast %add3A_163 : i32 to index
        %swap3A_166 = arith.constant 0 : index
        %swap3A_167 = tpu.vector_load %arg19[%swap3A_164, %swap3A_165, %swap3A_166] {strides = array<i32>} : memref<3x2000x16xf32, #tpu.memory_space<vmem>>, vector<1x1x16xf32>,
        %swap3A_168 = vector.shape_cast %swap3A_167 : vector<1x1x16xf32> to vector<16xf32>
        %swap3A_169 = vector.shape_cast %add3A_159 : vector<16xf32> to vector<1x1x16xf32>
        tpu.vector_store %arg19[%swap3A_164, %swap3A_165, %swap3A_166], %swap3A_169 {strides = array<i32>} : memref<3x2000x16xf32, #tpu.memory_space<vmem>>, vector<1x1x16xf32>,
        %broadcast_in_dim3A_170 = arith.constant 1 : i32
        %broadcast_in_dim3A_171 = vector.broadcast %broadcast_in_dim3A_170 : i32 to vector<16x1xi32>
        %gather3A_172 = vector.shape_cast %broadcast_in_dim3A_171 : vector<16x1xi32> to vector<16xi32>
        %gather3A_173 = tpu.dynamic_gather %get3A_153[%gather3A_172] in [0] : vector<16xf32>, vector<16xi32> -> vector<16xf32>
        %mul3A_174 = arith.mulf %mul3A_138, %gather3A_173 : vector<16xf32>
        %add3A_175 = arith.addf %add3A_133, %mul3A_174 : vector<16xf32>
        %mul3A_176 = arith.constant 16 : i32
        %mul3A_177 = arith.muli %scan3A_145, %mul3A_176 : i32
        %add3A_178 = arith.constant 1 : i32
        %add3A_179 = arith.addi %mul3A_177, %add3A_178 : i32
        %swap3A_180 = arith.constant 0 : i32
        %swap3A_181 = arith.index_cast %swap3A_180 : i32 to index
        %swap3A_182 = arith.index_cast %add3A_179 : i32 to index
        %swap3A_183 = arith.constant 0 : index
        %swap3A_184 = tpu.vector_load %arg19[%swap3A_181, %swap3A_182, %swap3A_183] {strides = array<i32>} : memref<3x2000x16xf32, #tpu.memory_space<vmem>>, vector<1x1x16xf32>,
        %swap3A_185 = vector.shape_cast %swap3A_184 : vector<1x1x16xf32> to vector<16xf32>
        %swap3A_186 = vector.shape_cast %add3A_175 : vector<16xf32> to vector<1x1x16xf32>
        tpu.vector_store %arg19[%swap3A_181, %swap3A_182, %swap3A_183], %swap3A_186 {strides = array<i32>} : memref<3x2000x16xf32, #tpu.memory_space<vmem>>, vector<1x1x16xf32>,
        %broadcast_in_dim3A_187 = arith.constant 2 : i32
        %broadcast_in_dim3A_188 = vector.broadcast %broadcast_in_dim3A_187 : i32 to vector<16x1xi32>
        %gather3A_189 = vector.shape_cast %broadcast_in_dim3A_188 : vector<16x1xi32> to vector<16xi32>
        %gather3A_190 = tpu.dynamic_gather %get3A_153[%gather3A_189] in [0] : vector<16xf32>, vector<16xi32> -> vector<16xf32>
        %mul3A_191 = arith.mulf %mul3A_138, %gather3A_190 : vector<16xf32>
        %add3A_192 = arith.addf %add3A_133, %mul3A_191 : vector<16xf32>
        %mul3A_193 = arith.constant 16 : i32
        %mul3A_194 = arith.muli %scan3A_145, %mul3A_193 : i32
        %add3A_195 = arith.constant 2 : i32
        %add3A_196 = arith.addi %mul3A_194, %add3A_195 : i32
        %swap3A_197 = arith.constant 0 : i32
        %swap3A_198 = arith.index_cast %swap3A_197 : i32 to index
        %swap3A_199 = arith.index_cast %add3A_196 : i32 to index
        %swap3A_200 = arith.constant 0 : index
        %swap3A_201 = tpu.vector_load %arg19[%swap3A_198, %swap3A_199, %swap3A_200] {strides = array<i32>} : memref<3x2000x16xf32, #tpu.memory_space<vmem>>, vector<1x1x16xf32>,
        %swap3A_202 = vector.shape_cast %swap3A_201 : vector<1x1x16xf32> to vector<16xf32>
        %swap3A_203 = vector.shape_cast %add3A_192 : vector<16xf32> to vector<1x1x16xf32>
        tpu.vector_store %arg19[%swap3A_198, %swap3A_199, %swap3A_200], %swap3A_203 {strides = array<i32>} : memref<3x2000x16xf32, #tpu.memory_space<vmem>>, vector<1x1x16xf32>,
        %broadcast_in_dim3A_204 = arith.constant 3 : i32
        %broadcast_in_dim3A_205 = vector.broadcast %broadcast_in_dim3A_204 : i32 to vector<16x1xi32>
        %gather3A_206 = vector.shape_cast %broadcast_in_dim3A_205 : vector<16x1xi32> to vector<16xi32>
        %gather3A_207 = tpu.dynamic_gather %get3A_153[%gather3A_206] in [0] : vector<16xf32>, vector<16xi32> -> vector<16xf32>
        %mul3A_208 = arith.mulf %mul3A_138, %gather3A_207 : vector<16xf32>
        %add3A_209 = arith.addf %add3A_133, %mul3A_208 : vector<16xf32>
        %mul3A_210 = arith.constant 16 : i32
        %mul3A_211 = arith.muli %scan3A_145, %mul3A_210 : i32
        %add3A_212 = arith.constant 3 : i32
        %add3A_213 = arith.addi %mul3A_211, %add3A_212 : i32
        %swap3A_214 = arith.constant 0 : i32
        %swap3A_215 = arith.index_cast %swap3A_214 : i32 to index
        %swap3A_216 = arith.index_cast %add3A_213 : i32 to index
        %swap3A_217 = arith.constant 0 : index
        %swap3A_218 = tpu.vector_load %arg19[%swap3A_215, %swap3A_216, %swap3A_217] {strides = array<i32>} : memref<3x2000x16xf32, #tpu.memory_space<vmem>>, vector<1x1x16xf32>,
        %swap3A_219 = vector.shape_cast %swap3A_218 : vector<1x1x16xf32> to vector<16xf32>
        %swap3A_220 = vector.shape_cast %add3A_209 : vector<16xf32> to vector<1x1x16xf32>
        tpu.vector_store %arg19[%swap3A_215, %swap3A_216, %swap3A_217], %swap3A_220 {strides = array<i32>} : memref<3x2000x16xf32, #tpu.memory_space<vmem>>, vector<1x1x16xf32>,
        %broadcast_in_dim3A_221 = arith.constant 4 : i32
        %broadcast_in_dim3A_222 = vector.broadcast %broadcast_in_dim3A_221 : i32 to vector<16x1xi32>
        %gather3A_223 = vector.shape_cast %broadcast_in_dim3A_222 : vector<16x1xi32> to vector<16xi32>
        %gather3A_224 = tpu.dynamic_gather %get3A_153[%gather3A_223] in [0] : vector<16xf32>, vector<16xi32> -> vector<16xf32>
        %mul3A_225 = arith.mulf %mul3A_138, %gather3A_224 : vector<16xf32>
        %add3A_226 = arith.addf %add3A_133, %mul3A_225 : vector<16xf32>
        %mul3A_227 = arith.constant 16 : i32
        %mul3A_228 = arith.muli %scan3A_145, %mul3A_227 : i32
        %add3A_229 = arith.constant 4 : i32
        %add3A_230 = arith.addi %mul3A_228, %add3A_229 : i32
        %swap3A_231 = arith.constant 0 : i32
        %swap3A_232 = arith.index_cast %swap3A_231 : i32 to index
        %swap3A_233 = arith.index_cast %add3A_230 : i32 to index
        %swap3A_234 = arith.constant 0 : index
        %swap3A_235 = tpu.vector_load %arg19[%swap3A_232, %swap3A_233, %swap3A_234] {strides = array<i32>} : memref<3x2000x16xf32, #tpu.memory_space<vmem>>, vector<1x1x16xf32>,
        %swap3A_236 = vector.shape_cast %swap3A_235 : vector<1x1x16xf32> to vector<16xf32>
        %swap3A_237 = vector.shape_cast %add3A_226 : vector<16xf32> to vector<1x1x16xf32>
        tpu.vector_store %arg19[%swap3A_232, %swap3A_233, %swap3A_234], %swap3A_237 {strides = array<i32>} : memref<3x2000x16xf32, #tpu.memory_space<vmem>>, vector<1x1x16xf32>,
        %broadcast_in_dim3A_238 = arith.constant 5 : i32
        %broadcast_in_dim3A_239 = vector.broadcast %broadcast_in_dim3A_238 : i32 to vector<16x1xi32>
        %gather3A_240 = vector.shape_cast %broadcast_in_dim3A_239 : vector<16x1xi32> to vector<16xi32>
        %gather3A_241 = tpu.dynamic_gather %get3A_153[%gather3A_240] in [0] : vector<16xf32>, vector<16xi32> -> vector<16xf32>
        %mul3A_242 = arith.mulf %mul3A_138, %gather3A_241 : vector<16xf32>
        %add3A_243 = arith.addf %add3A_133, %mul3A_242 : vector<16xf32>
        %mul3A_244 = arith.constant 16 : i32
        %mul3A_245 = arith.muli %scan3A_145, %mul3A_244 : i32
        %add3A_246 = arith.constant 5 : i32
        %add3A_247 = arith.addi %mul3A_245, %add3A_246 : i32
        %swap3A_248 = arith.constant 0 : i32
        %swap3A_249 = arith.index_cast %swap3A_248 : i32 to index
        %swap3A_250 = arith.index_cast %add3A_247 : i32 to index
        %swap3A_251 = arith.constant 0 : index
        %swap3A_252 = tpu.vector_load %arg19[%swap3A_249, %swap3A_250, %swap3A_251] {strides = array<i32>} : memref<3x2000x16xf32, #tpu.memory_space<vmem>>, vector<1x1x16xf32>,
        %swap3A_253 = vector.shape_cast %swap3A_252 : vector<1x1x16xf32> to vector<16xf32>
        %swap3A_254 = vector.shape_cast %add3A_243 : vector<16xf32> to vector<1x1x16xf32>
        tpu.vector_store %arg19[%swap3A_249, %swap3A_250, %swap3A_251], %swap3A_254 {strides = array<i32>} : memref<3x2000x16xf32, #tpu.memory_space<vmem>>, vector<1x1x16xf32>,
        %broadcast_in_dim3A_255 = arith.constant 6 : i32
        %broadcast_in_dim3A_256 = vector.broadcast %broadcast_in_dim3A_255 : i32 to vector<16x1xi32>
        %gather3A_257 = vector.shape_cast %broadcast_in_dim3A_256 : vector<16x1xi32> to vector<16xi32>
        %gather3A_258 = tpu.dynamic_gather %get3A_153[%gather3A_257] in [0] : vector<16xf32>, vector<16xi32> -> vector<16xf32>
        %mul3A_259 = arith.mulf %mul3A_138, %gather3A_258 : vector<16xf32>
        %add3A_260 = arith.addf %add3A_133, %mul3A_259 : vector<16xf32>
        %mul3A_261 = arith.constant 16 : i32
        %mul3A_262 = arith.muli %scan3A_145, %mul3A_261 : i32
        %add3A_263 = arith.constant 6 : i32
        %add3A_264 = arith.addi %mul3A_262, %add3A_263 : i32
        %swap3A_265 = arith.constant 0 : i32
        %swap3A_266 = arith.index_cast %swap3A_265 : i32 to index
        %swap3A_267 = arith.index_cast %add3A_264 : i32 to index
        %swap3A_268 = arith.constant 0 : index
        %swap3A_269 = tpu.vector_load %arg19[%swap3A_266, %swap3A_267, %swap3A_268] {strides = array<i32>} : memref<3x2000x16xf32, #tpu.memory_space<vmem>>, vector<1x1x16xf32>,
        %swap3A_270 = vector.shape_cast %swap3A_269 : vector<1x1x16xf32> to vector<16xf32>
        %swap3A_271 = vector.shape_cast %add3A_260 : vector<16xf32> to vector<1x1x16xf32>
        tpu.vector_store %arg19[%swap3A_266, %swap3A_267, %swap3A_268], %swap3A_271 {strides = array<i32>} : memref<3x2000x16xf32, #tpu.memory_space<vmem>>, vector<1x1x16xf32>,
        %broadcast_in_dim3A_272 = arith.constant 7 : i32
        %broadcast_in_dim3A_273 = vector.broadcast %broadcast_in_dim3A_272 : i32 to vector<16x1xi32>
        %gather3A_274 = vector.shape_cast %broadcast_in_dim3A_273 : vector<16x1xi32> to vector<16xi32>
        %gather3A_275 = tpu.dynamic_gather %get3A_153[%gather3A_274] in [0] : vector<16xf32>, vector<16xi32> -> vector<16xf32>
        %mul3A_276 = arith.mulf %mul3A_138, %gather3A_275 : vector<16xf32>
        %add3A_277 = arith.addf %add3A_133, %mul3A_276 : vector<16xf32>
        %mul3A_278 = arith.constant 16 : i32
        %mul3A_279 = arith.muli %scan3A_145, %mul3A_278 : i32
        %add3A_280 = arith.constant 7 : i32
        %add3A_281 = arith.addi %mul3A_279, %add3A_280 : i32
        %swap3A_282 = arith.constant 0 : i32
        %swap3A_283 = arith.index_cast %swap3A_282 : i32 to index
        %swap3A_284 = arith.index_cast %add3A_281 : i32 to index
        %swap3A_285 = arith.constant 0 : index
        %swap3A_286 = tpu.vector_load %arg19[%swap3A_283, %swap3A_284, %swap3A_285] {strides = array<i32>} : memref<3x2000x16xf32, #tpu.memory_space<vmem>>, vector<1x1x16xf32>,
        %swap3A_287 = vector.shape_cast %swap3A_286 : vector<1x1x16xf32> to vector<16xf32>
        %swap3A_288 = vector.shape_cast %add3A_277 : vector<16xf32> to vector<1x1x16xf32>
        tpu.vector_store %arg19[%swap3A_283, %swap3A_284, %swap3A_285], %swap3A_288 {strides = array<i32>} : memref<3x2000x16xf32, #tpu.memory_space<vmem>>, vector<1x1x16xf32>,
        %broadcast_in_dim3A_289 = arith.constant 8 : i32
        %broadcast_in_dim3A_290 = vector.broadcast %broadcast_in_dim3A_289 : i32 to vector<16x1xi32>
        %gather3A_291 = vector.shape_cast %broadcast_in_dim3A_290 : vector<16x1xi32> to vector<16xi32>
        %gather3A_292 = tpu.dynamic_gather %get3A_153[%gather3A_291] in [0] : vector<16xf32>, vector<16xi32> -> vector<16xf32>
        %mul3A_293 = arith.mulf %mul3A_138, %gather3A_292 : vector<16xf32>
        %add3A_294 = arith.addf %add3A_133, %mul3A_293 : vector<16xf32>
        %mul3A_295 = arith.constant 16 : i32
        %mul3A_296 = arith.muli %scan3A_145, %mul3A_295 : i32
        %add3A_297 = arith.constant 8 : i32
        %add3A_298 = arith.addi %mul3A_296, %add3A_297 : i32
        %swap3A_299 = arith.constant 0 : i32
        %swap3A_300 = arith.index_cast %swap3A_299 : i32 to index
        %swap3A_301 = arith.index_cast %add3A_298 : i32 to index
        %swap3A_302 = arith.constant 0 : index
        %swap3A_303 = tpu.vector_load %arg19[%swap3A_300, %swap3A_301, %swap3A_302] {strides = array<i32>} : memref<3x2000x16xf32, #tpu.memory_space<vmem>>, vector<1x1x16xf32>,
        %swap3A_304 = vector.shape_cast %swap3A_303 : vector<1x1x16xf32> to vector<16xf32>
        %swap3A_305 = vector.shape_cast %add3A_294 : vector<16xf32> to vector<1x1x16xf32>
        tpu.vector_store %arg19[%swap3A_300, %swap3A_301, %swap3A_302], %swap3A_305 {strides = array<i32>} : memref<3x2000x16xf32, #tpu.memory_space<vmem>>, vector<1x1x16xf32>,
        %broadcast_in_dim3A_306 = arith.constant 9 : i32
        %broadcast_in_dim3A_307 = vector.broadcast %broadcast_in_dim3A_306 : i32 to vector<16x1xi32>
        %gather3A_308 = vector.shape_cast %broadcast_in_dim3A_307 : vector<16x1xi32> to vector<16xi32>
        %gather3A_309 = tpu.dynamic_gather %get3A_153[%gather3A_308] in [0] : vector<16xf32>, vector<16xi32> -> vector<16xf32>
        %mul3A_310 = arith.mulf %mul3A_138, %gather3A_309 : vector<16xf32>
        %add3A_311 = arith.addf %add3A_133, %mul3A_310 : vector<16xf32>
        %mul3A_312 = arith.constant 16 : i32
        %mul3A_313 = arith.muli %scan3A_145, %mul3A_312 : i32
        %add3A_314 = arith.constant 9 : i32
        %add3A_315 = arith.addi %mul3A_313, %add3A_314 : i32
        %swap3A_316 = arith.constant 0 : i32
        %swap3A_317 = arith.index_cast %swap3A_316 : i32 to index
        %swap3A_318 = arith.index_cast %add3A_315 : i32 to index
        %swap3A_319 = arith.constant 0 : index
        %swap3A_320 = tpu.vector_load %arg19[%swap3A_317, %swap3A_318, %swap3A_319] {strides = array<i32>} : memref<3x2000x16xf32, #tpu.memory_space<vmem>>, vector<1x1x16xf32>,
        %swap3A_321 = vector.shape_cast %swap3A_320 : vector<1x1x16xf32> to vector<16xf32>
        %swap3A_322 = vector.shape_cast %add3A_311 : vector<16xf32> to vector<1x1x16xf32>
        tpu.vector_store %arg19[%swap3A_317, %swap3A_318, %swap3A_319], %swap3A_322 {strides = array<i32>} : memref<3x2000x16xf32, #tpu.memory_space<vmem>>, vector<1x1x16xf32>,
        %broadcast_in_dim3A_323 = arith.constant 10 : i32
        %broadcast_in_dim3A_324 = vector.broadcast %broadcast_in_dim3A_323 : i32 to vector<16x1xi32>
        %gather3A_325 = vector.shape_cast %broadcast_in_dim3A_324 : vector<16x1xi32> to vector<16xi32>
        %gather3A_326 = tpu.dynamic_gather %get3A_153[%gather3A_325] in [0] : vector<16xf32>, vector<16xi32> -> vector<16xf32>
        %mul3A_327 = arith.mulf %mul3A_138, %gather3A_326 : vector<16xf32>
        %add3A_328 = arith.addf %add3A_133, %mul3A_327 : vector<16xf32>
        %mul3A_329 = arith.constant 16 : i32
        %mul3A_330 = arith.muli %scan3A_145, %mul3A_329 : i32
        %add3A_331 = arith.constant 10 : i32
        %add3A_332 = arith.addi %mul3A_330, %add3A_331 : i32
        %swap3A_333 = arith.constant 0 : i32
        %swap3A_334 = arith.index_cast %swap3A_333 : i32 to index
        %swap3A_335 = arith.index_cast %add3A_332 : i32 to index
        %swap3A_336 = arith.constant 0 : index
        %swap3A_337 = tpu.vector_load %arg19[%swap3A_334, %swap3A_335, %swap3A_336] {strides = array<i32>} : memref<3x2000x16xf32, #tpu.memory_space<vmem>>, vector<1x1x16xf32>,
        %swap3A_338 = vector.shape_cast %swap3A_337 : vector<1x1x16xf32> to vector<16xf32>
        %swap3A_339 = vector.shape_cast %add3A_328 : vector<16xf32> to vector<1x1x16xf32>
        tpu.vector_store %arg19[%swap3A_334, %swap3A_335, %swap3A_336], %swap3A_339 {strides = array<i32>} : memref<3x2000x16xf32, #tpu.memory_space<vmem>>, vector<1x1x16xf32>,
        %broadcast_in_dim3A_340 = arith.constant 11 : i32
        %broadcast_in_dim3A_341 = vector.broadcast %broadcast_in_dim3A_340 : i32 to vector<16x1xi32>
        %gather3A_342 = vector.shape_cast %broadcast_in_dim3A_341 : vector<16x1xi32> to vector<16xi32>
        %gather3A_343 = tpu.dynamic_gather %get3A_153[%gather3A_342] in [0] : vector<16xf32>, vector<16xi32> -> vector<16xf32>
        %mul3A_344 = arith.mulf %mul3A_138, %gather3A_343 : vector<16xf32>
        %add3A_345 = arith.addf %add3A_133, %mul3A_344 : vector<16xf32>
        %mul3A_346 = arith.constant 16 : i32
        %mul3A_347 = arith.muli %scan3A_145, %mul3A_346 : i32
        %add3A_348 = arith.constant 11 : i32
        %add3A_349 = arith.addi %mul3A_347, %add3A_348 : i32
        %swap3A_350 = arith.constant 0 : i32
        %swap3A_351 = arith.index_cast %swap3A_350 : i32 to index
        %swap3A_352 = arith.index_cast %add3A_349 : i32 to index
        %swap3A_353 = arith.constant 0 : index
        %swap3A_354 = tpu.vector_load %arg19[%swap3A_351, %swap3A_352, %swap3A_353] {strides = array<i32>} : memref<3x2000x16xf32, #tpu.memory_space<vmem>>, vector<1x1x16xf32>,
        %swap3A_355 = vector.shape_cast %swap3A_354 : vector<1x1x16xf32> to vector<16xf32>
        %swap3A_356 = vector.shape_cast %add3A_345 : vector<16xf32> to vector<1x1x16xf32>
        tpu.vector_store %arg19[%swap3A_351, %swap3A_352, %swap3A_353], %swap3A_356 {strides = array<i32>} : memref<3x2000x16xf32, #tpu.memory_space<vmem>>, vector<1x1x16xf32>,
        %broadcast_in_dim3A_357 = arith.constant 12 : i32
        %broadcast_in_dim3A_358 = vector.broadcast %broadcast_in_dim3A_357 : i32 to vector<16x1xi32>
        %gather3A_359 = vector.shape_cast %broadcast_in_dim3A_358 : vector<16x1xi32> to vector<16xi32>
        %gather3A_360 = tpu.dynamic_gather %get3A_153[%gather3A_359] in [0] : vector<16xf32>, vector<16xi32> -> vector<16xf32>
        %mul3A_361 = arith.mulf %mul3A_138, %gather3A_360 : vector<16xf32>
        %add3A_362 = arith.addf %add3A_133, %mul3A_361 : vector<16xf32>
        %mul3A_363 = arith.constant 16 : i32
        %mul3A_364 = arith.muli %scan3A_145, %mul3A_363 : i32
        %add3A_365 = arith.constant 12 : i32
        %add3A_366 = arith.addi %mul3A_364, %add3A_365 : i32
        %swap3A_367 = arith.constant 0 : i32
        %swap3A_368 = arith.index_cast %swap3A_367 : i32 to index
        %swap3A_369 = arith.index_cast %add3A_366 : i32 to index
        %swap3A_370 = arith.constant 0 : index
        %swap3A_371 = tpu.vector_load %arg19[%swap3A_368, %swap3A_369, %swap3A_370] {strides = array<i32>} : memref<3x2000x16xf32, #tpu.memory_space<vmem>>, vector<1x1x16xf32>,
        %swap3A_372 = vector.shape_cast %swap3A_371 : vector<1x1x16xf32> to vector<16xf32>
        %swap3A_373 = vector.shape_cast %add3A_362 : vector<16xf32> to vector<1x1x16xf32>
        tpu.vector_store %arg19[%swap3A_368, %swap3A_369, %swap3A_370], %swap3A_373 {strides = array<i32>} : memref<3x2000x16xf32, #tpu.memory_space<vmem>>, vector<1x1x16xf32>,
        %broadcast_in_dim3A_374 = arith.constant 13 : i32
        %broadcast_in_dim3A_375 = vector.broadcast %broadcast_in_dim3A_374 : i32 to vector<16x1xi32>
        %gather3A_376 = vector.shape_cast %broadcast_in_dim3A_375 : vector<16x1xi32> to vector<16xi32>
        %gather3A_377 = tpu.dynamic_gather %get3A_153[%gather3A_376] in [0] : vector<16xf32>, vector<16xi32> -> vector<16xf32>
        %mul3A_378 = arith.mulf %mul3A_138, %gather3A_377 : vector<16xf32>
        %add3A_379 = arith.addf %add3A_133, %mul3A_378 : vector<16xf32>
        %mul3A_380 = arith.constant 16 : i32
        %mul3A_381 = arith.muli %scan3A_145, %mul3A_380 : i32
        %add3A_382 = arith.constant 13 : i32
        %add3A_383 = arith.addi %mul3A_381, %add3A_382 : i32
        %swap3A_384 = arith.constant 0 : i32
        %swap3A_385 = arith.index_cast %swap3A_384 : i32 to index
        %swap3A_386 = arith.index_cast %add3A_383 : i32 to index
        %swap3A_387 = arith.constant 0 : index
        %swap3A_388 = tpu.vector_load %arg19[%swap3A_385, %swap3A_386, %swap3A_387] {strides = array<i32>} : memref<3x2000x16xf32, #tpu.memory_space<vmem>>, vector<1x1x16xf32>,
        %swap3A_389 = vector.shape_cast %swap3A_388 : vector<1x1x16xf32> to vector<16xf32>
        %swap3A_390 = vector.shape_cast %add3A_379 : vector<16xf32> to vector<1x1x16xf32>
        tpu.vector_store %arg19[%swap3A_385, %swap3A_386, %swap3A_387], %swap3A_390 {strides = array<i32>} : memref<3x2000x16xf32, #tpu.memory_space<vmem>>, vector<1x1x16xf32>,
        %broadcast_in_dim3A_391 = arith.constant 14 : i32
        %broadcast_in_dim3A_392 = vector.broadcast %broadcast_in_dim3A_391 : i32 to vector<16x1xi32>
        %gather3A_393 = vector.shape_cast %broadcast_in_dim3A_392 : vector<16x1xi32> to vector<16xi32>
        %gather3A_394 = tpu.dynamic_gather %get3A_153[%gather3A_393] in [0] : vector<16xf32>, vector<16xi32> -> vector<16xf32>
        %mul3A_395 = arith.mulf %mul3A_138, %gather3A_394 : vector<16xf32>
        %add3A_396 = arith.addf %add3A_133, %mul3A_395 : vector<16xf32>
        %mul3A_397 = arith.constant 16 : i32
        %mul3A_398 = arith.muli %scan3A_145, %mul3A_397 : i32
        %add3A_399 = arith.constant 14 : i32
        %add3A_400 = arith.addi %mul3A_398, %add3A_399 : i32
        %swap3A_401 = arith.constant 0 : i32
        %swap3A_402 = arith.index_cast %swap3A_401 : i32 to index
        %swap3A_403 = arith.index_cast %add3A_400 : i32 to index
        %swap3A_404 = arith.constant 0 : index
        %swap3A_405 = tpu.vector_load %arg19[%swap3A_402, %swap3A_403, %swap3A_404] {strides = array<i32>} : memref<3x2000x16xf32, #tpu.memory_space<vmem>>, vector<1x1x16xf32>,
        %swap3A_406 = vector.shape_cast %swap3A_405 : vector<1x1x16xf32> to vector<16xf32>
        %swap3A_407 = vector.shape_cast %add3A_396 : vector<16xf32> to vector<1x1x16xf32>
        tpu.vector_store %arg19[%swap3A_402, %swap3A_403, %swap3A_404], %swap3A_407 {strides = array<i32>} : memref<3x2000x16xf32, #tpu.memory_space<vmem>>, vector<1x1x16xf32>,
        %broadcast_in_dim3A_408 = arith.constant 15 : i32
        %broadcast_in_dim3A_409 = vector.broadcast %broadcast_in_dim3A_408 : i32 to vector<16x1xi32>
        %gather3A_410 = vector.shape_cast %broadcast_in_dim3A_409 : vector<16x1xi32> to vector<16xi32>
        %gather3A_411 = tpu.dynamic_gather %get3A_153[%gather3A_410] in [0] : vector<16xf32>, vector<16xi32> -> vector<16xf32>
        %mul3A_412 = arith.mulf %mul3A_138, %gather3A_411 : vector<16xf32>
        %add3A_413 = arith.addf %add3A_133, %mul3A_412 : vector<16xf32>
        %mul3A_414 = arith.constant 16 : i32
        %mul3A_415 = arith.muli %scan3A_145, %mul3A_414 : i32
        %add3A_416 = arith.constant 15 : i32
        %add3A_417 = arith.addi %mul3A_415, %add3A_416 : i32
        %swap3A_418 = arith.constant 0 : i32
        %swap3A_419 = arith.index_cast %swap3A_418 : i32 to index
        %swap3A_420 = arith.index_cast %add3A_417 : i32 to index
        %swap3A_421 = arith.constant 0 : index
        %swap3A_422 = tpu.vector_load %arg19[%swap3A_419, %swap3A_420, %swap3A_421] {strides = array<i32>} : memref<3x2000x16xf32, #tpu.memory_space<vmem>>, vector<1x1x16xf32>,
        %swap3A_423 = vector.shape_cast %swap3A_422 : vector<1x1x16xf32> to vector<16xf32>
        %swap3A_424 = vector.shape_cast %add3A_413 : vector<16xf32> to vector<1x1x16xf32>
        tpu.vector_store %arg19[%swap3A_419, %swap3A_420, %swap3A_421], %swap3A_424 {strides = array<i32>} : memref<3x2000x16xf32, #tpu.memory_space<vmem>>, vector<1x1x16xf32>,
        %scan3A_425 = arith.constant 0 : i32
        scf.yield %scan3A_425 : i32
      }
      %scan3A_144 = arith.constant 125 : i32
    } else {
    }
    %gt3A_64 = arith.constant 1 : i32
    %gt3A_65 = arith.cmpi sgt, %select_n3A_12, %gt3A_64 : i32
    %convert_element_type3A_66 = arith.extui %gt3A_65 : i1 to i32
    %cond3A_67 = arith.constant 0 : i32
    %cond3A_68 = arith.cmpi ne, %convert_element_type3A_66, %cond3A_67 : i32
    scf.if %cond3A_68 {
      %broadcast_in_dim3A = arith.constant 1 : i32
      %broadcast_in_dim3A_109 = vector.broadcast %broadcast_in_dim3A : i32 to vector<16x1xi32>
      %gather3A = vector.shape_cast %broadcast_in_dim3A_109 : vector<16x1xi32> to vector<16xi32>
      %gather3A_110 = tpu.dynamic_gather %get3A_58[%gather3A] in [0] : vector<16xf32>, vector<16xi32> -> vector<16xf32>
      %broadcast_in_dim3A_111 = arith.constant 1 : i32
      %broadcast_in_dim3A_112 = vector.broadcast %broadcast_in_dim3A_111 : i32 to vector<16x1xi32>
      %gather3A_113 = vector.shape_cast %broadcast_in_dim3A_112 : vector<16x1xi32> to vector<16xi32>
      %gather3A_114 = tpu.dynamic_gather %get3A_61[%gather3A_113] in [0] : vector<16xf32>, vector<16xi32> -> vector<16xf32>
      %sub3A_115 = arith.subf %get3A_25, %get3A_20 : vector<16xf32>
      %mul3A_116 = arith.mulf %gather3A_110, %sub3A_115 : vector<16xf32>
      %add3A_117 = arith.addf %get3A_20, %mul3A_116 : vector<16xf32>
      %sub3A_118 = arith.subf %get3A_35, %get3A_30 : vector<16xf32>
      %mul3A_119 = arith.mulf %gather3A_110, %sub3A_118 : vector<16xf32>
      %add3A_120 = arith.addf %get3A_30, %mul3A_119 : vector<16xf32>
      %sub3A_121 = arith.subf %get3A_45, %get3A_40 : vector<16xf32>
      %mul3A_122 = arith.mulf %gather3A_110, %sub3A_121 : vector<16xf32>
      %add3A_123 = arith.addf %get3A_40, %mul3A_122 : vector<16xf32>
      %sub3A_124 = arith.subf %get3A_55, %get3A_50 : vector<16xf32>
      %mul3A_125 = arith.mulf %gather3A_110, %sub3A_124 : vector<16xf32>
      %add3A_126 = arith.addf %get3A_50, %mul3A_125 : vector<16xf32>
      %add3A_127 = arith.addf %add3A_117, %add3A_123 : vector<16xf32>
      %sub3A_128 = arith.subf %add3A_126, %add3A_123 : vector<16xf32>
      %mul3A_129 = arith.constant 2.000000e-03 : f32
      %mul3A_130 = vector.broadcast %mul3A_129 : f32 to vector<16xf32>
      %mul3A_131 = arith.mulf %gather3A_114, %mul3A_130 : vector<16xf32>
      %mul3A_132 = arith.mulf %sub3A_128, %mul3A_131 : vector<16xf32>
      %add3A_133 = arith.addf %add3A_127, %mul3A_132 : vector<16xf32>
      %sub3A_134 = arith.subf %add3A_120, %add3A_117 : vector<16xf32>
      %mul3A_135 = arith.constant 0.00999999977 : f32
      %mul3A_136 = vector.broadcast %mul3A_135 : f32 to vector<16xf32>
      %mul3A_137 = arith.mulf %gather3A_110, %mul3A_136 : vector<16xf32>
      %mul3A_138 = arith.mulf %sub3A_134, %mul3A_137 : vector<16xf32>
      %scan3A = arith.constant 0 : i32
      %scan3A_139 = arith.constant 0 : i32
      %scan3A_140 = arith.constant 125 : i32
      %scan3A_141 = arith.addi %scan3A_139, %scan3A_140 : i32
      %scan3A_142 = arith.constant 1 : i32
      %scan3A_143 = scf.for %scan3A_145 = %scan3A_139 to %scan3A_141 step %scan3A_142 iter_args(%scan3A_146 = %scan3A) -> (i32)  : i32 {
        %mul3A_147 = arith.constant 16 : i32
        %mul3A_148 = arith.muli %scan3A_145, %mul3A_147 : i32
        %get3A_149 = arith.constant 1 : i32
        %get3A_150 = arith.index_cast %get3A_149 : i32 to index
        %get3A_151 = arith.index_cast %mul3A_148 : i32 to index
        %get3A_152 = tpu.vector_load %arg18[%get3A_150, %get3A_151] {strides = array<i32>} : memref<8x2000xf32, #tpu.memory_space<vmem>>, vector<1x16xf32>,
        %get3A_153 = vector.shape_cast %get3A_152 : vector<1x16xf32> to vector<16xf32>
        %broadcast_in_dim3A_154 = arith.constant 0 : i32
        %broadcast_in_dim3A_155 = vector.broadcast %broadcast_in_dim3A_154 : i32 to vector<16x1xi32>
        %gather3A_156 = vector.shape_cast %broadcast_in_dim3A_155 : vector<16x1xi32> to vector<16xi32>
        %gather3A_157 = tpu.dynamic_gather %get3A_153[%gather3A_156] in [0] : vector<16xf32>, vector<16xi32> -> vector<16xf32>
        %mul3A_158 = arith.mulf %mul3A_138, %gather3A_157 : vector<16xf32>
        %add3A_159 = arith.addf %add3A_133, %mul3A_158 : vector<16xf32>
        %mul3A_160 = arith.constant 16 : i32
        %mul3A_161 = arith.muli %scan3A_145, %mul3A_160 : i32
        %add3A_162 = arith.constant 0 : i32
        %add3A_163 = arith.addi %mul3A_161, %add3A_162 : i32
        %swap3A = arith.constant 1 : i32
        %swap3A_164 = arith.index_cast %swap3A : i32 to index
        %swap3A_165 = arith.index_cast %add3A_163 : i32 to index
        %swap3A_166 = arith.constant 0 : index
        %swap3A_167 = tpu.vector_load %arg19[%swap3A_164, %swap3A_165, %swap3A_166] {strides = array<i32>} : memref<3x2000x16xf32, #tpu.memory_space<vmem>>, vector<1x1x16xf32>,
        %swap3A_168 = vector.shape_cast %swap3A_167 : vector<1x1x16xf32> to vector<16xf32>
        %swap3A_169 = vector.shape_cast %add3A_159 : vector<16xf32> to vector<1x1x16xf32>
        tpu.vector_store %arg19[%swap3A_164, %swap3A_165, %swap3A_166], %swap3A_169 {strides = array<i32>} : memref<3x2000x16xf32, #tpu.memory_space<vmem>>, vector<1x1x16xf32>,
        %broadcast_in_dim3A_170 = arith.constant 1 : i32
        %broadcast_in_dim3A_171 = vector.broadcast %broadcast_in_dim3A_170 : i32 to vector<16x1xi32>
        %gather3A_172 = vector.shape_cast %broadcast_in_dim3A_171 : vector<16x1xi32> to vector<16xi32>
        %gather3A_173 = tpu.dynamic_gather %get3A_153[%gather3A_172] in [0] : vector<16xf32>, vector<16xi32> -> vector<16xf32>
        %mul3A_174 = arith.mulf %mul3A_138, %gather3A_173 : vector<16xf32>
        %add3A_175 = arith.addf %add3A_133, %mul3A_174 : vector<16xf32>
        %mul3A_176 = arith.constant 16 : i32
        %mul3A_177 = arith.muli %scan3A_145, %mul3A_176 : i32
        %add3A_178 = arith.constant 1 : i32
        %add3A_179 = arith.addi %mul3A_177, %add3A_178 : i32
        %swap3A_180 = arith.constant 1 : i32
        %swap3A_181 = arith.index_cast %swap3A_180 : i32 to index
        %swap3A_182 = arith.index_cast %add3A_179 : i32 to index
        %swap3A_183 = arith.constant 0 : index
        %swap3A_184 = tpu.vector_load %arg19[%swap3A_181, %swap3A_182, %swap3A_183] {strides = array<i32>} : memref<3x2000x16xf32, #tpu.memory_space<vmem>>, vector<1x1x16xf32>,
        %swap3A_185 = vector.shape_cast %swap3A_184 : vector<1x1x16xf32> to vector<16xf32>
        %swap3A_186 = vector.shape_cast %add3A_175 : vector<16xf32> to vector<1x1x16xf32>
        tpu.vector_store %arg19[%swap3A_181, %swap3A_182, %swap3A_183], %swap3A_186 {strides = array<i32>} : memref<3x2000x16xf32, #tpu.memory_space<vmem>>, vector<1x1x16xf32>,
        %broadcast_in_dim3A_187 = arith.constant 2 : i32
        %broadcast_in_dim3A_188 = vector.broadcast %broadcast_in_dim3A_187 : i32 to vector<16x1xi32>
        %gather3A_189 = vector.shape_cast %broadcast_in_dim3A_188 : vector<16x1xi32> to vector<16xi32>
        %gather3A_190 = tpu.dynamic_gather %get3A_153[%gather3A_189] in [0] : vector<16xf32>, vector<16xi32> -> vector<16xf32>
        %mul3A_191 = arith.mulf %mul3A_138, %gather3A_190 : vector<16xf32>
        %add3A_192 = arith.addf %add3A_133, %mul3A_191 : vector<16xf32>
        %mul3A_193 = arith.constant 16 : i32
        %mul3A_194 = arith.muli %scan3A_145, %mul3A_193 : i32
        %add3A_195 = arith.constant 2 : i32
        %add3A_196 = arith.addi %mul3A_194, %add3A_195 : i32
        %swap3A_197 = arith.constant 1 : i32
        %swap3A_198 = arith.index_cast %swap3A_197 : i32 to index
        %swap3A_199 = arith.index_cast %add3A_196 : i32 to index
        %swap3A_200 = arith.constant 0 : index
        %swap3A_201 = tpu.vector_load %arg19[%swap3A_198, %swap3A_199, %swap3A_200] {strides = array<i32>} : memref<3x2000x16xf32, #tpu.memory_space<vmem>>, vector<1x1x16xf32>,
        %swap3A_202 = vector.shape_cast %swap3A_201 : vector<1x1x16xf32> to vector<16xf32>
        %swap3A_203 = vector.shape_cast %add3A_192 : vector<16xf32> to vector<1x1x16xf32>
        tpu.vector_store %arg19[%swap3A_198, %swap3A_199, %swap3A_200], %swap3A_203 {strides = array<i32>} : memref<3x2000x16xf32, #tpu.memory_space<vmem>>, vector<1x1x16xf32>,
        %broadcast_in_dim3A_204 = arith.constant 3 : i32
        %broadcast_in_dim3A_205 = vector.broadcast %broadcast_in_dim3A_204 : i32 to vector<16x1xi32>
        %gather3A_206 = vector.shape_cast %broadcast_in_dim3A_205 : vector<16x1xi32> to vector<16xi32>
        %gather3A_207 = tpu.dynamic_gather %get3A_153[%gather3A_206] in [0] : vector<16xf32>, vector<16xi32> -> vector<16xf32>
        %mul3A_208 = arith.mulf %mul3A_138, %gather3A_207 : vector<16xf32>
        %add3A_209 = arith.addf %add3A_133, %mul3A_208 : vector<16xf32>
        %mul3A_210 = arith.constant 16 : i32
        %mul3A_211 = arith.muli %scan3A_145, %mul3A_210 : i32
        %add3A_212 = arith.constant 3 : i32
        %add3A_213 = arith.addi %mul3A_211, %add3A_212 : i32
        %swap3A_214 = arith.constant 1 : i32
        %swap3A_215 = arith.index_cast %swap3A_214 : i32 to index
        %swap3A_216 = arith.index_cast %add3A_213 : i32 to index
        %swap3A_217 = arith.constant 0 : index
        %swap3A_218 = tpu.vector_load %arg19[%swap3A_215, %swap3A_216, %swap3A_217] {strides = array<i32>} : memref<3x2000x16xf32, #tpu.memory_space<vmem>>, vector<1x1x16xf32>,
        %swap3A_219 = vector.shape_cast %swap3A_218 : vector<1x1x16xf32> to vector<16xf32>
        %swap3A_220 = vector.shape_cast %add3A_209 : vector<16xf32> to vector<1x1x16xf32>
        tpu.vector_store %arg19[%swap3A_215, %swap3A_216, %swap3A_217], %swap3A_220 {strides = array<i32>} : memref<3x2000x16xf32, #tpu.memory_space<vmem>>, vector<1x1x16xf32>,
        %broadcast_in_dim3A_221 = arith.constant 4 : i32
        %broadcast_in_dim3A_222 = vector.broadcast %broadcast_in_dim3A_221 : i32 to vector<16x1xi32>
        %gather3A_223 = vector.shape_cast %broadcast_in_dim3A_222 : vector<16x1xi32> to vector<16xi32>
        %gather3A_224 = tpu.dynamic_gather %get3A_153[%gather3A_223] in [0] : vector<16xf32>, vector<16xi32> -> vector<16xf32>
        %mul3A_225 = arith.mulf %mul3A_138, %gather3A_224 : vector<16xf32>
        %add3A_226 = arith.addf %add3A_133, %mul3A_225 : vector<16xf32>
        %mul3A_227 = arith.constant 16 : i32
        %mul3A_228 = arith.muli %scan3A_145, %mul3A_227 : i32
        %add3A_229 = arith.constant 4 : i32
        %add3A_230 = arith.addi %mul3A_228, %add3A_229 : i32
        %swap3A_231 = arith.constant 1 : i32
        %swap3A_232 = arith.index_cast %swap3A_231 : i32 to index
        %swap3A_233 = arith.index_cast %add3A_230 : i32 to index
        %swap3A_234 = arith.constant 0 : index
        %swap3A_235 = tpu.vector_load %arg19[%swap3A_232, %swap3A_233, %swap3A_234] {strides = array<i32>} : memref<3x2000x16xf32, #tpu.memory_space<vmem>>, vector<1x1x16xf32>,
        %swap3A_236 = vector.shape_cast %swap3A_235 : vector<1x1x16xf32> to vector<16xf32>
        %swap3A_237 = vector.shape_cast %add3A_226 : vector<16xf32> to vector<1x1x16xf32>
        tpu.vector_store %arg19[%swap3A_232, %swap3A_233, %swap3A_234], %swap3A_237 {strides = array<i32>} : memref<3x2000x16xf32, #tpu.memory_space<vmem>>, vector<1x1x16xf32>,
        %broadcast_in_dim3A_238 = arith.constant 5 : i32
        %broadcast_in_dim3A_239 = vector.broadcast %broadcast_in_dim3A_238 : i32 to vector<16x1xi32>
        %gather3A_240 = vector.shape_cast %broadcast_in_dim3A_239 : vector<16x1xi32> to vector<16xi32>
        %gather3A_241 = tpu.dynamic_gather %get3A_153[%gather3A_240] in [0] : vector<16xf32>, vector<16xi32> -> vector<16xf32>
        %mul3A_242 = arith.mulf %mul3A_138, %gather3A_241 : vector<16xf32>
        %add3A_243 = arith.addf %add3A_133, %mul3A_242 : vector<16xf32>
        %mul3A_244 = arith.constant 16 : i32
        %mul3A_245 = arith.muli %scan3A_145, %mul3A_244 : i32
        %add3A_246 = arith.constant 5 : i32
        %add3A_247 = arith.addi %mul3A_245, %add3A_246 : i32
        %swap3A_248 = arith.constant 1 : i32
        %swap3A_249 = arith.index_cast %swap3A_248 : i32 to index
        %swap3A_250 = arith.index_cast %add3A_247 : i32 to index
        %swap3A_251 = arith.constant 0 : index
        %swap3A_252 = tpu.vector_load %arg19[%swap3A_249, %swap3A_250, %swap3A_251] {strides = array<i32>} : memref<3x2000x16xf32, #tpu.memory_space<vmem>>, vector<1x1x16xf32>,
        %swap3A_253 = vector.shape_cast %swap3A_252 : vector<1x1x16xf32> to vector<16xf32>
        %swap3A_254 = vector.shape_cast %add3A_243 : vector<16xf32> to vector<1x1x16xf32>
        tpu.vector_store %arg19[%swap3A_249, %swap3A_250, %swap3A_251], %swap3A_254 {strides = array<i32>} : memref<3x2000x16xf32, #tpu.memory_space<vmem>>, vector<1x1x16xf32>,
        %broadcast_in_dim3A_255 = arith.constant 6 : i32
        %broadcast_in_dim3A_256 = vector.broadcast %broadcast_in_dim3A_255 : i32 to vector<16x1xi32>
        %gather3A_257 = vector.shape_cast %broadcast_in_dim3A_256 : vector<16x1xi32> to vector<16xi32>
        %gather3A_258 = tpu.dynamic_gather %get3A_153[%gather3A_257] in [0] : vector<16xf32>, vector<16xi32> -> vector<16xf32>
        %mul3A_259 = arith.mulf %mul3A_138, %gather3A_258 : vector<16xf32>
        %add3A_260 = arith.addf %add3A_133, %mul3A_259 : vector<16xf32>
        %mul3A_261 = arith.constant 16 : i32
        %mul3A_262 = arith.muli %scan3A_145, %mul3A_261 : i32
        %add3A_263 = arith.constant 6 : i32
        %add3A_264 = arith.addi %mul3A_262, %add3A_263 : i32
        %swap3A_265 = arith.constant 1 : i32
        %swap3A_266 = arith.index_cast %swap3A_265 : i32 to index
        %swap3A_267 = arith.index_cast %add3A_264 : i32 to index
        %swap3A_268 = arith.constant 0 : index
        %swap3A_269 = tpu.vector_load %arg19[%swap3A_266, %swap3A_267, %swap3A_268] {strides = array<i32>} : memref<3x2000x16xf32, #tpu.memory_space<vmem>>, vector<1x1x16xf32>,
        %swap3A_270 = vector.shape_cast %swap3A_269 : vector<1x1x16xf32> to vector<16xf32>
        %swap3A_271 = vector.shape_cast %add3A_260 : vector<16xf32> to vector<1x1x16xf32>
        tpu.vector_store %arg19[%swap3A_266, %swap3A_267, %swap3A_268], %swap3A_271 {strides = array<i32>} : memref<3x2000x16xf32, #tpu.memory_space<vmem>>, vector<1x1x16xf32>,
        %broadcast_in_dim3A_272 = arith.constant 7 : i32
        %broadcast_in_dim3A_273 = vector.broadcast %broadcast_in_dim3A_272 : i32 to vector<16x1xi32>
        %gather3A_274 = vector.shape_cast %broadcast_in_dim3A_273 : vector<16x1xi32> to vector<16xi32>
        %gather3A_275 = tpu.dynamic_gather %get3A_153[%gather3A_274] in [0] : vector<16xf32>, vector<16xi32> -> vector<16xf32>
        %mul3A_276 = arith.mulf %mul3A_138, %gather3A_275 : vector<16xf32>
        %add3A_277 = arith.addf %add3A_133, %mul3A_276 : vector<16xf32>
        %mul3A_278 = arith.constant 16 : i32
        %mul3A_279 = arith.muli %scan3A_145, %mul3A_278 : i32
        %add3A_280 = arith.constant 7 : i32
        %add3A_281 = arith.addi %mul3A_279, %add3A_280 : i32
        %swap3A_282 = arith.constant 1 : i32
        %swap3A_283 = arith.index_cast %swap3A_282 : i32 to index
        %swap3A_284 = arith.index_cast %add3A_281 : i32 to index
        %swap3A_285 = arith.constant 0 : index
        %swap3A_286 = tpu.vector_load %arg19[%swap3A_283, %swap3A_284, %swap3A_285] {strides = array<i32>} : memref<3x2000x16xf32, #tpu.memory_space<vmem>>, vector<1x1x16xf32>,
        %swap3A_287 = vector.shape_cast %swap3A_286 : vector<1x1x16xf32> to vector<16xf32>
        %swap3A_288 = vector.shape_cast %add3A_277 : vector<16xf32> to vector<1x1x16xf32>
        tpu.vector_store %arg19[%swap3A_283, %swap3A_284, %swap3A_285], %swap3A_288 {strides = array<i32>} : memref<3x2000x16xf32, #tpu.memory_space<vmem>>, vector<1x1x16xf32>,
        %broadcast_in_dim3A_289 = arith.constant 8 : i32
        %broadcast_in_dim3A_290 = vector.broadcast %broadcast_in_dim3A_289 : i32 to vector<16x1xi32>
        %gather3A_291 = vector.shape_cast %broadcast_in_dim3A_290 : vector<16x1xi32> to vector<16xi32>
        %gather3A_292 = tpu.dynamic_gather %get3A_153[%gather3A_291] in [0] : vector<16xf32>, vector<16xi32> -> vector<16xf32>
        %mul3A_293 = arith.mulf %mul3A_138, %gather3A_292 : vector<16xf32>
        %add3A_294 = arith.addf %add3A_133, %mul3A_293 : vector<16xf32>
        %mul3A_295 = arith.constant 16 : i32
        %mul3A_296 = arith.muli %scan3A_145, %mul3A_295 : i32
        %add3A_297 = arith.constant 8 : i32
        %add3A_298 = arith.addi %mul3A_296, %add3A_297 : i32
        %swap3A_299 = arith.constant 1 : i32
        %swap3A_300 = arith.index_cast %swap3A_299 : i32 to index
        %swap3A_301 = arith.index_cast %add3A_298 : i32 to index
        %swap3A_302 = arith.constant 0 : index
        %swap3A_303 = tpu.vector_load %arg19[%swap3A_300, %swap3A_301, %swap3A_302] {strides = array<i32>} : memref<3x2000x16xf32, #tpu.memory_space<vmem>>, vector<1x1x16xf32>,
        %swap3A_304 = vector.shape_cast %swap3A_303 : vector<1x1x16xf32> to vector<16xf32>
        %swap3A_305 = vector.shape_cast %add3A_294 : vector<16xf32> to vector<1x1x16xf32>
        tpu.vector_store %arg19[%swap3A_300, %swap3A_301, %swap3A_302], %swap3A_305 {strides = array<i32>} : memref<3x2000x16xf32, #tpu.memory_space<vmem>>, vector<1x1x16xf32>,
        %broadcast_in_dim3A_306 = arith.constant 9 : i32
        %broadcast_in_dim3A_307 = vector.broadcast %broadcast_in_dim3A_306 : i32 to vector<16x1xi32>
        %gather3A_308 = vector.shape_cast %broadcast_in_dim3A_307 : vector<16x1xi32> to vector<16xi32>
        %gather3A_309 = tpu.dynamic_gather %get3A_153[%gather3A_308] in [0] : vector<16xf32>, vector<16xi32> -> vector<16xf32>
        %mul3A_310 = arith.mulf %mul3A_138, %gather3A_309 : vector<16xf32>
        %add3A_311 = arith.addf %add3A_133, %mul3A_310 : vector<16xf32>
        %mul3A_312 = arith.constant 16 : i32
        %mul3A_313 = arith.muli %scan3A_145, %mul3A_312 : i32
        %add3A_314 = arith.constant 9 : i32
        %add3A_315 = arith.addi %mul3A_313, %add3A_314 : i32
        %swap3A_316 = arith.constant 1 : i32
        %swap3A_317 = arith.index_cast %swap3A_316 : i32 to index
        %swap3A_318 = arith.index_cast %add3A_315 : i32 to index
        %swap3A_319 = arith.constant 0 : index
        %swap3A_320 = tpu.vector_load %arg19[%swap3A_317, %swap3A_318, %swap3A_319] {strides = array<i32>} : memref<3x2000x16xf32, #tpu.memory_space<vmem>>, vector<1x1x16xf32>,
        %swap3A_321 = vector.shape_cast %swap3A_320 : vector<1x1x16xf32> to vector<16xf32>
        %swap3A_322 = vector.shape_cast %add3A_311 : vector<16xf32> to vector<1x1x16xf32>
        tpu.vector_store %arg19[%swap3A_317, %swap3A_318, %swap3A_319], %swap3A_322 {strides = array<i32>} : memref<3x2000x16xf32, #tpu.memory_space<vmem>>, vector<1x1x16xf32>,
        %broadcast_in_dim3A_323 = arith.constant 10 : i32
        %broadcast_in_dim3A_324 = vector.broadcast %broadcast_in_dim3A_323 : i32 to vector<16x1xi32>
        %gather3A_325 = vector.shape_cast %broadcast_in_dim3A_324 : vector<16x1xi32> to vector<16xi32>
        %gather3A_326 = tpu.dynamic_gather %get3A_153[%gather3A_325] in [0] : vector<16xf32>, vector<16xi32> -> vector<16xf32>
        %mul3A_327 = arith.mulf %mul3A_138, %gather3A_326 : vector<16xf32>
        %add3A_328 = arith.addf %add3A_133, %mul3A_327 : vector<16xf32>
        %mul3A_329 = arith.constant 16 : i32
        %mul3A_330 = arith.muli %scan3A_145, %mul3A_329 : i32
        %add3A_331 = arith.constant 10 : i32
        %add3A_332 = arith.addi %mul3A_330, %add3A_331 : i32
        %swap3A_333 = arith.constant 1 : i32
        %swap3A_334 = arith.index_cast %swap3A_333 : i32 to index
        %swap3A_335 = arith.index_cast %add3A_332 : i32 to index
        %swap3A_336 = arith.constant 0 : index
        %swap3A_337 = tpu.vector_load %arg19[%swap3A_334, %swap3A_335, %swap3A_336] {strides = array<i32>} : memref<3x2000x16xf32, #tpu.memory_space<vmem>>, vector<1x1x16xf32>,
        %swap3A_338 = vector.shape_cast %swap3A_337 : vector<1x1x16xf32> to vector<16xf32>
        %swap3A_339 = vector.shape_cast %add3A_328 : vector<16xf32> to vector<1x1x16xf32>
        tpu.vector_store %arg19[%swap3A_334, %swap3A_335, %swap3A_336], %swap3A_339 {strides = array<i32>} : memref<3x2000x16xf32, #tpu.memory_space<vmem>>, vector<1x1x16xf32>,
        %broadcast_in_dim3A_340 = arith.constant 11 : i32
        %broadcast_in_dim3A_341 = vector.broadcast %broadcast_in_dim3A_340 : i32 to vector<16x1xi32>
        %gather3A_342 = vector.shape_cast %broadcast_in_dim3A_341 : vector<16x1xi32> to vector<16xi32>
        %gather3A_343 = tpu.dynamic_gather %get3A_153[%gather3A_342] in [0] : vector<16xf32>, vector<16xi32> -> vector<16xf32>
        %mul3A_344 = arith.mulf %mul3A_138, %gather3A_343 : vector<16xf32>
        %add3A_345 = arith.addf %add3A_133, %mul3A_344 : vector<16xf32>
        %mul3A_346 = arith.constant 16 : i32
        %mul3A_347 = arith.muli %scan3A_145, %mul3A_346 : i32
        %add3A_348 = arith.constant 11 : i32
        %add3A_349 = arith.addi %mul3A_347, %add3A_348 : i32
        %swap3A_350 = arith.constant 1 : i32
        %swap3A_351 = arith.index_cast %swap3A_350 : i32 to index
        %swap3A_352 = arith.index_cast %add3A_349 : i32 to index
        %swap3A_353 = arith.constant 0 : index
        %swap3A_354 = tpu.vector_load %arg19[%swap3A_351, %swap3A_352, %swap3A_353] {strides = array<i32>} : memref<3x2000x16xf32, #tpu.memory_space<vmem>>, vector<1x1x16xf32>,
        %swap3A_355 = vector.shape_cast %swap3A_354 : vector<1x1x16xf32> to vector<16xf32>
        %swap3A_356 = vector.shape_cast %add3A_345 : vector<16xf32> to vector<1x1x16xf32>
        tpu.vector_store %arg19[%swap3A_351, %swap3A_352, %swap3A_353], %swap3A_356 {strides = array<i32>} : memref<3x2000x16xf32, #tpu.memory_space<vmem>>, vector<1x1x16xf32>,
        %broadcast_in_dim3A_357 = arith.constant 12 : i32
        %broadcast_in_dim3A_358 = vector.broadcast %broadcast_in_dim3A_357 : i32 to vector<16x1xi32>
        %gather3A_359 = vector.shape_cast %broadcast_in_dim3A_358 : vector<16x1xi32> to vector<16xi32>
        %gather3A_360 = tpu.dynamic_gather %get3A_153[%gather3A_359] in [0] : vector<16xf32>, vector<16xi32> -> vector<16xf32>
        %mul3A_361 = arith.mulf %mul3A_138, %gather3A_360 : vector<16xf32>
        %add3A_362 = arith.addf %add3A_133, %mul3A_361 : vector<16xf32>
        %mul3A_363 = arith.constant 16 : i32
        %mul3A_364 = arith.muli %scan3A_145, %mul3A_363 : i32
        %add3A_365 = arith.constant 12 : i32
        %add3A_366 = arith.addi %mul3A_364, %add3A_365 : i32
        %swap3A_367 = arith.constant 1 : i32
        %swap3A_368 = arith.index_cast %swap3A_367 : i32 to index
        %swap3A_369 = arith.index_cast %add3A_366 : i32 to index
        %swap3A_370 = arith.constant 0 : index
        %swap3A_371 = tpu.vector_load %arg19[%swap3A_368, %swap3A_369, %swap3A_370] {strides = array<i32>} : memref<3x2000x16xf32, #tpu.memory_space<vmem>>, vector<1x1x16xf32>,
        %swap3A_372 = vector.shape_cast %swap3A_371 : vector<1x1x16xf32> to vector<16xf32>
        %swap3A_373 = vector.shape_cast %add3A_362 : vector<16xf32> to vector<1x1x16xf32>
        tpu.vector_store %arg19[%swap3A_368, %swap3A_369, %swap3A_370], %swap3A_373 {strides = array<i32>} : memref<3x2000x16xf32, #tpu.memory_space<vmem>>, vector<1x1x16xf32>,
        %broadcast_in_dim3A_374 = arith.constant 13 : i32
        %broadcast_in_dim3A_375 = vector.broadcast %broadcast_in_dim3A_374 : i32 to vector<16x1xi32>
        %gather3A_376 = vector.shape_cast %broadcast_in_dim3A_375 : vector<16x1xi32> to vector<16xi32>
        %gather3A_377 = tpu.dynamic_gather %get3A_153[%gather3A_376] in [0] : vector<16xf32>, vector<16xi32> -> vector<16xf32>
        %mul3A_378 = arith.mulf %mul3A_138, %gather3A_377 : vector<16xf32>
        %add3A_379 = arith.addf %add3A_133, %mul3A_378 : vector<16xf32>
        %mul3A_380 = arith.constant 16 : i32
        %mul3A_381 = arith.muli %scan3A_145, %mul3A_380 : i32
        %add3A_382 = arith.constant 13 : i32
        %add3A_383 = arith.addi %mul3A_381, %add3A_382 : i32
        %swap3A_384 = arith.constant 1 : i32
        %swap3A_385 = arith.index_cast %swap3A_384 : i32 to index
        %swap3A_386 = arith.index_cast %add3A_383 : i32 to index
        %swap3A_387 = arith.constant 0 : index
        %swap3A_388 = tpu.vector_load %arg19[%swap3A_385, %swap3A_386, %swap3A_387] {strides = array<i32>} : memref<3x2000x16xf32, #tpu.memory_space<vmem>>, vector<1x1x16xf32>,
        %swap3A_389 = vector.shape_cast %swap3A_388 : vector<1x1x16xf32> to vector<16xf32>
        %swap3A_390 = vector.shape_cast %add3A_379 : vector<16xf32> to vector<1x1x16xf32>
        tpu.vector_store %arg19[%swap3A_385, %swap3A_386, %swap3A_387], %swap3A_390 {strides = array<i32>} : memref<3x2000x16xf32, #tpu.memory_space<vmem>>, vector<1x1x16xf32>,
        %broadcast_in_dim3A_391 = arith.constant 14 : i32
        %broadcast_in_dim3A_392 = vector.broadcast %broadcast_in_dim3A_391 : i32 to vector<16x1xi32>
        %gather3A_393 = vector.shape_cast %broadcast_in_dim3A_392 : vector<16x1xi32> to vector<16xi32>
        %gather3A_394 = tpu.dynamic_gather %get3A_153[%gather3A_393] in [0] : vector<16xf32>, vector<16xi32> -> vector<16xf32>
        %mul3A_395 = arith.mulf %mul3A_138, %gather3A_394 : vector<16xf32>
        %add3A_396 = arith.addf %add3A_133, %mul3A_395 : vector<16xf32>
        %mul3A_397 = arith.constant 16 : i32
        %mul3A_398 = arith.muli %scan3A_145, %mul3A_397 : i32
        %add3A_399 = arith.constant 14 : i32
        %add3A_400 = arith.addi %mul3A_398, %add3A_399 : i32
        %swap3A_401 = arith.constant 1 : i32
        %swap3A_402 = arith.index_cast %swap3A_401 : i32 to index
        %swap3A_403 = arith.index_cast %add3A_400 : i32 to index
        %swap3A_404 = arith.constant 0 : index
        %swap3A_405 = tpu.vector_load %arg19[%swap3A_402, %swap3A_403, %swap3A_404] {strides = array<i32>} : memref<3x2000x16xf32, #tpu.memory_space<vmem>>, vector<1x1x16xf32>,
        %swap3A_406 = vector.shape_cast %swap3A_405 : vector<1x1x16xf32> to vector<16xf32>
        %swap3A_407 = vector.shape_cast %add3A_396 : vector<16xf32> to vector<1x1x16xf32>
        tpu.vector_store %arg19[%swap3A_402, %swap3A_403, %swap3A_404], %swap3A_407 {strides = array<i32>} : memref<3x2000x16xf32, #tpu.memory_space<vmem>>, vector<1x1x16xf32>,
        %broadcast_in_dim3A_408 = arith.constant 15 : i32
        %broadcast_in_dim3A_409 = vector.broadcast %broadcast_in_dim3A_408 : i32 to vector<16x1xi32>
        %gather3A_410 = vector.shape_cast %broadcast_in_dim3A_409 : vector<16x1xi32> to vector<16xi32>
        %gather3A_411 = tpu.dynamic_gather %get3A_153[%gather3A_410] in [0] : vector<16xf32>, vector<16xi32> -> vector<16xf32>
        %mul3A_412 = arith.mulf %mul3A_138, %gather3A_411 : vector<16xf32>
        %add3A_413 = arith.addf %add3A_133, %mul3A_412 : vector<16xf32>
        %mul3A_414 = arith.constant 16 : i32
        %mul3A_415 = arith.muli %scan3A_145, %mul3A_414 : i32
        %add3A_416 = arith.constant 15 : i32
        %add3A_417 = arith.addi %mul3A_415, %add3A_416 : i32
        %swap3A_418 = arith.constant 1 : i32
        %swap3A_419 = arith.index_cast %swap3A_418 : i32 to index
        %swap3A_420 = arith.index_cast %add3A_417 : i32 to index
        %swap3A_421 = arith.constant 0 : index
        %swap3A_422 = tpu.vector_load %arg19[%swap3A_419, %swap3A_420, %swap3A_421] {strides = array<i32>} : memref<3x2000x16xf32, #tpu.memory_space<vmem>>, vector<1x1x16xf32>,
        %swap3A_423 = vector.shape_cast %swap3A_422 : vector<1x1x16xf32> to vector<16xf32>
        %swap3A_424 = vector.shape_cast %add3A_413 : vector<16xf32> to vector<1x1x16xf32>
        tpu.vector_store %arg19[%swap3A_419, %swap3A_420, %swap3A_421], %swap3A_424 {strides = array<i32>} : memref<3x2000x16xf32, #tpu.memory_space<vmem>>, vector<1x1x16xf32>,
        %scan3A_425 = arith.constant 0 : i32
        scf.yield %scan3A_425 : i32
      }
      %scan3A_144 = arith.constant 125 : i32
    } else {
    }
    %gt3A_69 = arith.constant 2 : i32
    %gt3A_70 = arith.cmpi sgt, %select_n3A_12, %gt3A_69 : i32
    %convert_element_type3A_71 = arith.extui %gt3A_70 : i1 to i32
    %cond3A_72 = arith.constant 0 : i32
    %cond3A_73 = arith.cmpi ne, %convert_element_type3A_71, %cond3A_72 : i32
    scf.if %cond3A_73 {
      %broadcast_in_dim3A = arith.constant 2 : i32
      %broadcast_in_dim3A_109 = vector.broadcast %broadcast_in_dim3A : i32 to vector<16x1xi32>
      %gather3A = vector.shape_cast %broadcast_in_dim3A_109 : vector<16x1xi32> to vector<16xi32>
      %gather3A_110 = tpu.dynamic_gather %get3A_58[%gather3A] in [0] : vector<16xf32>, vector<16xi32> -> vector<16xf32>
      %broadcast_in_dim3A_111 = arith.constant 2 : i32
      %broadcast_in_dim3A_112 = vector.broadcast %broadcast_in_dim3A_111 : i32 to vector<16x1xi32>
      %gather3A_113 = vector.shape_cast %broadcast_in_dim3A_112 : vector<16x1xi32> to vector<16xi32>
      %gather3A_114 = tpu.dynamic_gather %get3A_61[%gather3A_113] in [0] : vector<16xf32>, vector<16xi32> -> vector<16xf32>
      %sub3A_115 = arith.subf %get3A_25, %get3A_20 : vector<16xf32>
      %mul3A_116 = arith.mulf %gather3A_110, %sub3A_115 : vector<16xf32>
      %add3A_117 = arith.addf %get3A_20, %mul3A_116 : vector<16xf32>
      %sub3A_118 = arith.subf %get3A_35, %get3A_30 : vector<16xf32>
      %mul3A_119 = arith.mulf %gather3A_110, %sub3A_118 : vector<16xf32>
      %add3A_120 = arith.addf %get3A_30, %mul3A_119 : vector<16xf32>
      %sub3A_121 = arith.subf %get3A_45, %get3A_40 : vector<16xf32>
      %mul3A_122 = arith.mulf %gather3A_110, %sub3A_121 : vector<16xf32>
      %add3A_123 = arith.addf %get3A_40, %mul3A_122 : vector<16xf32>
      %sub3A_124 = arith.subf %get3A_55, %get3A_50 : vector<16xf32>
      %mul3A_125 = arith.mulf %gather3A_110, %sub3A_124 : vector<16xf32>
      %add3A_126 = arith.addf %get3A_50, %mul3A_125 : vector<16xf32>
      %add3A_127 = arith.addf %add3A_117, %add3A_123 : vector<16xf32>
      %sub3A_128 = arith.subf %add3A_126, %add3A_123 : vector<16xf32>
      %mul3A_129 = arith.constant 2.000000e-03 : f32
      %mul3A_130 = vector.broadcast %mul3A_129 : f32 to vector<16xf32>
      %mul3A_131 = arith.mulf %gather3A_114, %mul3A_130 : vector<16xf32>
      %mul3A_132 = arith.mulf %sub3A_128, %mul3A_131 : vector<16xf32>
      %add3A_133 = arith.addf %add3A_127, %mul3A_132 : vector<16xf32>
      %sub3A_134 = arith.subf %add3A_120, %add3A_117 : vector<16xf32>
      %mul3A_135 = arith.constant 0.00999999977 : f32
      %mul3A_136 = vector.broadcast %mul3A_135 : f32 to vector<16xf32>
      %mul3A_137 = arith.mulf %gather3A_110, %mul3A_136 : vector<16xf32>
      %mul3A_138 = arith.mulf %sub3A_134, %mul3A_137 : vector<16xf32>
      %scan3A = arith.constant 0 : i32
      %scan3A_139 = arith.constant 0 : i32
      %scan3A_140 = arith.constant 125 : i32
      %scan3A_141 = arith.addi %scan3A_139, %scan3A_140 : i32
      %scan3A_142 = arith.constant 1 : i32
      %scan3A_143 = scf.for %scan3A_145 = %scan3A_139 to %scan3A_141 step %scan3A_142 iter_args(%scan3A_146 = %scan3A) -> (i32)  : i32 {
        %mul3A_147 = arith.constant 16 : i32
        %mul3A_148 = arith.muli %scan3A_145, %mul3A_147 : i32
        %get3A_149 = arith.constant 2 : i32
        %get3A_150 = arith.index_cast %get3A_149 : i32 to index
        %get3A_151 = arith.index_cast %mul3A_148 : i32 to index
        %get3A_152 = tpu.vector_load %arg18[%get3A_150, %get3A_151] {strides = array<i32>} : memref<8x2000xf32, #tpu.memory_space<vmem>>, vector<1x16xf32>,
        %get3A_153 = vector.shape_cast %get3A_152 : vector<1x16xf32> to vector<16xf32>
        %broadcast_in_dim3A_154 = arith.constant 0 : i32
        %broadcast_in_dim3A_155 = vector.broadcast %broadcast_in_dim3A_154 : i32 to vector<16x1xi32>
        %gather3A_156 = vector.shape_cast %broadcast_in_dim3A_155 : vector<16x1xi32> to vector<16xi32>
        %gather3A_157 = tpu.dynamic_gather %get3A_153[%gather3A_156] in [0] : vector<16xf32>, vector<16xi32> -> vector<16xf32>
        %mul3A_158 = arith.mulf %mul3A_138, %gather3A_157 : vector<16xf32>
        %add3A_159 = arith.addf %add3A_133, %mul3A_158 : vector<16xf32>
        %mul3A_160 = arith.constant 16 : i32
        %mul3A_161 = arith.muli %scan3A_145, %mul3A_160 : i32
        %add3A_162 = arith.constant 0 : i32
        %add3A_163 = arith.addi %mul3A_161, %add3A_162 : i32
        %swap3A = arith.constant 2 : i32
        %swap3A_164 = arith.index_cast %swap3A : i32 to index
        %swap3A_165 = arith.index_cast %add3A_163 : i32 to index
        %swap3A_166 = arith.constant 0 : index
        %swap3A_167 = tpu.vector_load %arg19[%swap3A_164, %swap3A_165, %swap3A_166] {strides = array<i32>} : memref<3x2000x16xf32, #tpu.memory_space<vmem>>, vector<1x1x16xf32>,
        %swap3A_168 = vector.shape_cast %swap3A_167 : vector<1x1x16xf32> to vector<16xf32>
        %swap3A_169 = vector.shape_cast %add3A_159 : vector<16xf32> to vector<1x1x16xf32>
        tpu.vector_store %arg19[%swap3A_164, %swap3A_165, %swap3A_166], %swap3A_169 {strides = array<i32>} : memref<3x2000x16xf32, #tpu.memory_space<vmem>>, vector<1x1x16xf32>,
        %broadcast_in_dim3A_170 = arith.constant 1 : i32
        %broadcast_in_dim3A_171 = vector.broadcast %broadcast_in_dim3A_170 : i32 to vector<16x1xi32>
        %gather3A_172 = vector.shape_cast %broadcast_in_dim3A_171 : vector<16x1xi32> to vector<16xi32>
        %gather3A_173 = tpu.dynamic_gather %get3A_153[%gather3A_172] in [0] : vector<16xf32>, vector<16xi32> -> vector<16xf32>
        %mul3A_174 = arith.mulf %mul3A_138, %gather3A_173 : vector<16xf32>
        %add3A_175 = arith.addf %add3A_133, %mul3A_174 : vector<16xf32>
        %mul3A_176 = arith.constant 16 : i32
        %mul3A_177 = arith.muli %scan3A_145, %mul3A_176 : i32
        %add3A_178 = arith.constant 1 : i32
        %add3A_179 = arith.addi %mul3A_177, %add3A_178 : i32
        %swap3A_180 = arith.constant 2 : i32
        %swap3A_181 = arith.index_cast %swap3A_180 : i32 to index
        %swap3A_182 = arith.index_cast %add3A_179 : i32 to index
        %swap3A_183 = arith.constant 0 : index
        %swap3A_184 = tpu.vector_load %arg19[%swap3A_181, %swap3A_182, %swap3A_183] {strides = array<i32>} : memref<3x2000x16xf32, #tpu.memory_space<vmem>>, vector<1x1x16xf32>,
        %swap3A_185 = vector.shape_cast %swap3A_184 : vector<1x1x16xf32> to vector<16xf32>
        %swap3A_186 = vector.shape_cast %add3A_175 : vector<16xf32> to vector<1x1x16xf32>
        tpu.vector_store %arg19[%swap3A_181, %swap3A_182, %swap3A_183], %swap3A_186 {strides = array<i32>} : memref<3x2000x16xf32, #tpu.memory_space<vmem>>, vector<1x1x16xf32>,
        %broadcast_in_dim3A_187 = arith.constant 2 : i32
        %broadcast_in_dim3A_188 = vector.broadcast %broadcast_in_dim3A_187 : i32 to vector<16x1xi32>
        %gather3A_189 = vector.shape_cast %broadcast_in_dim3A_188 : vector<16x1xi32> to vector<16xi32>
        %gather3A_190 = tpu.dynamic_gather %get3A_153[%gather3A_189] in [0] : vector<16xf32>, vector<16xi32> -> vector<16xf32>
        %mul3A_191 = arith.mulf %mul3A_138, %gather3A_190 : vector<16xf32>
        %add3A_192 = arith.addf %add3A_133, %mul3A_191 : vector<16xf32>
        %mul3A_193 = arith.constant 16 : i32
        %mul3A_194 = arith.muli %scan3A_145, %mul3A_193 : i32
        %add3A_195 = arith.constant 2 : i32
        %add3A_196 = arith.addi %mul3A_194, %add3A_195 : i32
        %swap3A_197 = arith.constant 2 : i32
        %swap3A_198 = arith.index_cast %swap3A_197 : i32 to index
        %swap3A_199 = arith.index_cast %add3A_196 : i32 to index
        %swap3A_200 = arith.constant 0 : index
        %swap3A_201 = tpu.vector_load %arg19[%swap3A_198, %swap3A_199, %swap3A_200] {strides = array<i32>} : memref<3x2000x16xf32, #tpu.memory_space<vmem>>, vector<1x1x16xf32>,
        %swap3A_202 = vector.shape_cast %swap3A_201 : vector<1x1x16xf32> to vector<16xf32>
        %swap3A_203 = vector.shape_cast %add3A_192 : vector<16xf32> to vector<1x1x16xf32>
        tpu.vector_store %arg19[%swap3A_198, %swap3A_199, %swap3A_200], %swap3A_203 {strides = array<i32>} : memref<3x2000x16xf32, #tpu.memory_space<vmem>>, vector<1x1x16xf32>,
        %broadcast_in_dim3A_204 = arith.constant 3 : i32
        %broadcast_in_dim3A_205 = vector.broadcast %broadcast_in_dim3A_204 : i32 to vector<16x1xi32>
        %gather3A_206 = vector.shape_cast %broadcast_in_dim3A_205 : vector<16x1xi32> to vector<16xi32>
        %gather3A_207 = tpu.dynamic_gather %get3A_153[%gather3A_206] in [0] : vector<16xf32>, vector<16xi32> -> vector<16xf32>
        %mul3A_208 = arith.mulf %mul3A_138, %gather3A_207 : vector<16xf32>
        %add3A_209 = arith.addf %add3A_133, %mul3A_208 : vector<16xf32>
        %mul3A_210 = arith.constant 16 : i32
        %mul3A_211 = arith.muli %scan3A_145, %mul3A_210 : i32
        %add3A_212 = arith.constant 3 : i32
        %add3A_213 = arith.addi %mul3A_211, %add3A_212 : i32
        %swap3A_214 = arith.constant 2 : i32
        %swap3A_215 = arith.index_cast %swap3A_214 : i32 to index
        %swap3A_216 = arith.index_cast %add3A_213 : i32 to index
        %swap3A_217 = arith.constant 0 : index
        %swap3A_218 = tpu.vector_load %arg19[%swap3A_215, %swap3A_216, %swap3A_217] {strides = array<i32>} : memref<3x2000x16xf32, #tpu.memory_space<vmem>>, vector<1x1x16xf32>,
        %swap3A_219 = vector.shape_cast %swap3A_218 : vector<1x1x16xf32> to vector<16xf32>
        %swap3A_220 = vector.shape_cast %add3A_209 : vector<16xf32> to vector<1x1x16xf32>
        tpu.vector_store %arg19[%swap3A_215, %swap3A_216, %swap3A_217], %swap3A_220 {strides = array<i32>} : memref<3x2000x16xf32, #tpu.memory_space<vmem>>, vector<1x1x16xf32>,
        %broadcast_in_dim3A_221 = arith.constant 4 : i32
        %broadcast_in_dim3A_222 = vector.broadcast %broadcast_in_dim3A_221 : i32 to vector<16x1xi32>
        %gather3A_223 = vector.shape_cast %broadcast_in_dim3A_222 : vector<16x1xi32> to vector<16xi32>
        %gather3A_224 = tpu.dynamic_gather %get3A_153[%gather3A_223] in [0] : vector<16xf32>, vector<16xi32> -> vector<16xf32>
        %mul3A_225 = arith.mulf %mul3A_138, %gather3A_224 : vector<16xf32>
        %add3A_226 = arith.addf %add3A_133, %mul3A_225 : vector<16xf32>
        %mul3A_227 = arith.constant 16 : i32
        %mul3A_228 = arith.muli %scan3A_145, %mul3A_227 : i32
        %add3A_229 = arith.constant 4 : i32
        %add3A_230 = arith.addi %mul3A_228, %add3A_229 : i32
        %swap3A_231 = arith.constant 2 : i32
        %swap3A_232 = arith.index_cast %swap3A_231 : i32 to index
        %swap3A_233 = arith.index_cast %add3A_230 : i32 to index
        %swap3A_234 = arith.constant 0 : index
        %swap3A_235 = tpu.vector_load %arg19[%swap3A_232, %swap3A_233, %swap3A_234] {strides = array<i32>} : memref<3x2000x16xf32, #tpu.memory_space<vmem>>, vector<1x1x16xf32>,
        %swap3A_236 = vector.shape_cast %swap3A_235 : vector<1x1x16xf32> to vector<16xf32>
        %swap3A_237 = vector.shape_cast %add3A_226 : vector<16xf32> to vector<1x1x16xf32>
        tpu.vector_store %arg19[%swap3A_232, %swap3A_233, %swap3A_234], %swap3A_237 {strides = array<i32>} : memref<3x2000x16xf32, #tpu.memory_space<vmem>>, vector<1x1x16xf32>,
        %broadcast_in_dim3A_238 = arith.constant 5 : i32
        %broadcast_in_dim3A_239 = vector.broadcast %broadcast_in_dim3A_238 : i32 to vector<16x1xi32>
        %gather3A_240 = vector.shape_cast %broadcast_in_dim3A_239 : vector<16x1xi32> to vector<16xi32>
        %gather3A_241 = tpu.dynamic_gather %get3A_153[%gather3A_240] in [0] : vector<16xf32>, vector<16xi32> -> vector<16xf32>
        %mul3A_242 = arith.mulf %mul3A_138, %gather3A_241 : vector<16xf32>
        %add3A_243 = arith.addf %add3A_133, %mul3A_242 : vector<16xf32>
        %mul3A_244 = arith.constant 16 : i32
        %mul3A_245 = arith.muli %scan3A_145, %mul3A_244 : i32
        %add3A_246 = arith.constant 5 : i32
        %add3A_247 = arith.addi %mul3A_245, %add3A_246 : i32
        %swap3A_248 = arith.constant 2 : i32
        %swap3A_249 = arith.index_cast %swap3A_248 : i32 to index
        %swap3A_250 = arith.index_cast %add3A_247 : i32 to index
        %swap3A_251 = arith.constant 0 : index
        %swap3A_252 = tpu.vector_load %arg19[%swap3A_249, %swap3A_250, %swap3A_251] {strides = array<i32>} : memref<3x2000x16xf32, #tpu.memory_space<vmem>>, vector<1x1x16xf32>,
        %swap3A_253 = vector.shape_cast %swap3A_252 : vector<1x1x16xf32> to vector<16xf32>
        %swap3A_254 = vector.shape_cast %add3A_243 : vector<16xf32> to vector<1x1x16xf32>
        tpu.vector_store %arg19[%swap3A_249, %swap3A_250, %swap3A_251], %swap3A_254 {strides = array<i32>} : memref<3x2000x16xf32, #tpu.memory_space<vmem>>, vector<1x1x16xf32>,
        %broadcast_in_dim3A_255 = arith.constant 6 : i32
        %broadcast_in_dim3A_256 = vector.broadcast %broadcast_in_dim3A_255 : i32 to vector<16x1xi32>
        %gather3A_257 = vector.shape_cast %broadcast_in_dim3A_256 : vector<16x1xi32> to vector<16xi32>
        %gather3A_258 = tpu.dynamic_gather %get3A_153[%gather3A_257] in [0] : vector<16xf32>, vector<16xi32> -> vector<16xf32>
        %mul3A_259 = arith.mulf %mul3A_138, %gather3A_258 : vector<16xf32>
        %add3A_260 = arith.addf %add3A_133, %mul3A_259 : vector<16xf32>
        %mul3A_261 = arith.constant 16 : i32
        %mul3A_262 = arith.muli %scan3A_145, %mul3A_261 : i32
        %add3A_263 = arith.constant 6 : i32
        %add3A_264 = arith.addi %mul3A_262, %add3A_263 : i32
        %swap3A_265 = arith.constant 2 : i32
        %swap3A_266 = arith.index_cast %swap3A_265 : i32 to index
        %swap3A_267 = arith.index_cast %add3A_264 : i32 to index
        %swap3A_268 = arith.constant 0 : index
        %swap3A_269 = tpu.vector_load %arg19[%swap3A_266, %swap3A_267, %swap3A_268] {strides = array<i32>} : memref<3x2000x16xf32, #tpu.memory_space<vmem>>, vector<1x1x16xf32>,
        %swap3A_270 = vector.shape_cast %swap3A_269 : vector<1x1x16xf32> to vector<16xf32>
        %swap3A_271 = vector.shape_cast %add3A_260 : vector<16xf32> to vector<1x1x16xf32>
        tpu.vector_store %arg19[%swap3A_266, %swap3A_267, %swap3A_268], %swap3A_271 {strides = array<i32>} : memref<3x2000x16xf32, #tpu.memory_space<vmem>>, vector<1x1x16xf32>,
        %broadcast_in_dim3A_272 = arith.constant 7 : i32
        %broadcast_in_dim3A_273 = vector.broadcast %broadcast_in_dim3A_272 : i32 to vector<16x1xi32>
        %gather3A_274 = vector.shape_cast %broadcast_in_dim3A_273 : vector<16x1xi32> to vector<16xi32>
        %gather3A_275 = tpu.dynamic_gather %get3A_153[%gather3A_274] in [0] : vector<16xf32>, vector<16xi32> -> vector<16xf32>
        %mul3A_276 = arith.mulf %mul3A_138, %gather3A_275 : vector<16xf32>
        %add3A_277 = arith.addf %add3A_133, %mul3A_276 : vector<16xf32>
        %mul3A_278 = arith.constant 16 : i32
        %mul3A_279 = arith.muli %scan3A_145, %mul3A_278 : i32
        %add3A_280 = arith.constant 7 : i32
        %add3A_281 = arith.addi %mul3A_279, %add3A_280 : i32
        %swap3A_282 = arith.constant 2 : i32
        %swap3A_283 = arith.index_cast %swap3A_282 : i32 to index
        %swap3A_284 = arith.index_cast %add3A_281 : i32 to index
        %swap3A_285 = arith.constant 0 : index
        %swap3A_286 = tpu.vector_load %arg19[%swap3A_283, %swap3A_284, %swap3A_285] {strides = array<i32>} : memref<3x2000x16xf32, #tpu.memory_space<vmem>>, vector<1x1x16xf32>,
        %swap3A_287 = vector.shape_cast %swap3A_286 : vector<1x1x16xf32> to vector<16xf32>
        %swap3A_288 = vector.shape_cast %add3A_277 : vector<16xf32> to vector<1x1x16xf32>
        tpu.vector_store %arg19[%swap3A_283, %swap3A_284, %swap3A_285], %swap3A_288 {strides = array<i32>} : memref<3x2000x16xf32, #tpu.memory_space<vmem>>, vector<1x1x16xf32>,
        %broadcast_in_dim3A_289 = arith.constant 8 : i32
        %broadcast_in_dim3A_290 = vector.broadcast %broadcast_in_dim3A_289 : i32 to vector<16x1xi32>
        %gather3A_291 = vector.shape_cast %broadcast_in_dim3A_290 : vector<16x1xi32> to vector<16xi32>
        %gather3A_292 = tpu.dynamic_gather %get3A_153[%gather3A_291] in [0] : vector<16xf32>, vector<16xi32> -> vector<16xf32>
        %mul3A_293 = arith.mulf %mul3A_138, %gather3A_292 : vector<16xf32>
        %add3A_294 = arith.addf %add3A_133, %mul3A_293 : vector<16xf32>
        %mul3A_295 = arith.constant 16 : i32
        %mul3A_296 = arith.muli %scan3A_145, %mul3A_295 : i32
        %add3A_297 = arith.constant 8 : i32
        %add3A_298 = arith.addi %mul3A_296, %add3A_297 : i32
        %swap3A_299 = arith.constant 2 : i32
        %swap3A_300 = arith.index_cast %swap3A_299 : i32 to index
        %swap3A_301 = arith.index_cast %add3A_298 : i32 to index
        %swap3A_302 = arith.constant 0 : index
        %swap3A_303 = tpu.vector_load %arg19[%swap3A_300, %swap3A_301, %swap3A_302] {strides = array<i32>} : memref<3x2000x16xf32, #tpu.memory_space<vmem>>, vector<1x1x16xf32>,
        %swap3A_304 = vector.shape_cast %swap3A_303 : vector<1x1x16xf32> to vector<16xf32>
        %swap3A_305 = vector.shape_cast %add3A_294 : vector<16xf32> to vector<1x1x16xf32>
        tpu.vector_store %arg19[%swap3A_300, %swap3A_301, %swap3A_302], %swap3A_305 {strides = array<i32>} : memref<3x2000x16xf32, #tpu.memory_space<vmem>>, vector<1x1x16xf32>,
        %broadcast_in_dim3A_306 = arith.constant 9 : i32
        %broadcast_in_dim3A_307 = vector.broadcast %broadcast_in_dim3A_306 : i32 to vector<16x1xi32>
        %gather3A_308 = vector.shape_cast %broadcast_in_dim3A_307 : vector<16x1xi32> to vector<16xi32>
        %gather3A_309 = tpu.dynamic_gather %get3A_153[%gather3A_308] in [0] : vector<16xf32>, vector<16xi32> -> vector<16xf32>
        %mul3A_310 = arith.mulf %mul3A_138, %gather3A_309 : vector<16xf32>
        %add3A_311 = arith.addf %add3A_133, %mul3A_310 : vector<16xf32>
        %mul3A_312 = arith.constant 16 : i32
        %mul3A_313 = arith.muli %scan3A_145, %mul3A_312 : i32
        %add3A_314 = arith.constant 9 : i32
        %add3A_315 = arith.addi %mul3A_313, %add3A_314 : i32
        %swap3A_316 = arith.constant 2 : i32
        %swap3A_317 = arith.index_cast %swap3A_316 : i32 to index
        %swap3A_318 = arith.index_cast %add3A_315 : i32 to index
        %swap3A_319 = arith.constant 0 : index
        %swap3A_320 = tpu.vector_load %arg19[%swap3A_317, %swap3A_318, %swap3A_319] {strides = array<i32>} : memref<3x2000x16xf32, #tpu.memory_space<vmem>>, vector<1x1x16xf32>,
        %swap3A_321 = vector.shape_cast %swap3A_320 : vector<1x1x16xf32> to vector<16xf32>
        %swap3A_322 = vector.shape_cast %add3A_311 : vector<16xf32> to vector<1x1x16xf32>
        tpu.vector_store %arg19[%swap3A_317, %swap3A_318, %swap3A_319], %swap3A_322 {strides = array<i32>} : memref<3x2000x16xf32, #tpu.memory_space<vmem>>, vector<1x1x16xf32>,
        %broadcast_in_dim3A_323 = arith.constant 10 : i32
        %broadcast_in_dim3A_324 = vector.broadcast %broadcast_in_dim3A_323 : i32 to vector<16x1xi32>
        %gather3A_325 = vector.shape_cast %broadcast_in_dim3A_324 : vector<16x1xi32> to vector<16xi32>
        %gather3A_326 = tpu.dynamic_gather %get3A_153[%gather3A_325] in [0] : vector<16xf32>, vector<16xi32> -> vector<16xf32>
        %mul3A_327 = arith.mulf %mul3A_138, %gather3A_326 : vector<16xf32>
        %add3A_328 = arith.addf %add3A_133, %mul3A_327 : vector<16xf32>
        %mul3A_329 = arith.constant 16 : i32
        %mul3A_330 = arith.muli %scan3A_145, %mul3A_329 : i32
        %add3A_331 = arith.constant 10 : i32
        %add3A_332 = arith.addi %mul3A_330, %add3A_331 : i32
        %swap3A_333 = arith.constant 2 : i32
        %swap3A_334 = arith.index_cast %swap3A_333 : i32 to index
        %swap3A_335 = arith.index_cast %add3A_332 : i32 to index
        %swap3A_336 = arith.constant 0 : index
        %swap3A_337 = tpu.vector_load %arg19[%swap3A_334, %swap3A_335, %swap3A_336] {strides = array<i32>} : memref<3x2000x16xf32, #tpu.memory_space<vmem>>, vector<1x1x16xf32>,
        %swap3A_338 = vector.shape_cast %swap3A_337 : vector<1x1x16xf32> to vector<16xf32>
        %swap3A_339 = vector.shape_cast %add3A_328 : vector<16xf32> to vector<1x1x16xf32>
        tpu.vector_store %arg19[%swap3A_334, %swap3A_335, %swap3A_336], %swap3A_339 {strides = array<i32>} : memref<3x2000x16xf32, #tpu.memory_space<vmem>>, vector<1x1x16xf32>,
        %broadcast_in_dim3A_340 = arith.constant 11 : i32
        %broadcast_in_dim3A_341 = vector.broadcast %broadcast_in_dim3A_340 : i32 to vector<16x1xi32>
        %gather3A_342 = vector.shape_cast %broadcast_in_dim3A_341 : vector<16x1xi32> to vector<16xi32>
        %gather3A_343 = tpu.dynamic_gather %get3A_153[%gather3A_342] in [0] : vector<16xf32>, vector<16xi32> -> vector<16xf32>
        %mul3A_344 = arith.mulf %mul3A_138, %gather3A_343 : vector<16xf32>
        %add3A_345 = arith.addf %add3A_133, %mul3A_344 : vector<16xf32>
        %mul3A_346 = arith.constant 16 : i32
        %mul3A_347 = arith.muli %scan3A_145, %mul3A_346 : i32
        %add3A_348 = arith.constant 11 : i32
        %add3A_349 = arith.addi %mul3A_347, %add3A_348 : i32
        %swap3A_350 = arith.constant 2 : i32
        %swap3A_351 = arith.index_cast %swap3A_350 : i32 to index
        %swap3A_352 = arith.index_cast %add3A_349 : i32 to index
        %swap3A_353 = arith.constant 0 : index
        %swap3A_354 = tpu.vector_load %arg19[%swap3A_351, %swap3A_352, %swap3A_353] {strides = array<i32>} : memref<3x2000x16xf32, #tpu.memory_space<vmem>>, vector<1x1x16xf32>,
        %swap3A_355 = vector.shape_cast %swap3A_354 : vector<1x1x16xf32> to vector<16xf32>
        %swap3A_356 = vector.shape_cast %add3A_345 : vector<16xf32> to vector<1x1x16xf32>
        tpu.vector_store %arg19[%swap3A_351, %swap3A_352, %swap3A_353], %swap3A_356 {strides = array<i32>} : memref<3x2000x16xf32, #tpu.memory_space<vmem>>, vector<1x1x16xf32>,
        %broadcast_in_dim3A_357 = arith.constant 12 : i32
        %broadcast_in_dim3A_358 = vector.broadcast %broadcast_in_dim3A_357 : i32 to vector<16x1xi32>
        %gather3A_359 = vector.shape_cast %broadcast_in_dim3A_358 : vector<16x1xi32> to vector<16xi32>
        %gather3A_360 = tpu.dynamic_gather %get3A_153[%gather3A_359] in [0] : vector<16xf32>, vector<16xi32> -> vector<16xf32>
        %mul3A_361 = arith.mulf %mul3A_138, %gather3A_360 : vector<16xf32>
        %add3A_362 = arith.addf %add3A_133, %mul3A_361 : vector<16xf32>
        %mul3A_363 = arith.constant 16 : i32
        %mul3A_364 = arith.muli %scan3A_145, %mul3A_363 : i32
        %add3A_365 = arith.constant 12 : i32
        %add3A_366 = arith.addi %mul3A_364, %add3A_365 : i32
        %swap3A_367 = arith.constant 2 : i32
        %swap3A_368 = arith.index_cast %swap3A_367 : i32 to index
        %swap3A_369 = arith.index_cast %add3A_366 : i32 to index
        %swap3A_370 = arith.constant 0 : index
        %swap3A_371 = tpu.vector_load %arg19[%swap3A_368, %swap3A_369, %swap3A_370] {strides = array<i32>} : memref<3x2000x16xf32, #tpu.memory_space<vmem>>, vector<1x1x16xf32>,
        %swap3A_372 = vector.shape_cast %swap3A_371 : vector<1x1x16xf32> to vector<16xf32>
        %swap3A_373 = vector.shape_cast %add3A_362 : vector<16xf32> to vector<1x1x16xf32>
        tpu.vector_store %arg19[%swap3A_368, %swap3A_369, %swap3A_370], %swap3A_373 {strides = array<i32>} : memref<3x2000x16xf32, #tpu.memory_space<vmem>>, vector<1x1x16xf32>,
        %broadcast_in_dim3A_374 = arith.constant 13 : i32
        %broadcast_in_dim3A_375 = vector.broadcast %broadcast_in_dim3A_374 : i32 to vector<16x1xi32>
        %gather3A_376 = vector.shape_cast %broadcast_in_dim3A_375 : vector<16x1xi32> to vector<16xi32>
        %gather3A_377 = tpu.dynamic_gather %get3A_153[%gather3A_376] in [0] : vector<16xf32>, vector<16xi32> -> vector<16xf32>
        %mul3A_378 = arith.mulf %mul3A_138, %gather3A_377 : vector<16xf32>
        %add3A_379 = arith.addf %add3A_133, %mul3A_378 : vector<16xf32>
        %mul3A_380 = arith.constant 16 : i32
        %mul3A_381 = arith.muli %scan3A_145, %mul3A_380 : i32
        %add3A_382 = arith.constant 13 : i32
        %add3A_383 = arith.addi %mul3A_381, %add3A_382 : i32
        %swap3A_384 = arith.constant 2 : i32
        %swap3A_385 = arith.index_cast %swap3A_384 : i32 to index
        %swap3A_386 = arith.index_cast %add3A_383 : i32 to index
        %swap3A_387 = arith.constant 0 : index
        %swap3A_388 = tpu.vector_load %arg19[%swap3A_385, %swap3A_386, %swap3A_387] {strides = array<i32>} : memref<3x2000x16xf32, #tpu.memory_space<vmem>>, vector<1x1x16xf32>,
        %swap3A_389 = vector.shape_cast %swap3A_388 : vector<1x1x16xf32> to vector<16xf32>
        %swap3A_390 = vector.shape_cast %add3A_379 : vector<16xf32> to vector<1x1x16xf32>
        tpu.vector_store %arg19[%swap3A_385, %swap3A_386, %swap3A_387], %swap3A_390 {strides = array<i32>} : memref<3x2000x16xf32, #tpu.memory_space<vmem>>, vector<1x1x16xf32>,
        %broadcast_in_dim3A_391 = arith.constant 14 : i32
        %broadcast_in_dim3A_392 = vector.broadcast %broadcast_in_dim3A_391 : i32 to vector<16x1xi32>
        %gather3A_393 = vector.shape_cast %broadcast_in_dim3A_392 : vector<16x1xi32> to vector<16xi32>
        %gather3A_394 = tpu.dynamic_gather %get3A_153[%gather3A_393] in [0] : vector<16xf32>, vector<16xi32> -> vector<16xf32>
        %mul3A_395 = arith.mulf %mul3A_138, %gather3A_394 : vector<16xf32>
        %add3A_396 = arith.addf %add3A_133, %mul3A_395 : vector<16xf32>
        %mul3A_397 = arith.constant 16 : i32
        %mul3A_398 = arith.muli %scan3A_145, %mul3A_397 : i32
        %add3A_399 = arith.constant 14 : i32
        %add3A_400 = arith.addi %mul3A_398, %add3A_399 : i32
        %swap3A_401 = arith.constant 2 : i32
        %swap3A_402 = arith.index_cast %swap3A_401 : i32 to index
        %swap3A_403 = arith.index_cast %add3A_400 : i32 to index
        %swap3A_404 = arith.constant 0 : index
        %swap3A_405 = tpu.vector_load %arg19[%swap3A_402, %swap3A_403, %swap3A_404] {strides = array<i32>} : memref<3x2000x16xf32, #tpu.memory_space<vmem>>, vector<1x1x16xf32>,
        %swap3A_406 = vector.shape_cast %swap3A_405 : vector<1x1x16xf32> to vector<16xf32>
        %swap3A_407 = vector.shape_cast %add3A_396 : vector<16xf32> to vector<1x1x16xf32>
        tpu.vector_store %arg19[%swap3A_402, %swap3A_403, %swap3A_404], %swap3A_407 {strides = array<i32>} : memref<3x2000x16xf32, #tpu.memory_space<vmem>>, vector<1x1x16xf32>,
        %broadcast_in_dim3A_408 = arith.constant 15 : i32
        %broadcast_in_dim3A_409 = vector.broadcast %broadcast_in_dim3A_408 : i32 to vector<16x1xi32>
        %gather3A_410 = vector.shape_cast %broadcast_in_dim3A_409 : vector<16x1xi32> to vector<16xi32>
        %gather3A_411 = tpu.dynamic_gather %get3A_153[%gather3A_410] in [0] : vector<16xf32>, vector<16xi32> -> vector<16xf32>
        %mul3A_412 = arith.mulf %mul3A_138, %gather3A_411 : vector<16xf32>
        %add3A_413 = arith.addf %add3A_133, %mul3A_412 : vector<16xf32>
        %mul3A_414 = arith.constant 16 : i32
        %mul3A_415 = arith.muli %scan3A_145, %mul3A_414 : i32
        %add3A_416 = arith.constant 15 : i32
        %add3A_417 = arith.addi %mul3A_415, %add3A_416 : i32
        %swap3A_418 = arith.constant 2 : i32
        %swap3A_419 = arith.index_cast %swap3A_418 : i32 to index
        %swap3A_420 = arith.index_cast %add3A_417 : i32 to index
        %swap3A_421 = arith.constant 0 : index
        %swap3A_422 = tpu.vector_load %arg19[%swap3A_419, %swap3A_420, %swap3A_421] {strides = array<i32>} : memref<3x2000x16xf32, #tpu.memory_space<vmem>>, vector<1x1x16xf32>,
        %swap3A_423 = vector.shape_cast %swap3A_422 : vector<1x1x16xf32> to vector<16xf32>
        %swap3A_424 = vector.shape_cast %add3A_413 : vector<16xf32> to vector<1x1x16xf32>
        tpu.vector_store %arg19[%swap3A_419, %swap3A_420, %swap3A_421], %swap3A_424 {strides = array<i32>} : memref<3x2000x16xf32, #tpu.memory_space<vmem>>, vector<1x1x16xf32>,
        %scan3A_425 = arith.constant 0 : i32
        scf.yield %scan3A_425 : i32
      }
      %scan3A_144 = arith.constant 125 : i32
    } else {
    }
    %gt3A_74 = arith.constant 0 : i32
    %gt3A_75 = arith.cmpi sgt, %select_n3A_12, %gt3A_74 : i32
    %convert_element_type3A_76 = arith.extui %gt3A_75 : i1 to i32
    %cond3A_77 = arith.constant 0 : i32
    %cond3A_78 = arith.cmpi ne, %convert_element_type3A_76, %cond3A_77 : i32
    scf.if %cond3A_78 {
      %add3A_109 = arith.constant 0 : i32
      %add3A_110 = arith.addi %select_n3A, %add3A_109 : i32
      "tpu.region"() ({
        %run_scoped3A = tpu.sem_alloc : memref<!tpu.dma_semaphore, #tpu.memory_space<semaphore_mem>>
        %dma_start3A_111 = arith.constant 0 : i32
        %dma_start3A_112 = arith.constant 0 : i32
        %dma_start3A_113 = arith.constant 0 : i32
        %dma_start3A_114 = tpu.memref_slice %arg19[%dma_start3A_111, %dma_start3A_112, %dma_start3A_113] : memref<3x2000x16xf32, #tpu.memory_space<vmem>> -> memref<3x2000x16xf32, #tpu.memory_space<vmem>>
        %dma_start3A_115 = arith.constant 0 : i32
        %dma_start3A_116 = arith.constant 0 : i32
        %dma_start3A_117 = tpu.memref_slice %arg10[%add3A_110, %dma_start3A_115, %dma_start3A_116] : memref<200x2000x16xf32, #tpu.memory_space<hbm>> -> memref<3x2000x16xf32, #tpu.memory_space<hbm>>
        %dma_start3A_118 = arith.constant 0 : i32
        %dma_start3A_119 = arith.constant 0 : i32
        %dma_start3A_120 = tpu.memref_slice %arg10[%add3A_110, %dma_start3A_118, %dma_start3A_119] : memref<200x2000x16xf32, #tpu.memory_space<hbm>> -> memref<3x2000x16xf32, #tpu.memory_space<hbm>>
        %dma_start3A_121 = arith.constant 0 : i32
        %dma_start3A_122 = arith.constant 0 : i32
        %dma_start3A_123 = arith.constant 0 : i32
        %dma_start3A_124 = tpu.memref_slice %arg19[%dma_start3A_121, %dma_start3A_122, %dma_start3A_123] : memref<3x2000x16xf32, #tpu.memory_space<vmem>> -> memref<3x2000x16xf32, #tpu.memory_space<vmem>>
        tpu.enqueue_dma source(%dma_start3A_124 : memref<3x2000x16xf32, #tpu.memory_space<vmem>>) target(%dma_start3A_120 : memref<3x2000x16xf32, #tpu.memory_space<hbm>>) target_semaphore(%run_scoped3A : memref<!tpu.dma_semaphore, #tpu.memory_space<semaphore_mem>>)
        %dma_wait3A_125 = arith.constant 0 : i32
        %dma_wait3A_126 = arith.constant 0 : i32
        %dma_wait3A_127 = arith.constant 0 : i32
        %dma_wait3A_128 = tpu.memref_slice %arg19[%dma_wait3A_125, %dma_wait3A_126, %dma_wait3A_127] : memref<3x2000x16xf32, #tpu.memory_space<vmem>> -> memref<3x2000x16xf32, #tpu.memory_space<vmem>>
        %dma_wait3A_129 = arith.constant 0 : i32
        %dma_wait3A_130 = arith.constant 0 : i32
        %dma_wait3A_131 = tpu.memref_slice %arg10[%add3A_110, %dma_wait3A_129, %dma_wait3A_130] : memref<200x2000x16xf32, #tpu.memory_space<hbm>> -> memref<3x2000x16xf32, #tpu.memory_space<hbm>>
        %dma_wait3A_132 = arith.constant 0 : i32
        %dma_wait3A_133 = arith.constant 0 : i32
        %dma_wait3A_134 = tpu.memref_slice %arg10[%add3A_110, %dma_wait3A_132, %dma_wait3A_133] : memref<200x2000x16xf32, #tpu.memory_space<hbm>> -> memref<3x2000x16xf32, #tpu.memory_space<hbm>>
        %dma_wait3A_135 = arith.constant 0 : i32
        %dma_wait3A_136 = arith.constant 0 : i32
        %dma_wait3A_137 = arith.constant 0 : i32
        %dma_wait3A_138 = tpu.memref_slice %arg19[%dma_wait3A_135, %dma_wait3A_136, %dma_wait3A_137] : memref<3x2000x16xf32, #tpu.memory_space<vmem>> -> memref<3x2000x16xf32, #tpu.memory_space<vmem>>
        tpu.wait_dma2 semaphore(%run_scoped3A : memref<!tpu.dma_semaphore, #tpu.memory_space<semaphore_mem>>) src(%dma_wait3A_138 : memref<3x2000x16xf32, #tpu.memory_space<vmem>>) dst(%dma_wait3A_134 : memref<3x2000x16xf32, #tpu.memory_space<hbm>>)
        tpu.yield
      }) : () -> ()
    } else {
    }
    %gt3A_79 = arith.constant 3 : i32
    %gt3A_80 = arith.cmpi sgt, %select_n3A_12, %gt3A_79 : i32
    %convert_element_type3A_81 = arith.extui %gt3A_80 : i1 to i32
    %cond3A_82 = arith.constant 0 : i32
    %cond3A_83 = arith.cmpi ne, %convert_element_type3A_81, %cond3A_82 : i32
    scf.if %cond3A_83 {
      %broadcast_in_dim3A = arith.constant 3 : i32
      %broadcast_in_dim3A_109 = vector.broadcast %broadcast_in_dim3A : i32 to vector<16x1xi32>
      %gather3A = vector.shape_cast %broadcast_in_dim3A_109 : vector<16x1xi32> to vector<16xi32>
      %gather3A_110 = tpu.dynamic_gather %get3A_58[%gather3A] in [0] : vector<16xf32>, vector<16xi32> -> vector<16xf32>
      %broadcast_in_dim3A_111 = arith.constant 3 : i32
      %broadcast_in_dim3A_112 = vector.broadcast %broadcast_in_dim3A_111 : i32 to vector<16x1xi32>
      %gather3A_113 = vector.shape_cast %broadcast_in_dim3A_112 : vector<16x1xi32> to vector<16xi32>
      %gather3A_114 = tpu.dynamic_gather %get3A_61[%gather3A_113] in [0] : vector<16xf32>, vector<16xi32> -> vector<16xf32>
      %sub3A_115 = arith.subf %get3A_25, %get3A_20 : vector<16xf32>
      %mul3A_116 = arith.mulf %gather3A_110, %sub3A_115 : vector<16xf32>
      %add3A_117 = arith.addf %get3A_20, %mul3A_116 : vector<16xf32>
      %sub3A_118 = arith.subf %get3A_35, %get3A_30 : vector<16xf32>
      %mul3A_119 = arith.mulf %gather3A_110, %sub3A_118 : vector<16xf32>
      %add3A_120 = arith.addf %get3A_30, %mul3A_119 : vector<16xf32>
      %sub3A_121 = arith.subf %get3A_45, %get3A_40 : vector<16xf32>
      %mul3A_122 = arith.mulf %gather3A_110, %sub3A_121 : vector<16xf32>
      %add3A_123 = arith.addf %get3A_40, %mul3A_122 : vector<16xf32>
      %sub3A_124 = arith.subf %get3A_55, %get3A_50 : vector<16xf32>
      %mul3A_125 = arith.mulf %gather3A_110, %sub3A_124 : vector<16xf32>
      %add3A_126 = arith.addf %get3A_50, %mul3A_125 : vector<16xf32>
      %add3A_127 = arith.addf %add3A_117, %add3A_123 : vector<16xf32>
      %sub3A_128 = arith.subf %add3A_126, %add3A_123 : vector<16xf32>
      %mul3A_129 = arith.constant 2.000000e-03 : f32
      %mul3A_130 = vector.broadcast %mul3A_129 : f32 to vector<16xf32>
      %mul3A_131 = arith.mulf %gather3A_114, %mul3A_130 : vector<16xf32>
      %mul3A_132 = arith.mulf %sub3A_128, %mul3A_131 : vector<16xf32>
      %add3A_133 = arith.addf %add3A_127, %mul3A_132 : vector<16xf32>
      %sub3A_134 = arith.subf %add3A_120, %add3A_117 : vector<16xf32>
      %mul3A_135 = arith.constant 0.00999999977 : f32
      %mul3A_136 = vector.broadcast %mul3A_135 : f32 to vector<16xf32>
      %mul3A_137 = arith.mulf %gather3A_110, %mul3A_136 : vector<16xf32>
      %mul3A_138 = arith.mulf %sub3A_134, %mul3A_137 : vector<16xf32>
      %scan3A = arith.constant 0 : i32
      %scan3A_139 = arith.constant 0 : i32
      %scan3A_140 = arith.constant 125 : i32
      %scan3A_141 = arith.addi %scan3A_139, %scan3A_140 : i32
      %scan3A_142 = arith.constant 1 : i32
      %scan3A_143 = scf.for %scan3A_145 = %scan3A_139 to %scan3A_141 step %scan3A_142 iter_args(%scan3A_146 = %scan3A) -> (i32)  : i32 {
        %mul3A_147 = arith.constant 16 : i32
        %mul3A_148 = arith.muli %scan3A_145, %mul3A_147 : i32
        %get3A_149 = arith.constant 3 : i32
        %get3A_150 = arith.index_cast %get3A_149 : i32 to index
        %get3A_151 = arith.index_cast %mul3A_148 : i32 to index
        %get3A_152 = tpu.vector_load %arg18[%get3A_150, %get3A_151] {strides = array<i32>} : memref<8x2000xf32, #tpu.memory_space<vmem>>, vector<1x16xf32>,
        %get3A_153 = vector.shape_cast %get3A_152 : vector<1x16xf32> to vector<16xf32>
        %broadcast_in_dim3A_154 = arith.constant 0 : i32
        %broadcast_in_dim3A_155 = vector.broadcast %broadcast_in_dim3A_154 : i32 to vector<16x1xi32>
        %gather3A_156 = vector.shape_cast %broadcast_in_dim3A_155 : vector<16x1xi32> to vector<16xi32>
        %gather3A_157 = tpu.dynamic_gather %get3A_153[%gather3A_156] in [0] : vector<16xf32>, vector<16xi32> -> vector<16xf32>
        %mul3A_158 = arith.mulf %mul3A_138, %gather3A_157 : vector<16xf32>
        %add3A_159 = arith.addf %add3A_133, %mul3A_158 : vector<16xf32>
        %mul3A_160 = arith.constant 16 : i32
        %mul3A_161 = arith.muli %scan3A_145, %mul3A_160 : i32
        %add3A_162 = arith.constant 0 : i32
        %add3A_163 = arith.addi %mul3A_161, %add3A_162 : i32
        %swap3A = arith.constant 0 : i32
        %swap3A_164 = arith.index_cast %swap3A : i32 to index
        %swap3A_165 = arith.index_cast %add3A_163 : i32 to index
        %swap3A_166 = arith.constant 0 : index
        %swap3A_167 = tpu.vector_load %arg19[%swap3A_164, %swap3A_165, %swap3A_166] {strides = array<i32>} : memref<3x2000x16xf32, #tpu.memory_space<vmem>>, vector<1x1x16xf32>,
        %swap3A_168 = vector.shape_cast %swap3A_167 : vector<1x1x16xf32> to vector<16xf32>
        %swap3A_169 = vector.shape_cast %add3A_159 : vector<16xf32> to vector<1x1x16xf32>
        tpu.vector_store %arg19[%swap3A_164, %swap3A_165, %swap3A_166], %swap3A_169 {strides = array<i32>} : memref<3x2000x16xf32, #tpu.memory_space<vmem>>, vector<1x1x16xf32>,
        %broadcast_in_dim3A_170 = arith.constant 1 : i32
        %broadcast_in_dim3A_171 = vector.broadcast %broadcast_in_dim3A_170 : i32 to vector<16x1xi32>
        %gather3A_172 = vector.shape_cast %broadcast_in_dim3A_171 : vector<16x1xi32> to vector<16xi32>
        %gather3A_173 = tpu.dynamic_gather %get3A_153[%gather3A_172] in [0] : vector<16xf32>, vector<16xi32> -> vector<16xf32>
        %mul3A_174 = arith.mulf %mul3A_138, %gather3A_173 : vector<16xf32>
        %add3A_175 = arith.addf %add3A_133, %mul3A_174 : vector<16xf32>
        %mul3A_176 = arith.constant 16 : i32
        %mul3A_177 = arith.muli %scan3A_145, %mul3A_176 : i32
        %add3A_178 = arith.constant 1 : i32
        %add3A_179 = arith.addi %mul3A_177, %add3A_178 : i32
        %swap3A_180 = arith.constant 0 : i32
        %swap3A_181 = arith.index_cast %swap3A_180 : i32 to index
        %swap3A_182 = arith.index_cast %add3A_179 : i32 to index
        %swap3A_183 = arith.constant 0 : index
        %swap3A_184 = tpu.vector_load %arg19[%swap3A_181, %swap3A_182, %swap3A_183] {strides = array<i32>} : memref<3x2000x16xf32, #tpu.memory_space<vmem>>, vector<1x1x16xf32>,
        %swap3A_185 = vector.shape_cast %swap3A_184 : vector<1x1x16xf32> to vector<16xf32>
        %swap3A_186 = vector.shape_cast %add3A_175 : vector<16xf32> to vector<1x1x16xf32>
        tpu.vector_store %arg19[%swap3A_181, %swap3A_182, %swap3A_183], %swap3A_186 {strides = array<i32>} : memref<3x2000x16xf32, #tpu.memory_space<vmem>>, vector<1x1x16xf32>,
        %broadcast_in_dim3A_187 = arith.constant 2 : i32
        %broadcast_in_dim3A_188 = vector.broadcast %broadcast_in_dim3A_187 : i32 to vector<16x1xi32>
        %gather3A_189 = vector.shape_cast %broadcast_in_dim3A_188 : vector<16x1xi32> to vector<16xi32>
        %gather3A_190 = tpu.dynamic_gather %get3A_153[%gather3A_189] in [0] : vector<16xf32>, vector<16xi32> -> vector<16xf32>
        %mul3A_191 = arith.mulf %mul3A_138, %gather3A_190 : vector<16xf32>
        %add3A_192 = arith.addf %add3A_133, %mul3A_191 : vector<16xf32>
        %mul3A_193 = arith.constant 16 : i32
        %mul3A_194 = arith.muli %scan3A_145, %mul3A_193 : i32
        %add3A_195 = arith.constant 2 : i32
        %add3A_196 = arith.addi %mul3A_194, %add3A_195 : i32
        %swap3A_197 = arith.constant 0 : i32
        %swap3A_198 = arith.index_cast %swap3A_197 : i32 to index
        %swap3A_199 = arith.index_cast %add3A_196 : i32 to index
        %swap3A_200 = arith.constant 0 : index
        %swap3A_201 = tpu.vector_load %arg19[%swap3A_198, %swap3A_199, %swap3A_200] {strides = array<i32>} : memref<3x2000x16xf32, #tpu.memory_space<vmem>>, vector<1x1x16xf32>,
        %swap3A_202 = vector.shape_cast %swap3A_201 : vector<1x1x16xf32> to vector<16xf32>
        %swap3A_203 = vector.shape_cast %add3A_192 : vector<16xf32> to vector<1x1x16xf32>
        tpu.vector_store %arg19[%swap3A_198, %swap3A_199, %swap3A_200], %swap3A_203 {strides = array<i32>} : memref<3x2000x16xf32, #tpu.memory_space<vmem>>, vector<1x1x16xf32>,
        %broadcast_in_dim3A_204 = arith.constant 3 : i32
        %broadcast_in_dim3A_205 = vector.broadcast %broadcast_in_dim3A_204 : i32 to vector<16x1xi32>
        %gather3A_206 = vector.shape_cast %broadcast_in_dim3A_205 : vector<16x1xi32> to vector<16xi32>
        %gather3A_207 = tpu.dynamic_gather %get3A_153[%gather3A_206] in [0] : vector<16xf32>, vector<16xi32> -> vector<16xf32>
        %mul3A_208 = arith.mulf %mul3A_138, %gather3A_207 : vector<16xf32>
        %add3A_209 = arith.addf %add3A_133, %mul3A_208 : vector<16xf32>
        %mul3A_210 = arith.constant 16 : i32
        %mul3A_211 = arith.muli %scan3A_145, %mul3A_210 : i32
        %add3A_212 = arith.constant 3 : i32
        %add3A_213 = arith.addi %mul3A_211, %add3A_212 : i32
        %swap3A_214 = arith.constant 0 : i32
        %swap3A_215 = arith.index_cast %swap3A_214 : i32 to index
        %swap3A_216 = arith.index_cast %add3A_213 : i32 to index
        %swap3A_217 = arith.constant 0 : index
        %swap3A_218 = tpu.vector_load %arg19[%swap3A_215, %swap3A_216, %swap3A_217] {strides = array<i32>} : memref<3x2000x16xf32, #tpu.memory_space<vmem>>, vector<1x1x16xf32>,
        %swap3A_219 = vector.shape_cast %swap3A_218 : vector<1x1x16xf32> to vector<16xf32>
        %swap3A_220 = vector.shape_cast %add3A_209 : vector<16xf32> to vector<1x1x16xf32>
        tpu.vector_store %arg19[%swap3A_215, %swap3A_216, %swap3A_217], %swap3A_220 {strides = array<i32>} : memref<3x2000x16xf32, #tpu.memory_space<vmem>>, vector<1x1x16xf32>,
        %broadcast_in_dim3A_221 = arith.constant 4 : i32
        %broadcast_in_dim3A_222 = vector.broadcast %broadcast_in_dim3A_221 : i32 to vector<16x1xi32>
        %gather3A_223 = vector.shape_cast %broadcast_in_dim3A_222 : vector<16x1xi32> to vector<16xi32>
        %gather3A_224 = tpu.dynamic_gather %get3A_153[%gather3A_223] in [0] : vector<16xf32>, vector<16xi32> -> vector<16xf32>
        %mul3A_225 = arith.mulf %mul3A_138, %gather3A_224 : vector<16xf32>
        %add3A_226 = arith.addf %add3A_133, %mul3A_225 : vector<16xf32>
        %mul3A_227 = arith.constant 16 : i32
        %mul3A_228 = arith.muli %scan3A_145, %mul3A_227 : i32
        %add3A_229 = arith.constant 4 : i32
        %add3A_230 = arith.addi %mul3A_228, %add3A_229 : i32
        %swap3A_231 = arith.constant 0 : i32
        %swap3A_232 = arith.index_cast %swap3A_231 : i32 to index
        %swap3A_233 = arith.index_cast %add3A_230 : i32 to index
        %swap3A_234 = arith.constant 0 : index
        %swap3A_235 = tpu.vector_load %arg19[%swap3A_232, %swap3A_233, %swap3A_234] {strides = array<i32>} : memref<3x2000x16xf32, #tpu.memory_space<vmem>>, vector<1x1x16xf32>,
        %swap3A_236 = vector.shape_cast %swap3A_235 : vector<1x1x16xf32> to vector<16xf32>
        %swap3A_237 = vector.shape_cast %add3A_226 : vector<16xf32> to vector<1x1x16xf32>
        tpu.vector_store %arg19[%swap3A_232, %swap3A_233, %swap3A_234], %swap3A_237 {strides = array<i32>} : memref<3x2000x16xf32, #tpu.memory_space<vmem>>, vector<1x1x16xf32>,
        %broadcast_in_dim3A_238 = arith.constant 5 : i32
        %broadcast_in_dim3A_239 = vector.broadcast %broadcast_in_dim3A_238 : i32 to vector<16x1xi32>
        %gather3A_240 = vector.shape_cast %broadcast_in_dim3A_239 : vector<16x1xi32> to vector<16xi32>
        %gather3A_241 = tpu.dynamic_gather %get3A_153[%gather3A_240] in [0] : vector<16xf32>, vector<16xi32> -> vector<16xf32>
        %mul3A_242 = arith.mulf %mul3A_138, %gather3A_241 : vector<16xf32>
        %add3A_243 = arith.addf %add3A_133, %mul3A_242 : vector<16xf32>
        %mul3A_244 = arith.constant 16 : i32
        %mul3A_245 = arith.muli %scan3A_145, %mul3A_244 : i32
        %add3A_246 = arith.constant 5 : i32
        %add3A_247 = arith.addi %mul3A_245, %add3A_246 : i32
        %swap3A_248 = arith.constant 0 : i32
        %swap3A_249 = arith.index_cast %swap3A_248 : i32 to index
        %swap3A_250 = arith.index_cast %add3A_247 : i32 to index
        %swap3A_251 = arith.constant 0 : index
        %swap3A_252 = tpu.vector_load %arg19[%swap3A_249, %swap3A_250, %swap3A_251] {strides = array<i32>} : memref<3x2000x16xf32, #tpu.memory_space<vmem>>, vector<1x1x16xf32>,
        %swap3A_253 = vector.shape_cast %swap3A_252 : vector<1x1x16xf32> to vector<16xf32>
        %swap3A_254 = vector.shape_cast %add3A_243 : vector<16xf32> to vector<1x1x16xf32>
        tpu.vector_store %arg19[%swap3A_249, %swap3A_250, %swap3A_251], %swap3A_254 {strides = array<i32>} : memref<3x2000x16xf32, #tpu.memory_space<vmem>>, vector<1x1x16xf32>,
        %broadcast_in_dim3A_255 = arith.constant 6 : i32
        %broadcast_in_dim3A_256 = vector.broadcast %broadcast_in_dim3A_255 : i32 to vector<16x1xi32>
        %gather3A_257 = vector.shape_cast %broadcast_in_dim3A_256 : vector<16x1xi32> to vector<16xi32>
        %gather3A_258 = tpu.dynamic_gather %get3A_153[%gather3A_257] in [0] : vector<16xf32>, vector<16xi32> -> vector<16xf32>
        %mul3A_259 = arith.mulf %mul3A_138, %gather3A_258 : vector<16xf32>
        %add3A_260 = arith.addf %add3A_133, %mul3A_259 : vector<16xf32>
        %mul3A_261 = arith.constant 16 : i32
        %mul3A_262 = arith.muli %scan3A_145, %mul3A_261 : i32
        %add3A_263 = arith.constant 6 : i32
        %add3A_264 = arith.addi %mul3A_262, %add3A_263 : i32
        %swap3A_265 = arith.constant 0 : i32
        %swap3A_266 = arith.index_cast %swap3A_265 : i32 to index
        %swap3A_267 = arith.index_cast %add3A_264 : i32 to index
        %swap3A_268 = arith.constant 0 : index
        %swap3A_269 = tpu.vector_load %arg19[%swap3A_266, %swap3A_267, %swap3A_268] {strides = array<i32>} : memref<3x2000x16xf32, #tpu.memory_space<vmem>>, vector<1x1x16xf32>,
        %swap3A_270 = vector.shape_cast %swap3A_269 : vector<1x1x16xf32> to vector<16xf32>
        %swap3A_271 = vector.shape_cast %add3A_260 : vector<16xf32> to vector<1x1x16xf32>
        tpu.vector_store %arg19[%swap3A_266, %swap3A_267, %swap3A_268], %swap3A_271 {strides = array<i32>} : memref<3x2000x16xf32, #tpu.memory_space<vmem>>, vector<1x1x16xf32>,
        %broadcast_in_dim3A_272 = arith.constant 7 : i32
        %broadcast_in_dim3A_273 = vector.broadcast %broadcast_in_dim3A_272 : i32 to vector<16x1xi32>
        %gather3A_274 = vector.shape_cast %broadcast_in_dim3A_273 : vector<16x1xi32> to vector<16xi32>
        %gather3A_275 = tpu.dynamic_gather %get3A_153[%gather3A_274] in [0] : vector<16xf32>, vector<16xi32> -> vector<16xf32>
        %mul3A_276 = arith.mulf %mul3A_138, %gather3A_275 : vector<16xf32>
        %add3A_277 = arith.addf %add3A_133, %mul3A_276 : vector<16xf32>
        %mul3A_278 = arith.constant 16 : i32
        %mul3A_279 = arith.muli %scan3A_145, %mul3A_278 : i32
        %add3A_280 = arith.constant 7 : i32
        %add3A_281 = arith.addi %mul3A_279, %add3A_280 : i32
        %swap3A_282 = arith.constant 0 : i32
        %swap3A_283 = arith.index_cast %swap3A_282 : i32 to index
        %swap3A_284 = arith.index_cast %add3A_281 : i32 to index
        %swap3A_285 = arith.constant 0 : index
        %swap3A_286 = tpu.vector_load %arg19[%swap3A_283, %swap3A_284, %swap3A_285] {strides = array<i32>} : memref<3x2000x16xf32, #tpu.memory_space<vmem>>, vector<1x1x16xf32>,
        %swap3A_287 = vector.shape_cast %swap3A_286 : vector<1x1x16xf32> to vector<16xf32>
        %swap3A_288 = vector.shape_cast %add3A_277 : vector<16xf32> to vector<1x1x16xf32>
        tpu.vector_store %arg19[%swap3A_283, %swap3A_284, %swap3A_285], %swap3A_288 {strides = array<i32>} : memref<3x2000x16xf32, #tpu.memory_space<vmem>>, vector<1x1x16xf32>,
        %broadcast_in_dim3A_289 = arith.constant 8 : i32
        %broadcast_in_dim3A_290 = vector.broadcast %broadcast_in_dim3A_289 : i32 to vector<16x1xi32>
        %gather3A_291 = vector.shape_cast %broadcast_in_dim3A_290 : vector<16x1xi32> to vector<16xi32>
        %gather3A_292 = tpu.dynamic_gather %get3A_153[%gather3A_291] in [0] : vector<16xf32>, vector<16xi32> -> vector<16xf32>
        %mul3A_293 = arith.mulf %mul3A_138, %gather3A_292 : vector<16xf32>
        %add3A_294 = arith.addf %add3A_133, %mul3A_293 : vector<16xf32>
        %mul3A_295 = arith.constant 16 : i32
        %mul3A_296 = arith.muli %scan3A_145, %mul3A_295 : i32
        %add3A_297 = arith.constant 8 : i32
        %add3A_298 = arith.addi %mul3A_296, %add3A_297 : i32
        %swap3A_299 = arith.constant 0 : i32
        %swap3A_300 = arith.index_cast %swap3A_299 : i32 to index
        %swap3A_301 = arith.index_cast %add3A_298 : i32 to index
        %swap3A_302 = arith.constant 0 : index
        %swap3A_303 = tpu.vector_load %arg19[%swap3A_300, %swap3A_301, %swap3A_302] {strides = array<i32>} : memref<3x2000x16xf32, #tpu.memory_space<vmem>>, vector<1x1x16xf32>,
        %swap3A_304 = vector.shape_cast %swap3A_303 : vector<1x1x16xf32> to vector<16xf32>
        %swap3A_305 = vector.shape_cast %add3A_294 : vector<16xf32> to vector<1x1x16xf32>
        tpu.vector_store %arg19[%swap3A_300, %swap3A_301, %swap3A_302], %swap3A_305 {strides = array<i32>} : memref<3x2000x16xf32, #tpu.memory_space<vmem>>, vector<1x1x16xf32>,
        %broadcast_in_dim3A_306 = arith.constant 9 : i32
        %broadcast_in_dim3A_307 = vector.broadcast %broadcast_in_dim3A_306 : i32 to vector<16x1xi32>
        %gather3A_308 = vector.shape_cast %broadcast_in_dim3A_307 : vector<16x1xi32> to vector<16xi32>
        %gather3A_309 = tpu.dynamic_gather %get3A_153[%gather3A_308] in [0] : vector<16xf32>, vector<16xi32> -> vector<16xf32>
        %mul3A_310 = arith.mulf %mul3A_138, %gather3A_309 : vector<16xf32>
        %add3A_311 = arith.addf %add3A_133, %mul3A_310 : vector<16xf32>
        %mul3A_312 = arith.constant 16 : i32
        %mul3A_313 = arith.muli %scan3A_145, %mul3A_312 : i32
        %add3A_314 = arith.constant 9 : i32
        %add3A_315 = arith.addi %mul3A_313, %add3A_314 : i32
        %swap3A_316 = arith.constant 0 : i32
        %swap3A_317 = arith.index_cast %swap3A_316 : i32 to index
        %swap3A_318 = arith.index_cast %add3A_315 : i32 to index
        %swap3A_319 = arith.constant 0 : index
        %swap3A_320 = tpu.vector_load %arg19[%swap3A_317, %swap3A_318, %swap3A_319] {strides = array<i32>} : memref<3x2000x16xf32, #tpu.memory_space<vmem>>, vector<1x1x16xf32>,
        %swap3A_321 = vector.shape_cast %swap3A_320 : vector<1x1x16xf32> to vector<16xf32>
        %swap3A_322 = vector.shape_cast %add3A_311 : vector<16xf32> to vector<1x1x16xf32>
        tpu.vector_store %arg19[%swap3A_317, %swap3A_318, %swap3A_319], %swap3A_322 {strides = array<i32>} : memref<3x2000x16xf32, #tpu.memory_space<vmem>>, vector<1x1x16xf32>,
        %broadcast_in_dim3A_323 = arith.constant 10 : i32
        %broadcast_in_dim3A_324 = vector.broadcast %broadcast_in_dim3A_323 : i32 to vector<16x1xi32>
        %gather3A_325 = vector.shape_cast %broadcast_in_dim3A_324 : vector<16x1xi32> to vector<16xi32>
        %gather3A_326 = tpu.dynamic_gather %get3A_153[%gather3A_325] in [0] : vector<16xf32>, vector<16xi32> -> vector<16xf32>
        %mul3A_327 = arith.mulf %mul3A_138, %gather3A_326 : vector<16xf32>
        %add3A_328 = arith.addf %add3A_133, %mul3A_327 : vector<16xf32>
        %mul3A_329 = arith.constant 16 : i32
        %mul3A_330 = arith.muli %scan3A_145, %mul3A_329 : i32
        %add3A_331 = arith.constant 10 : i32
        %add3A_332 = arith.addi %mul3A_330, %add3A_331 : i32
        %swap3A_333 = arith.constant 0 : i32
        %swap3A_334 = arith.index_cast %swap3A_333 : i32 to index
        %swap3A_335 = arith.index_cast %add3A_332 : i32 to index
        %swap3A_336 = arith.constant 0 : index
        %swap3A_337 = tpu.vector_load %arg19[%swap3A_334, %swap3A_335, %swap3A_336] {strides = array<i32>} : memref<3x2000x16xf32, #tpu.memory_space<vmem>>, vector<1x1x16xf32>,
        %swap3A_338 = vector.shape_cast %swap3A_337 : vector<1x1x16xf32> to vector<16xf32>
        %swap3A_339 = vector.shape_cast %add3A_328 : vector<16xf32> to vector<1x1x16xf32>
        tpu.vector_store %arg19[%swap3A_334, %swap3A_335, %swap3A_336], %swap3A_339 {strides = array<i32>} : memref<3x2000x16xf32, #tpu.memory_space<vmem>>, vector<1x1x16xf32>,
        %broadcast_in_dim3A_340 = arith.constant 11 : i32
        %broadcast_in_dim3A_341 = vector.broadcast %broadcast_in_dim3A_340 : i32 to vector<16x1xi32>
        %gather3A_342 = vector.shape_cast %broadcast_in_dim3A_341 : vector<16x1xi32> to vector<16xi32>
        %gather3A_343 = tpu.dynamic_gather %get3A_153[%gather3A_342] in [0] : vector<16xf32>, vector<16xi32> -> vector<16xf32>
        %mul3A_344 = arith.mulf %mul3A_138, %gather3A_343 : vector<16xf32>
        %add3A_345 = arith.addf %add3A_133, %mul3A_344 : vector<16xf32>
        %mul3A_346 = arith.constant 16 : i32
        %mul3A_347 = arith.muli %scan3A_145, %mul3A_346 : i32
        %add3A_348 = arith.constant 11 : i32
        %add3A_349 = arith.addi %mul3A_347, %add3A_348 : i32
        %swap3A_350 = arith.constant 0 : i32
        %swap3A_351 = arith.index_cast %swap3A_350 : i32 to index
        %swap3A_352 = arith.index_cast %add3A_349 : i32 to index
        %swap3A_353 = arith.constant 0 : index
        %swap3A_354 = tpu.vector_load %arg19[%swap3A_351, %swap3A_352, %swap3A_353] {strides = array<i32>} : memref<3x2000x16xf32, #tpu.memory_space<vmem>>, vector<1x1x16xf32>,
        %swap3A_355 = vector.shape_cast %swap3A_354 : vector<1x1x16xf32> to vector<16xf32>
        %swap3A_356 = vector.shape_cast %add3A_345 : vector<16xf32> to vector<1x1x16xf32>
        tpu.vector_store %arg19[%swap3A_351, %swap3A_352, %swap3A_353], %swap3A_356 {strides = array<i32>} : memref<3x2000x16xf32, #tpu.memory_space<vmem>>, vector<1x1x16xf32>,
        %broadcast_in_dim3A_357 = arith.constant 12 : i32
        %broadcast_in_dim3A_358 = vector.broadcast %broadcast_in_dim3A_357 : i32 to vector<16x1xi32>
        %gather3A_359 = vector.shape_cast %broadcast_in_dim3A_358 : vector<16x1xi32> to vector<16xi32>
        %gather3A_360 = tpu.dynamic_gather %get3A_153[%gather3A_359] in [0] : vector<16xf32>, vector<16xi32> -> vector<16xf32>
        %mul3A_361 = arith.mulf %mul3A_138, %gather3A_360 : vector<16xf32>
        %add3A_362 = arith.addf %add3A_133, %mul3A_361 : vector<16xf32>
        %mul3A_363 = arith.constant 16 : i32
        %mul3A_364 = arith.muli %scan3A_145, %mul3A_363 : i32
        %add3A_365 = arith.constant 12 : i32
        %add3A_366 = arith.addi %mul3A_364, %add3A_365 : i32
        %swap3A_367 = arith.constant 0 : i32
        %swap3A_368 = arith.index_cast %swap3A_367 : i32 to index
        %swap3A_369 = arith.index_cast %add3A_366 : i32 to index
        %swap3A_370 = arith.constant 0 : index
        %swap3A_371 = tpu.vector_load %arg19[%swap3A_368, %swap3A_369, %swap3A_370] {strides = array<i32>} : memref<3x2000x16xf32, #tpu.memory_space<vmem>>, vector<1x1x16xf32>,
        %swap3A_372 = vector.shape_cast %swap3A_371 : vector<1x1x16xf32> to vector<16xf32>
        %swap3A_373 = vector.shape_cast %add3A_362 : vector<16xf32> to vector<1x1x16xf32>
        tpu.vector_store %arg19[%swap3A_368, %swap3A_369, %swap3A_370], %swap3A_373 {strides = array<i32>} : memref<3x2000x16xf32, #tpu.memory_space<vmem>>, vector<1x1x16xf32>,
        %broadcast_in_dim3A_374 = arith.constant 13 : i32
        %broadcast_in_dim3A_375 = vector.broadcast %broadcast_in_dim3A_374 : i32 to vector<16x1xi32>
        %gather3A_376 = vector.shape_cast %broadcast_in_dim3A_375 : vector<16x1xi32> to vector<16xi32>
        %gather3A_377 = tpu.dynamic_gather %get3A_153[%gather3A_376] in [0] : vector<16xf32>, vector<16xi32> -> vector<16xf32>
        %mul3A_378 = arith.mulf %mul3A_138, %gather3A_377 : vector<16xf32>
        %add3A_379 = arith.addf %add3A_133, %mul3A_378 : vector<16xf32>
        %mul3A_380 = arith.constant 16 : i32
        %mul3A_381 = arith.muli %scan3A_145, %mul3A_380 : i32
        %add3A_382 = arith.constant 13 : i32
        %add3A_383 = arith.addi %mul3A_381, %add3A_382 : i32
        %swap3A_384 = arith.constant 0 : i32
        %swap3A_385 = arith.index_cast %swap3A_384 : i32 to index
        %swap3A_386 = arith.index_cast %add3A_383 : i32 to index
        %swap3A_387 = arith.constant 0 : index
        %swap3A_388 = tpu.vector_load %arg19[%swap3A_385, %swap3A_386, %swap3A_387] {strides = array<i32>} : memref<3x2000x16xf32, #tpu.memory_space<vmem>>, vector<1x1x16xf32>,
        %swap3A_389 = vector.shape_cast %swap3A_388 : vector<1x1x16xf32> to vector<16xf32>
        %swap3A_390 = vector.shape_cast %add3A_379 : vector<16xf32> to vector<1x1x16xf32>
        tpu.vector_store %arg19[%swap3A_385, %swap3A_386, %swap3A_387], %swap3A_390 {strides = array<i32>} : memref<3x2000x16xf32, #tpu.memory_space<vmem>>, vector<1x1x16xf32>,
        %broadcast_in_dim3A_391 = arith.constant 14 : i32
        %broadcast_in_dim3A_392 = vector.broadcast %broadcast_in_dim3A_391 : i32 to vector<16x1xi32>
        %gather3A_393 = vector.shape_cast %broadcast_in_dim3A_392 : vector<16x1xi32> to vector<16xi32>
        %gather3A_394 = tpu.dynamic_gather %get3A_153[%gather3A_393] in [0] : vector<16xf32>, vector<16xi32> -> vector<16xf32>
        %mul3A_395 = arith.mulf %mul3A_138, %gather3A_394 : vector<16xf32>
        %add3A_396 = arith.addf %add3A_133, %mul3A_395 : vector<16xf32>
        %mul3A_397 = arith.constant 16 : i32
        %mul3A_398 = arith.muli %scan3A_145, %mul3A_397 : i32
        %add3A_399 = arith.constant 14 : i32
        %add3A_400 = arith.addi %mul3A_398, %add3A_399 : i32
        %swap3A_401 = arith.constant 0 : i32
        %swap3A_402 = arith.index_cast %swap3A_401 : i32 to index
        %swap3A_403 = arith.index_cast %add3A_400 : i32 to index
        %swap3A_404 = arith.constant 0 : index
        %swap3A_405 = tpu.vector_load %arg19[%swap3A_402, %swap3A_403, %swap3A_404] {strides = array<i32>} : memref<3x2000x16xf32, #tpu.memory_space<vmem>>, vector<1x1x16xf32>,
        %swap3A_406 = vector.shape_cast %swap3A_405 : vector<1x1x16xf32> to vector<16xf32>
        %swap3A_407 = vector.shape_cast %add3A_396 : vector<16xf32> to vector<1x1x16xf32>
        tpu.vector_store %arg19[%swap3A_402, %swap3A_403, %swap3A_404], %swap3A_407 {strides = array<i32>} : memref<3x2000x16xf32, #tpu.memory_space<vmem>>, vector<1x1x16xf32>,
        %broadcast_in_dim3A_408 = arith.constant 15 : i32
        %broadcast_in_dim3A_409 = vector.broadcast %broadcast_in_dim3A_408 : i32 to vector<16x1xi32>
        %gather3A_410 = vector.shape_cast %broadcast_in_dim3A_409 : vector<16x1xi32> to vector<16xi32>
        %gather3A_411 = tpu.dynamic_gather %get3A_153[%gather3A_410] in [0] : vector<16xf32>, vector<16xi32> -> vector<16xf32>
        %mul3A_412 = arith.mulf %mul3A_138, %gather3A_411 : vector<16xf32>
        %add3A_413 = arith.addf %add3A_133, %mul3A_412 : vector<16xf32>
        %mul3A_414 = arith.constant 16 : i32
        %mul3A_415 = arith.muli %scan3A_145, %mul3A_414 : i32
        %add3A_416 = arith.constant 15 : i32
        %add3A_417 = arith.addi %mul3A_415, %add3A_416 : i32
        %swap3A_418 = arith.constant 0 : i32
        %swap3A_419 = arith.index_cast %swap3A_418 : i32 to index
        %swap3A_420 = arith.index_cast %add3A_417 : i32 to index
        %swap3A_421 = arith.constant 0 : index
        %swap3A_422 = tpu.vector_load %arg19[%swap3A_419, %swap3A_420, %swap3A_421] {strides = array<i32>} : memref<3x2000x16xf32, #tpu.memory_space<vmem>>, vector<1x1x16xf32>,
        %swap3A_423 = vector.shape_cast %swap3A_422 : vector<1x1x16xf32> to vector<16xf32>
        %swap3A_424 = vector.shape_cast %add3A_413 : vector<16xf32> to vector<1x1x16xf32>
        tpu.vector_store %arg19[%swap3A_419, %swap3A_420, %swap3A_421], %swap3A_424 {strides = array<i32>} : memref<3x2000x16xf32, #tpu.memory_space<vmem>>, vector<1x1x16xf32>,
        %scan3A_425 = arith.constant 0 : i32
        scf.yield %scan3A_425 : i32
      }
      %scan3A_144 = arith.constant 125 : i32
    } else {
    }
    %gt3A_84 = arith.constant 4 : i32
    %gt3A_85 = arith.cmpi sgt, %select_n3A_12, %gt3A_84 : i32
    %convert_element_type3A_86 = arith.extui %gt3A_85 : i1 to i32
    %cond3A_87 = arith.constant 0 : i32
    %cond3A_88 = arith.cmpi ne, %convert_element_type3A_86, %cond3A_87 : i32
    scf.if %cond3A_88 {
      %broadcast_in_dim3A = arith.constant 4 : i32
      %broadcast_in_dim3A_109 = vector.broadcast %broadcast_in_dim3A : i32 to vector<16x1xi32>
      %gather3A = vector.shape_cast %broadcast_in_dim3A_109 : vector<16x1xi32> to vector<16xi32>
      %gather3A_110 = tpu.dynamic_gather %get3A_58[%gather3A] in [0] : vector<16xf32>, vector<16xi32> -> vector<16xf32>
      %broadcast_in_dim3A_111 = arith.constant 4 : i32
      %broadcast_in_dim3A_112 = vector.broadcast %broadcast_in_dim3A_111 : i32 to vector<16x1xi32>
      %gather3A_113 = vector.shape_cast %broadcast_in_dim3A_112 : vector<16x1xi32> to vector<16xi32>
      %gather3A_114 = tpu.dynamic_gather %get3A_61[%gather3A_113] in [0] : vector<16xf32>, vector<16xi32> -> vector<16xf32>
      %sub3A_115 = arith.subf %get3A_25, %get3A_20 : vector<16xf32>
      %mul3A_116 = arith.mulf %gather3A_110, %sub3A_115 : vector<16xf32>
      %add3A_117 = arith.addf %get3A_20, %mul3A_116 : vector<16xf32>
      %sub3A_118 = arith.subf %get3A_35, %get3A_30 : vector<16xf32>
      %mul3A_119 = arith.mulf %gather3A_110, %sub3A_118 : vector<16xf32>
      %add3A_120 = arith.addf %get3A_30, %mul3A_119 : vector<16xf32>
      %sub3A_121 = arith.subf %get3A_45, %get3A_40 : vector<16xf32>
      %mul3A_122 = arith.mulf %gather3A_110, %sub3A_121 : vector<16xf32>
      %add3A_123 = arith.addf %get3A_40, %mul3A_122 : vector<16xf32>
      %sub3A_124 = arith.subf %get3A_55, %get3A_50 : vector<16xf32>
      %mul3A_125 = arith.mulf %gather3A_110, %sub3A_124 : vector<16xf32>
      %add3A_126 = arith.addf %get3A_50, %mul3A_125 : vector<16xf32>
      %add3A_127 = arith.addf %add3A_117, %add3A_123 : vector<16xf32>
      %sub3A_128 = arith.subf %add3A_126, %add3A_123 : vector<16xf32>
      %mul3A_129 = arith.constant 2.000000e-03 : f32
      %mul3A_130 = vector.broadcast %mul3A_129 : f32 to vector<16xf32>
      %mul3A_131 = arith.mulf %gather3A_114, %mul3A_130 : vector<16xf32>
      %mul3A_132 = arith.mulf %sub3A_128, %mul3A_131 : vector<16xf32>
      %add3A_133 = arith.addf %add3A_127, %mul3A_132 : vector<16xf32>
      %sub3A_134 = arith.subf %add3A_120, %add3A_117 : vector<16xf32>
      %mul3A_135 = arith.constant 0.00999999977 : f32
      %mul3A_136 = vector.broadcast %mul3A_135 : f32 to vector<16xf32>
      %mul3A_137 = arith.mulf %gather3A_110, %mul3A_136 : vector<16xf32>
      %mul3A_138 = arith.mulf %sub3A_134, %mul3A_137 : vector<16xf32>
      %scan3A = arith.constant 0 : i32
      %scan3A_139 = arith.constant 0 : i32
      %scan3A_140 = arith.constant 125 : i32
      %scan3A_141 = arith.addi %scan3A_139, %scan3A_140 : i32
      %scan3A_142 = arith.constant 1 : i32
      %scan3A_143 = scf.for %scan3A_145 = %scan3A_139 to %scan3A_141 step %scan3A_142 iter_args(%scan3A_146 = %scan3A) -> (i32)  : i32 {
        %mul3A_147 = arith.constant 16 : i32
        %mul3A_148 = arith.muli %scan3A_145, %mul3A_147 : i32
        %get3A_149 = arith.constant 4 : i32
        %get3A_150 = arith.index_cast %get3A_149 : i32 to index
        %get3A_151 = arith.index_cast %mul3A_148 : i32 to index
        %get3A_152 = tpu.vector_load %arg18[%get3A_150, %get3A_151] {strides = array<i32>} : memref<8x2000xf32, #tpu.memory_space<vmem>>, vector<1x16xf32>,
        %get3A_153 = vector.shape_cast %get3A_152 : vector<1x16xf32> to vector<16xf32>
        %broadcast_in_dim3A_154 = arith.constant 0 : i32
        %broadcast_in_dim3A_155 = vector.broadcast %broadcast_in_dim3A_154 : i32 to vector<16x1xi32>
        %gather3A_156 = vector.shape_cast %broadcast_in_dim3A_155 : vector<16x1xi32> to vector<16xi32>
        %gather3A_157 = tpu.dynamic_gather %get3A_153[%gather3A_156] in [0] : vector<16xf32>, vector<16xi32> -> vector<16xf32>
        %mul3A_158 = arith.mulf %mul3A_138, %gather3A_157 : vector<16xf32>
        %add3A_159 = arith.addf %add3A_133, %mul3A_158 : vector<16xf32>
        %mul3A_160 = arith.constant 16 : i32
        %mul3A_161 = arith.muli %scan3A_145, %mul3A_160 : i32
        %add3A_162 = arith.constant 0 : i32
        %add3A_163 = arith.addi %mul3A_161, %add3A_162 : i32
        %swap3A = arith.constant 1 : i32
        %swap3A_164 = arith.index_cast %swap3A : i32 to index
        %swap3A_165 = arith.index_cast %add3A_163 : i32 to index
        %swap3A_166 = arith.constant 0 : index
        %swap3A_167 = tpu.vector_load %arg19[%swap3A_164, %swap3A_165, %swap3A_166] {strides = array<i32>} : memref<3x2000x16xf32, #tpu.memory_space<vmem>>, vector<1x1x16xf32>,
        %swap3A_168 = vector.shape_cast %swap3A_167 : vector<1x1x16xf32> to vector<16xf32>
        %swap3A_169 = vector.shape_cast %add3A_159 : vector<16xf32> to vector<1x1x16xf32>
        tpu.vector_store %arg19[%swap3A_164, %swap3A_165, %swap3A_166], %swap3A_169 {strides = array<i32>} : memref<3x2000x16xf32, #tpu.memory_space<vmem>>, vector<1x1x16xf32>,
        %broadcast_in_dim3A_170 = arith.constant 1 : i32
        %broadcast_in_dim3A_171 = vector.broadcast %broadcast_in_dim3A_170 : i32 to vector<16x1xi32>
        %gather3A_172 = vector.shape_cast %broadcast_in_dim3A_171 : vector<16x1xi32> to vector<16xi32>
        %gather3A_173 = tpu.dynamic_gather %get3A_153[%gather3A_172] in [0] : vector<16xf32>, vector<16xi32> -> vector<16xf32>
        %mul3A_174 = arith.mulf %mul3A_138, %gather3A_173 : vector<16xf32>
        %add3A_175 = arith.addf %add3A_133, %mul3A_174 : vector<16xf32>
        %mul3A_176 = arith.constant 16 : i32
        %mul3A_177 = arith.muli %scan3A_145, %mul3A_176 : i32
        %add3A_178 = arith.constant 1 : i32
        %add3A_179 = arith.addi %mul3A_177, %add3A_178 : i32
        %swap3A_180 = arith.constant 1 : i32
        %swap3A_181 = arith.index_cast %swap3A_180 : i32 to index
        %swap3A_182 = arith.index_cast %add3A_179 : i32 to index
        %swap3A_183 = arith.constant 0 : index
        %swap3A_184 = tpu.vector_load %arg19[%swap3A_181, %swap3A_182, %swap3A_183] {strides = array<i32>} : memref<3x2000x16xf32, #tpu.memory_space<vmem>>, vector<1x1x16xf32>,
        %swap3A_185 = vector.shape_cast %swap3A_184 : vector<1x1x16xf32> to vector<16xf32>
        %swap3A_186 = vector.shape_cast %add3A_175 : vector<16xf32> to vector<1x1x16xf32>
        tpu.vector_store %arg19[%swap3A_181, %swap3A_182, %swap3A_183], %swap3A_186 {strides = array<i32>} : memref<3x2000x16xf32, #tpu.memory_space<vmem>>, vector<1x1x16xf32>,
        %broadcast_in_dim3A_187 = arith.constant 2 : i32
        %broadcast_in_dim3A_188 = vector.broadcast %broadcast_in_dim3A_187 : i32 to vector<16x1xi32>
        %gather3A_189 = vector.shape_cast %broadcast_in_dim3A_188 : vector<16x1xi32> to vector<16xi32>
        %gather3A_190 = tpu.dynamic_gather %get3A_153[%gather3A_189] in [0] : vector<16xf32>, vector<16xi32> -> vector<16xf32>
        %mul3A_191 = arith.mulf %mul3A_138, %gather3A_190 : vector<16xf32>
        %add3A_192 = arith.addf %add3A_133, %mul3A_191 : vector<16xf32>
        %mul3A_193 = arith.constant 16 : i32
        %mul3A_194 = arith.muli %scan3A_145, %mul3A_193 : i32
        %add3A_195 = arith.constant 2 : i32
        %add3A_196 = arith.addi %mul3A_194, %add3A_195 : i32
        %swap3A_197 = arith.constant 1 : i32
        %swap3A_198 = arith.index_cast %swap3A_197 : i32 to index
        %swap3A_199 = arith.index_cast %add3A_196 : i32 to index
        %swap3A_200 = arith.constant 0 : index
        %swap3A_201 = tpu.vector_load %arg19[%swap3A_198, %swap3A_199, %swap3A_200] {strides = array<i32>} : memref<3x2000x16xf32, #tpu.memory_space<vmem>>, vector<1x1x16xf32>,
        %swap3A_202 = vector.shape_cast %swap3A_201 : vector<1x1x16xf32> to vector<16xf32>
        %swap3A_203 = vector.shape_cast %add3A_192 : vector<16xf32> to vector<1x1x16xf32>
        tpu.vector_store %arg19[%swap3A_198, %swap3A_199, %swap3A_200], %swap3A_203 {strides = array<i32>} : memref<3x2000x16xf32, #tpu.memory_space<vmem>>, vector<1x1x16xf32>,
        %broadcast_in_dim3A_204 = arith.constant 3 : i32
        %broadcast_in_dim3A_205 = vector.broadcast %broadcast_in_dim3A_204 : i32 to vector<16x1xi32>
        %gather3A_206 = vector.shape_cast %broadcast_in_dim3A_205 : vector<16x1xi32> to vector<16xi32>
        %gather3A_207 = tpu.dynamic_gather %get3A_153[%gather3A_206] in [0] : vector<16xf32>, vector<16xi32> -> vector<16xf32>
        %mul3A_208 = arith.mulf %mul3A_138, %gather3A_207 : vector<16xf32>
        %add3A_209 = arith.addf %add3A_133, %mul3A_208 : vector<16xf32>
        %mul3A_210 = arith.constant 16 : i32
        %mul3A_211 = arith.muli %scan3A_145, %mul3A_210 : i32
        %add3A_212 = arith.constant 3 : i32
        %add3A_213 = arith.addi %mul3A_211, %add3A_212 : i32
        %swap3A_214 = arith.constant 1 : i32
        %swap3A_215 = arith.index_cast %swap3A_214 : i32 to index
        %swap3A_216 = arith.index_cast %add3A_213 : i32 to index
        %swap3A_217 = arith.constant 0 : index
        %swap3A_218 = tpu.vector_load %arg19[%swap3A_215, %swap3A_216, %swap3A_217] {strides = array<i32>} : memref<3x2000x16xf32, #tpu.memory_space<vmem>>, vector<1x1x16xf32>,
        %swap3A_219 = vector.shape_cast %swap3A_218 : vector<1x1x16xf32> to vector<16xf32>
        %swap3A_220 = vector.shape_cast %add3A_209 : vector<16xf32> to vector<1x1x16xf32>
        tpu.vector_store %arg19[%swap3A_215, %swap3A_216, %swap3A_217], %swap3A_220 {strides = array<i32>} : memref<3x2000x16xf32, #tpu.memory_space<vmem>>, vector<1x1x16xf32>,
        %broadcast_in_dim3A_221 = arith.constant 4 : i32
        %broadcast_in_dim3A_222 = vector.broadcast %broadcast_in_dim3A_221 : i32 to vector<16x1xi32>
        %gather3A_223 = vector.shape_cast %broadcast_in_dim3A_222 : vector<16x1xi32> to vector<16xi32>
        %gather3A_224 = tpu.dynamic_gather %get3A_153[%gather3A_223] in [0] : vector<16xf32>, vector<16xi32> -> vector<16xf32>
        %mul3A_225 = arith.mulf %mul3A_138, %gather3A_224 : vector<16xf32>
        %add3A_226 = arith.addf %add3A_133, %mul3A_225 : vector<16xf32>
        %mul3A_227 = arith.constant 16 : i32
        %mul3A_228 = arith.muli %scan3A_145, %mul3A_227 : i32
        %add3A_229 = arith.constant 4 : i32
        %add3A_230 = arith.addi %mul3A_228, %add3A_229 : i32
        %swap3A_231 = arith.constant 1 : i32
        %swap3A_232 = arith.index_cast %swap3A_231 : i32 to index
        %swap3A_233 = arith.index_cast %add3A_230 : i32 to index
        %swap3A_234 = arith.constant 0 : index
        %swap3A_235 = tpu.vector_load %arg19[%swap3A_232, %swap3A_233, %swap3A_234] {strides = array<i32>} : memref<3x2000x16xf32, #tpu.memory_space<vmem>>, vector<1x1x16xf32>,
        %swap3A_236 = vector.shape_cast %swap3A_235 : vector<1x1x16xf32> to vector<16xf32>
        %swap3A_237 = vector.shape_cast %add3A_226 : vector<16xf32> to vector<1x1x16xf32>
        tpu.vector_store %arg19[%swap3A_232, %swap3A_233, %swap3A_234], %swap3A_237 {strides = array<i32>} : memref<3x2000x16xf32, #tpu.memory_space<vmem>>, vector<1x1x16xf32>,
        %broadcast_in_dim3A_238 = arith.constant 5 : i32
        %broadcast_in_dim3A_239 = vector.broadcast %broadcast_in_dim3A_238 : i32 to vector<16x1xi32>
        %gather3A_240 = vector.shape_cast %broadcast_in_dim3A_239 : vector<16x1xi32> to vector<16xi32>
        %gather3A_241 = tpu.dynamic_gather %get3A_153[%gather3A_240] in [0] : vector<16xf32>, vector<16xi32> -> vector<16xf32>
        %mul3A_242 = arith.mulf %mul3A_138, %gather3A_241 : vector<16xf32>
        %add3A_243 = arith.addf %add3A_133, %mul3A_242 : vector<16xf32>
        %mul3A_244 = arith.constant 16 : i32
        %mul3A_245 = arith.muli %scan3A_145, %mul3A_244 : i32
        %add3A_246 = arith.constant 5 : i32
        %add3A_247 = arith.addi %mul3A_245, %add3A_246 : i32
        %swap3A_248 = arith.constant 1 : i32
        %swap3A_249 = arith.index_cast %swap3A_248 : i32 to index
        %swap3A_250 = arith.index_cast %add3A_247 : i32 to index
        %swap3A_251 = arith.constant 0 : index
        %swap3A_252 = tpu.vector_load %arg19[%swap3A_249, %swap3A_250, %swap3A_251] {strides = array<i32>} : memref<3x2000x16xf32, #tpu.memory_space<vmem>>, vector<1x1x16xf32>,
        %swap3A_253 = vector.shape_cast %swap3A_252 : vector<1x1x16xf32> to vector<16xf32>
        %swap3A_254 = vector.shape_cast %add3A_243 : vector<16xf32> to vector<1x1x16xf32>
        tpu.vector_store %arg19[%swap3A_249, %swap3A_250, %swap3A_251], %swap3A_254 {strides = array<i32>} : memref<3x2000x16xf32, #tpu.memory_space<vmem>>, vector<1x1x16xf32>,
        %broadcast_in_dim3A_255 = arith.constant 6 : i32
        %broadcast_in_dim3A_256 = vector.broadcast %broadcast_in_dim3A_255 : i32 to vector<16x1xi32>
        %gather3A_257 = vector.shape_cast %broadcast_in_dim3A_256 : vector<16x1xi32> to vector<16xi32>
        %gather3A_258 = tpu.dynamic_gather %get3A_153[%gather3A_257] in [0] : vector<16xf32>, vector<16xi32> -> vector<16xf32>
        %mul3A_259 = arith.mulf %mul3A_138, %gather3A_258 : vector<16xf32>
        %add3A_260 = arith.addf %add3A_133, %mul3A_259 : vector<16xf32>
        %mul3A_261 = arith.constant 16 : i32
        %mul3A_262 = arith.muli %scan3A_145, %mul3A_261 : i32
        %add3A_263 = arith.constant 6 : i32
        %add3A_264 = arith.addi %mul3A_262, %add3A_263 : i32
        %swap3A_265 = arith.constant 1 : i32
        %swap3A_266 = arith.index_cast %swap3A_265 : i32 to index
        %swap3A_267 = arith.index_cast %add3A_264 : i32 to index
        %swap3A_268 = arith.constant 0 : index
        %swap3A_269 = tpu.vector_load %arg19[%swap3A_266, %swap3A_267, %swap3A_268] {strides = array<i32>} : memref<3x2000x16xf32, #tpu.memory_space<vmem>>, vector<1x1x16xf32>,
        %swap3A_270 = vector.shape_cast %swap3A_269 : vector<1x1x16xf32> to vector<16xf32>
        %swap3A_271 = vector.shape_cast %add3A_260 : vector<16xf32> to vector<1x1x16xf32>
        tpu.vector_store %arg19[%swap3A_266, %swap3A_267, %swap3A_268], %swap3A_271 {strides = array<i32>} : memref<3x2000x16xf32, #tpu.memory_space<vmem>>, vector<1x1x16xf32>,
        %broadcast_in_dim3A_272 = arith.constant 7 : i32
        %broadcast_in_dim3A_273 = vector.broadcast %broadcast_in_dim3A_272 : i32 to vector<16x1xi32>
        %gather3A_274 = vector.shape_cast %broadcast_in_dim3A_273 : vector<16x1xi32> to vector<16xi32>
        %gather3A_275 = tpu.dynamic_gather %get3A_153[%gather3A_274] in [0] : vector<16xf32>, vector<16xi32> -> vector<16xf32>
        %mul3A_276 = arith.mulf %mul3A_138, %gather3A_275 : vector<16xf32>
        %add3A_277 = arith.addf %add3A_133, %mul3A_276 : vector<16xf32>
        %mul3A_278 = arith.constant 16 : i32
        %mul3A_279 = arith.muli %scan3A_145, %mul3A_278 : i32
        %add3A_280 = arith.constant 7 : i32
        %add3A_281 = arith.addi %mul3A_279, %add3A_280 : i32
        %swap3A_282 = arith.constant 1 : i32
        %swap3A_283 = arith.index_cast %swap3A_282 : i32 to index
        %swap3A_284 = arith.index_cast %add3A_281 : i32 to index
        %swap3A_285 = arith.constant 0 : index
        %swap3A_286 = tpu.vector_load %arg19[%swap3A_283, %swap3A_284, %swap3A_285] {strides = array<i32>} : memref<3x2000x16xf32, #tpu.memory_space<vmem>>, vector<1x1x16xf32>,
        %swap3A_287 = vector.shape_cast %swap3A_286 : vector<1x1x16xf32> to vector<16xf32>
        %swap3A_288 = vector.shape_cast %add3A_277 : vector<16xf32> to vector<1x1x16xf32>
        tpu.vector_store %arg19[%swap3A_283, %swap3A_284, %swap3A_285], %swap3A_288 {strides = array<i32>} : memref<3x2000x16xf32, #tpu.memory_space<vmem>>, vector<1x1x16xf32>,
        %broadcast_in_dim3A_289 = arith.constant 8 : i32
        %broadcast_in_dim3A_290 = vector.broadcast %broadcast_in_dim3A_289 : i32 to vector<16x1xi32>
        %gather3A_291 = vector.shape_cast %broadcast_in_dim3A_290 : vector<16x1xi32> to vector<16xi32>
        %gather3A_292 = tpu.dynamic_gather %get3A_153[%gather3A_291] in [0] : vector<16xf32>, vector<16xi32> -> vector<16xf32>
        %mul3A_293 = arith.mulf %mul3A_138, %gather3A_292 : vector<16xf32>
        %add3A_294 = arith.addf %add3A_133, %mul3A_293 : vector<16xf32>
        %mul3A_295 = arith.constant 16 : i32
        %mul3A_296 = arith.muli %scan3A_145, %mul3A_295 : i32
        %add3A_297 = arith.constant 8 : i32
        %add3A_298 = arith.addi %mul3A_296, %add3A_297 : i32
        %swap3A_299 = arith.constant 1 : i32
        %swap3A_300 = arith.index_cast %swap3A_299 : i32 to index
        %swap3A_301 = arith.index_cast %add3A_298 : i32 to index
        %swap3A_302 = arith.constant 0 : index
        %swap3A_303 = tpu.vector_load %arg19[%swap3A_300, %swap3A_301, %swap3A_302] {strides = array<i32>} : memref<3x2000x16xf32, #tpu.memory_space<vmem>>, vector<1x1x16xf32>,
        %swap3A_304 = vector.shape_cast %swap3A_303 : vector<1x1x16xf32> to vector<16xf32>
        %swap3A_305 = vector.shape_cast %add3A_294 : vector<16xf32> to vector<1x1x16xf32>
        tpu.vector_store %arg19[%swap3A_300, %swap3A_301, %swap3A_302], %swap3A_305 {strides = array<i32>} : memref<3x2000x16xf32, #tpu.memory_space<vmem>>, vector<1x1x16xf32>,
        %broadcast_in_dim3A_306 = arith.constant 9 : i32
        %broadcast_in_dim3A_307 = vector.broadcast %broadcast_in_dim3A_306 : i32 to vector<16x1xi32>
        %gather3A_308 = vector.shape_cast %broadcast_in_dim3A_307 : vector<16x1xi32> to vector<16xi32>
        %gather3A_309 = tpu.dynamic_gather %get3A_153[%gather3A_308] in [0] : vector<16xf32>, vector<16xi32> -> vector<16xf32>
        %mul3A_310 = arith.mulf %mul3A_138, %gather3A_309 : vector<16xf32>
        %add3A_311 = arith.addf %add3A_133, %mul3A_310 : vector<16xf32>
        %mul3A_312 = arith.constant 16 : i32
        %mul3A_313 = arith.muli %scan3A_145, %mul3A_312 : i32
        %add3A_314 = arith.constant 9 : i32
        %add3A_315 = arith.addi %mul3A_313, %add3A_314 : i32
        %swap3A_316 = arith.constant 1 : i32
        %swap3A_317 = arith.index_cast %swap3A_316 : i32 to index
        %swap3A_318 = arith.index_cast %add3A_315 : i32 to index
        %swap3A_319 = arith.constant 0 : index
        %swap3A_320 = tpu.vector_load %arg19[%swap3A_317, %swap3A_318, %swap3A_319] {strides = array<i32>} : memref<3x2000x16xf32, #tpu.memory_space<vmem>>, vector<1x1x16xf32>,
        %swap3A_321 = vector.shape_cast %swap3A_320 : vector<1x1x16xf32> to vector<16xf32>
        %swap3A_322 = vector.shape_cast %add3A_311 : vector<16xf32> to vector<1x1x16xf32>
        tpu.vector_store %arg19[%swap3A_317, %swap3A_318, %swap3A_319], %swap3A_322 {strides = array<i32>} : memref<3x2000x16xf32, #tpu.memory_space<vmem>>, vector<1x1x16xf32>,
        %broadcast_in_dim3A_323 = arith.constant 10 : i32
        %broadcast_in_dim3A_324 = vector.broadcast %broadcast_in_dim3A_323 : i32 to vector<16x1xi32>
        %gather3A_325 = vector.shape_cast %broadcast_in_dim3A_324 : vector<16x1xi32> to vector<16xi32>
        %gather3A_326 = tpu.dynamic_gather %get3A_153[%gather3A_325] in [0] : vector<16xf32>, vector<16xi32> -> vector<16xf32>
        %mul3A_327 = arith.mulf %mul3A_138, %gather3A_326 : vector<16xf32>
        %add3A_328 = arith.addf %add3A_133, %mul3A_327 : vector<16xf32>
        %mul3A_329 = arith.constant 16 : i32
        %mul3A_330 = arith.muli %scan3A_145, %mul3A_329 : i32
        %add3A_331 = arith.constant 10 : i32
        %add3A_332 = arith.addi %mul3A_330, %add3A_331 : i32
        %swap3A_333 = arith.constant 1 : i32
        %swap3A_334 = arith.index_cast %swap3A_333 : i32 to index
        %swap3A_335 = arith.index_cast %add3A_332 : i32 to index
        %swap3A_336 = arith.constant 0 : index
        %swap3A_337 = tpu.vector_load %arg19[%swap3A_334, %swap3A_335, %swap3A_336] {strides = array<i32>} : memref<3x2000x16xf32, #tpu.memory_space<vmem>>, vector<1x1x16xf32>,
        %swap3A_338 = vector.shape_cast %swap3A_337 : vector<1x1x16xf32> to vector<16xf32>
        %swap3A_339 = vector.shape_cast %add3A_328 : vector<16xf32> to vector<1x1x16xf32>
        tpu.vector_store %arg19[%swap3A_334, %swap3A_335, %swap3A_336], %swap3A_339 {strides = array<i32>} : memref<3x2000x16xf32, #tpu.memory_space<vmem>>, vector<1x1x16xf32>,
        %broadcast_in_dim3A_340 = arith.constant 11 : i32
        %broadcast_in_dim3A_341 = vector.broadcast %broadcast_in_dim3A_340 : i32 to vector<16x1xi32>
        %gather3A_342 = vector.shape_cast %broadcast_in_dim3A_341 : vector<16x1xi32> to vector<16xi32>
        %gather3A_343 = tpu.dynamic_gather %get3A_153[%gather3A_342] in [0] : vector<16xf32>, vector<16xi32> -> vector<16xf32>
        %mul3A_344 = arith.mulf %mul3A_138, %gather3A_343 : vector<16xf32>
        %add3A_345 = arith.addf %add3A_133, %mul3A_344 : vector<16xf32>
        %mul3A_346 = arith.constant 16 : i32
        %mul3A_347 = arith.muli %scan3A_145, %mul3A_346 : i32
        %add3A_348 = arith.constant 11 : i32
        %add3A_349 = arith.addi %mul3A_347, %add3A_348 : i32
        %swap3A_350 = arith.constant 1 : i32
        %swap3A_351 = arith.index_cast %swap3A_350 : i32 to index
        %swap3A_352 = arith.index_cast %add3A_349 : i32 to index
        %swap3A_353 = arith.constant 0 : index
        %swap3A_354 = tpu.vector_load %arg19[%swap3A_351, %swap3A_352, %swap3A_353] {strides = array<i32>} : memref<3x2000x16xf32, #tpu.memory_space<vmem>>, vector<1x1x16xf32>,
        %swap3A_355 = vector.shape_cast %swap3A_354 : vector<1x1x16xf32> to vector<16xf32>
        %swap3A_356 = vector.shape_cast %add3A_345 : vector<16xf32> to vector<1x1x16xf32>
        tpu.vector_store %arg19[%swap3A_351, %swap3A_352, %swap3A_353], %swap3A_356 {strides = array<i32>} : memref<3x2000x16xf32, #tpu.memory_space<vmem>>, vector<1x1x16xf32>,
        %broadcast_in_dim3A_357 = arith.constant 12 : i32
        %broadcast_in_dim3A_358 = vector.broadcast %broadcast_in_dim3A_357 : i32 to vector<16x1xi32>
        %gather3A_359 = vector.shape_cast %broadcast_in_dim3A_358 : vector<16x1xi32> to vector<16xi32>
        %gather3A_360 = tpu.dynamic_gather %get3A_153[%gather3A_359] in [0] : vector<16xf32>, vector<16xi32> -> vector<16xf32>
        %mul3A_361 = arith.mulf %mul3A_138, %gather3A_360 : vector<16xf32>
        %add3A_362 = arith.addf %add3A_133, %mul3A_361 : vector<16xf32>
        %mul3A_363 = arith.constant 16 : i32
        %mul3A_364 = arith.muli %scan3A_145, %mul3A_363 : i32
        %add3A_365 = arith.constant 12 : i32
        %add3A_366 = arith.addi %mul3A_364, %add3A_365 : i32
        %swap3A_367 = arith.constant 1 : i32
        %swap3A_368 = arith.index_cast %swap3A_367 : i32 to index
        %swap3A_369 = arith.index_cast %add3A_366 : i32 to index
        %swap3A_370 = arith.constant 0 : index
        %swap3A_371 = tpu.vector_load %arg19[%swap3A_368, %swap3A_369, %swap3A_370] {strides = array<i32>} : memref<3x2000x16xf32, #tpu.memory_space<vmem>>, vector<1x1x16xf32>,
        %swap3A_372 = vector.shape_cast %swap3A_371 : vector<1x1x16xf32> to vector<16xf32>
        %swap3A_373 = vector.shape_cast %add3A_362 : vector<16xf32> to vector<1x1x16xf32>
        tpu.vector_store %arg19[%swap3A_368, %swap3A_369, %swap3A_370], %swap3A_373 {strides = array<i32>} : memref<3x2000x16xf32, #tpu.memory_space<vmem>>, vector<1x1x16xf32>,
        %broadcast_in_dim3A_374 = arith.constant 13 : i32
        %broadcast_in_dim3A_375 = vector.broadcast %broadcast_in_dim3A_374 : i32 to vector<16x1xi32>
        %gather3A_376 = vector.shape_cast %broadcast_in_dim3A_375 : vector<16x1xi32> to vector<16xi32>
        %gather3A_377 = tpu.dynamic_gather %get3A_153[%gather3A_376] in [0] : vector<16xf32>, vector<16xi32> -> vector<16xf32>
        %mul3A_378 = arith.mulf %mul3A_138, %gather3A_377 : vector<16xf32>
        %add3A_379 = arith.addf %add3A_133, %mul3A_378 : vector<16xf32>
        %mul3A_380 = arith.constant 16 : i32
        %mul3A_381 = arith.muli %scan3A_145, %mul3A_380 : i32
        %add3A_382 = arith.constant 13 : i32
        %add3A_383 = arith.addi %mul3A_381, %add3A_382 : i32
        %swap3A_384 = arith.constant 1 : i32
        %swap3A_385 = arith.index_cast %swap3A_384 : i32 to index
        %swap3A_386 = arith.index_cast %add3A_383 : i32 to index
        %swap3A_387 = arith.constant 0 : index
        %swap3A_388 = tpu.vector_load %arg19[%swap3A_385, %swap3A_386, %swap3A_387] {strides = array<i32>} : memref<3x2000x16xf32, #tpu.memory_space<vmem>>, vector<1x1x16xf32>,
        %swap3A_389 = vector.shape_cast %swap3A_388 : vector<1x1x16xf32> to vector<16xf32>
        %swap3A_390 = vector.shape_cast %add3A_379 : vector<16xf32> to vector<1x1x16xf32>
        tpu.vector_store %arg19[%swap3A_385, %swap3A_386, %swap3A_387], %swap3A_390 {strides = array<i32>} : memref<3x2000x16xf32, #tpu.memory_space<vmem>>, vector<1x1x16xf32>,
        %broadcast_in_dim3A_391 = arith.constant 14 : i32
        %broadcast_in_dim3A_392 = vector.broadcast %broadcast_in_dim3A_391 : i32 to vector<16x1xi32>
        %gather3A_393 = vector.shape_cast %broadcast_in_dim3A_392 : vector<16x1xi32> to vector<16xi32>
        %gather3A_394 = tpu.dynamic_gather %get3A_153[%gather3A_393] in [0] : vector<16xf32>, vector<16xi32> -> vector<16xf32>
        %mul3A_395 = arith.mulf %mul3A_138, %gather3A_394 : vector<16xf32>
        %add3A_396 = arith.addf %add3A_133, %mul3A_395 : vector<16xf32>
        %mul3A_397 = arith.constant 16 : i32
        %mul3A_398 = arith.muli %scan3A_145, %mul3A_397 : i32
        %add3A_399 = arith.constant 14 : i32
        %add3A_400 = arith.addi %mul3A_398, %add3A_399 : i32
        %swap3A_401 = arith.constant 1 : i32
        %swap3A_402 = arith.index_cast %swap3A_401 : i32 to index
        %swap3A_403 = arith.index_cast %add3A_400 : i32 to index
        %swap3A_404 = arith.constant 0 : index
        %swap3A_405 = tpu.vector_load %arg19[%swap3A_402, %swap3A_403, %swap3A_404] {strides = array<i32>} : memref<3x2000x16xf32, #tpu.memory_space<vmem>>, vector<1x1x16xf32>,
        %swap3A_406 = vector.shape_cast %swap3A_405 : vector<1x1x16xf32> to vector<16xf32>
        %swap3A_407 = vector.shape_cast %add3A_396 : vector<16xf32> to vector<1x1x16xf32>
        tpu.vector_store %arg19[%swap3A_402, %swap3A_403, %swap3A_404], %swap3A_407 {strides = array<i32>} : memref<3x2000x16xf32, #tpu.memory_space<vmem>>, vector<1x1x16xf32>,
        %broadcast_in_dim3A_408 = arith.constant 15 : i32
        %broadcast_in_dim3A_409 = vector.broadcast %broadcast_in_dim3A_408 : i32 to vector<16x1xi32>
        %gather3A_410 = vector.shape_cast %broadcast_in_dim3A_409 : vector<16x1xi32> to vector<16xi32>
        %gather3A_411 = tpu.dynamic_gather %get3A_153[%gather3A_410] in [0] : vector<16xf32>, vector<16xi32> -> vector<16xf32>
        %mul3A_412 = arith.mulf %mul3A_138, %gather3A_411 : vector<16xf32>
        %add3A_413 = arith.addf %add3A_133, %mul3A_412 : vector<16xf32>
        %mul3A_414 = arith.constant 16 : i32
        %mul3A_415 = arith.muli %scan3A_145, %mul3A_414 : i32
        %add3A_416 = arith.constant 15 : i32
        %add3A_417 = arith.addi %mul3A_415, %add3A_416 : i32
        %swap3A_418 = arith.constant 1 : i32
        %swap3A_419 = arith.index_cast %swap3A_418 : i32 to index
        %swap3A_420 = arith.index_cast %add3A_417 : i32 to index
        %swap3A_421 = arith.constant 0 : index
        %swap3A_422 = tpu.vector_load %arg19[%swap3A_419, %swap3A_420, %swap3A_421] {strides = array<i32>} : memref<3x2000x16xf32, #tpu.memory_space<vmem>>, vector<1x1x16xf32>,
        %swap3A_423 = vector.shape_cast %swap3A_422 : vector<1x1x16xf32> to vector<16xf32>
        %swap3A_424 = vector.shape_cast %add3A_413 : vector<16xf32> to vector<1x1x16xf32>
        tpu.vector_store %arg19[%swap3A_419, %swap3A_420, %swap3A_421], %swap3A_424 {strides = array<i32>} : memref<3x2000x16xf32, #tpu.memory_space<vmem>>, vector<1x1x16xf32>,
        %scan3A_425 = arith.constant 0 : i32
        scf.yield %scan3A_425 : i32
      }
      %scan3A_144 = arith.constant 125 : i32
    } else {
    }
    %gt3A_89 = arith.constant 5 : i32
    %gt3A_90 = arith.cmpi sgt, %select_n3A_12, %gt3A_89 : i32
    %convert_element_type3A_91 = arith.extui %gt3A_90 : i1 to i32
    %cond3A_92 = arith.constant 0 : i32
    %cond3A_93 = arith.cmpi ne, %convert_element_type3A_91, %cond3A_92 : i32
    scf.if %cond3A_93 {
      %broadcast_in_dim3A = arith.constant 5 : i32
      %broadcast_in_dim3A_109 = vector.broadcast %broadcast_in_dim3A : i32 to vector<16x1xi32>
      %gather3A = vector.shape_cast %broadcast_in_dim3A_109 : vector<16x1xi32> to vector<16xi32>
      %gather3A_110 = tpu.dynamic_gather %get3A_58[%gather3A] in [0] : vector<16xf32>, vector<16xi32> -> vector<16xf32>
      %broadcast_in_dim3A_111 = arith.constant 5 : i32
      %broadcast_in_dim3A_112 = vector.broadcast %broadcast_in_dim3A_111 : i32 to vector<16x1xi32>
      %gather3A_113 = vector.shape_cast %broadcast_in_dim3A_112 : vector<16x1xi32> to vector<16xi32>
      %gather3A_114 = tpu.dynamic_gather %get3A_61[%gather3A_113] in [0] : vector<16xf32>, vector<16xi32> -> vector<16xf32>
      %sub3A_115 = arith.subf %get3A_25, %get3A_20 : vector<16xf32>
      %mul3A_116 = arith.mulf %gather3A_110, %sub3A_115 : vector<16xf32>
      %add3A_117 = arith.addf %get3A_20, %mul3A_116 : vector<16xf32>
      %sub3A_118 = arith.subf %get3A_35, %get3A_30 : vector<16xf32>
      %mul3A_119 = arith.mulf %gather3A_110, %sub3A_118 : vector<16xf32>
      %add3A_120 = arith.addf %get3A_30, %mul3A_119 : vector<16xf32>
      %sub3A_121 = arith.subf %get3A_45, %get3A_40 : vector<16xf32>
      %mul3A_122 = arith.mulf %gather3A_110, %sub3A_121 : vector<16xf32>
      %add3A_123 = arith.addf %get3A_40, %mul3A_122 : vector<16xf32>
      %sub3A_124 = arith.subf %get3A_55, %get3A_50 : vector<16xf32>
      %mul3A_125 = arith.mulf %gather3A_110, %sub3A_124 : vector<16xf32>
      %add3A_126 = arith.addf %get3A_50, %mul3A_125 : vector<16xf32>
      %add3A_127 = arith.addf %add3A_117, %add3A_123 : vector<16xf32>
      %sub3A_128 = arith.subf %add3A_126, %add3A_123 : vector<16xf32>
      %mul3A_129 = arith.constant 2.000000e-03 : f32
      %mul3A_130 = vector.broadcast %mul3A_129 : f32 to vector<16xf32>
      %mul3A_131 = arith.mulf %gather3A_114, %mul3A_130 : vector<16xf32>
      %mul3A_132 = arith.mulf %sub3A_128, %mul3A_131 : vector<16xf32>
      %add3A_133 = arith.addf %add3A_127, %mul3A_132 : vector<16xf32>
      %sub3A_134 = arith.subf %add3A_120, %add3A_117 : vector<16xf32>
      %mul3A_135 = arith.constant 0.00999999977 : f32
      %mul3A_136 = vector.broadcast %mul3A_135 : f32 to vector<16xf32>
      %mul3A_137 = arith.mulf %gather3A_110, %mul3A_136 : vector<16xf32>
      %mul3A_138 = arith.mulf %sub3A_134, %mul3A_137 : vector<16xf32>
      %scan3A = arith.constant 0 : i32
      %scan3A_139 = arith.constant 0 : i32
      %scan3A_140 = arith.constant 125 : i32
      %scan3A_141 = arith.addi %scan3A_139, %scan3A_140 : i32
      %scan3A_142 = arith.constant 1 : i32
      %scan3A_143 = scf.for %scan3A_145 = %scan3A_139 to %scan3A_141 step %scan3A_142 iter_args(%scan3A_146 = %scan3A) -> (i32)  : i32 {
        %mul3A_147 = arith.constant 16 : i32
        %mul3A_148 = arith.muli %scan3A_145, %mul3A_147 : i32
        %get3A_149 = arith.constant 5 : i32
        %get3A_150 = arith.index_cast %get3A_149 : i32 to index
        %get3A_151 = arith.index_cast %mul3A_148 : i32 to index
        %get3A_152 = tpu.vector_load %arg18[%get3A_150, %get3A_151] {strides = array<i32>} : memref<8x2000xf32, #tpu.memory_space<vmem>>, vector<1x16xf32>,
        %get3A_153 = vector.shape_cast %get3A_152 : vector<1x16xf32> to vector<16xf32>
        %broadcast_in_dim3A_154 = arith.constant 0 : i32
        %broadcast_in_dim3A_155 = vector.broadcast %broadcast_in_dim3A_154 : i32 to vector<16x1xi32>
        %gather3A_156 = vector.shape_cast %broadcast_in_dim3A_155 : vector<16x1xi32> to vector<16xi32>
        %gather3A_157 = tpu.dynamic_gather %get3A_153[%gather3A_156] in [0] : vector<16xf32>, vector<16xi32> -> vector<16xf32>
        %mul3A_158 = arith.mulf %mul3A_138, %gather3A_157 : vector<16xf32>
        %add3A_159 = arith.addf %add3A_133, %mul3A_158 : vector<16xf32>
        %mul3A_160 = arith.constant 16 : i32
        %mul3A_161 = arith.muli %scan3A_145, %mul3A_160 : i32
        %add3A_162 = arith.constant 0 : i32
        %add3A_163 = arith.addi %mul3A_161, %add3A_162 : i32
        %swap3A = arith.constant 2 : i32
        %swap3A_164 = arith.index_cast %swap3A : i32 to index
        %swap3A_165 = arith.index_cast %add3A_163 : i32 to index
        %swap3A_166 = arith.constant 0 : index
        %swap3A_167 = tpu.vector_load %arg19[%swap3A_164, %swap3A_165, %swap3A_166] {strides = array<i32>} : memref<3x2000x16xf32, #tpu.memory_space<vmem>>, vector<1x1x16xf32>,
        %swap3A_168 = vector.shape_cast %swap3A_167 : vector<1x1x16xf32> to vector<16xf32>
        %swap3A_169 = vector.shape_cast %add3A_159 : vector<16xf32> to vector<1x1x16xf32>
        tpu.vector_store %arg19[%swap3A_164, %swap3A_165, %swap3A_166], %swap3A_169 {strides = array<i32>} : memref<3x2000x16xf32, #tpu.memory_space<vmem>>, vector<1x1x16xf32>,
        %broadcast_in_dim3A_170 = arith.constant 1 : i32
        %broadcast_in_dim3A_171 = vector.broadcast %broadcast_in_dim3A_170 : i32 to vector<16x1xi32>
        %gather3A_172 = vector.shape_cast %broadcast_in_dim3A_171 : vector<16x1xi32> to vector<16xi32>
        %gather3A_173 = tpu.dynamic_gather %get3A_153[%gather3A_172] in [0] : vector<16xf32>, vector<16xi32> -> vector<16xf32>
        %mul3A_174 = arith.mulf %mul3A_138, %gather3A_173 : vector<16xf32>
        %add3A_175 = arith.addf %add3A_133, %mul3A_174 : vector<16xf32>
        %mul3A_176 = arith.constant 16 : i32
        %mul3A_177 = arith.muli %scan3A_145, %mul3A_176 : i32
        %add3A_178 = arith.constant 1 : i32
        %add3A_179 = arith.addi %mul3A_177, %add3A_178 : i32
        %swap3A_180 = arith.constant 2 : i32
        %swap3A_181 = arith.index_cast %swap3A_180 : i32 to index
        %swap3A_182 = arith.index_cast %add3A_179 : i32 to index
        %swap3A_183 = arith.constant 0 : index
        %swap3A_184 = tpu.vector_load %arg19[%swap3A_181, %swap3A_182, %swap3A_183] {strides = array<i32>} : memref<3x2000x16xf32, #tpu.memory_space<vmem>>, vector<1x1x16xf32>,
        %swap3A_185 = vector.shape_cast %swap3A_184 : vector<1x1x16xf32> to vector<16xf32>
        %swap3A_186 = vector.shape_cast %add3A_175 : vector<16xf32> to vector<1x1x16xf32>
        tpu.vector_store %arg19[%swap3A_181, %swap3A_182, %swap3A_183], %swap3A_186 {strides = array<i32>} : memref<3x2000x16xf32, #tpu.memory_space<vmem>>, vector<1x1x16xf32>,
        %broadcast_in_dim3A_187 = arith.constant 2 : i32
        %broadcast_in_dim3A_188 = vector.broadcast %broadcast_in_dim3A_187 : i32 to vector<16x1xi32>
        %gather3A_189 = vector.shape_cast %broadcast_in_dim3A_188 : vector<16x1xi32> to vector<16xi32>
        %gather3A_190 = tpu.dynamic_gather %get3A_153[%gather3A_189] in [0] : vector<16xf32>, vector<16xi32> -> vector<16xf32>
        %mul3A_191 = arith.mulf %mul3A_138, %gather3A_190 : vector<16xf32>
        %add3A_192 = arith.addf %add3A_133, %mul3A_191 : vector<16xf32>
        %mul3A_193 = arith.constant 16 : i32
        %mul3A_194 = arith.muli %scan3A_145, %mul3A_193 : i32
        %add3A_195 = arith.constant 2 : i32
        %add3A_196 = arith.addi %mul3A_194, %add3A_195 : i32
        %swap3A_197 = arith.constant 2 : i32
        %swap3A_198 = arith.index_cast %swap3A_197 : i32 to index
        %swap3A_199 = arith.index_cast %add3A_196 : i32 to index
        %swap3A_200 = arith.constant 0 : index
        %swap3A_201 = tpu.vector_load %arg19[%swap3A_198, %swap3A_199, %swap3A_200] {strides = array<i32>} : memref<3x2000x16xf32, #tpu.memory_space<vmem>>, vector<1x1x16xf32>,
        %swap3A_202 = vector.shape_cast %swap3A_201 : vector<1x1x16xf32> to vector<16xf32>
        %swap3A_203 = vector.shape_cast %add3A_192 : vector<16xf32> to vector<1x1x16xf32>
        tpu.vector_store %arg19[%swap3A_198, %swap3A_199, %swap3A_200], %swap3A_203 {strides = array<i32>} : memref<3x2000x16xf32, #tpu.memory_space<vmem>>, vector<1x1x16xf32>,
        %broadcast_in_dim3A_204 = arith.constant 3 : i32
        %broadcast_in_dim3A_205 = vector.broadcast %broadcast_in_dim3A_204 : i32 to vector<16x1xi32>
        %gather3A_206 = vector.shape_cast %broadcast_in_dim3A_205 : vector<16x1xi32> to vector<16xi32>
        %gather3A_207 = tpu.dynamic_gather %get3A_153[%gather3A_206] in [0] : vector<16xf32>, vector<16xi32> -> vector<16xf32>
        %mul3A_208 = arith.mulf %mul3A_138, %gather3A_207 : vector<16xf32>
        %add3A_209 = arith.addf %add3A_133, %mul3A_208 : vector<16xf32>
        %mul3A_210 = arith.constant 16 : i32
        %mul3A_211 = arith.muli %scan3A_145, %mul3A_210 : i32
        %add3A_212 = arith.constant 3 : i32
        %add3A_213 = arith.addi %mul3A_211, %add3A_212 : i32
        %swap3A_214 = arith.constant 2 : i32
        %swap3A_215 = arith.index_cast %swap3A_214 : i32 to index
        %swap3A_216 = arith.index_cast %add3A_213 : i32 to index
        %swap3A_217 = arith.constant 0 : index
        %swap3A_218 = tpu.vector_load %arg19[%swap3A_215, %swap3A_216, %swap3A_217] {strides = array<i32>} : memref<3x2000x16xf32, #tpu.memory_space<vmem>>, vector<1x1x16xf32>,
        %swap3A_219 = vector.shape_cast %swap3A_218 : vector<1x1x16xf32> to vector<16xf32>
        %swap3A_220 = vector.shape_cast %add3A_209 : vector<16xf32> to vector<1x1x16xf32>
        tpu.vector_store %arg19[%swap3A_215, %swap3A_216, %swap3A_217], %swap3A_220 {strides = array<i32>} : memref<3x2000x16xf32, #tpu.memory_space<vmem>>, vector<1x1x16xf32>,
        %broadcast_in_dim3A_221 = arith.constant 4 : i32
        %broadcast_in_dim3A_222 = vector.broadcast %broadcast_in_dim3A_221 : i32 to vector<16x1xi32>
        %gather3A_223 = vector.shape_cast %broadcast_in_dim3A_222 : vector<16x1xi32> to vector<16xi32>
        %gather3A_224 = tpu.dynamic_gather %get3A_153[%gather3A_223] in [0] : vector<16xf32>, vector<16xi32> -> vector<16xf32>
        %mul3A_225 = arith.mulf %mul3A_138, %gather3A_224 : vector<16xf32>
        %add3A_226 = arith.addf %add3A_133, %mul3A_225 : vector<16xf32>
        %mul3A_227 = arith.constant 16 : i32
        %mul3A_228 = arith.muli %scan3A_145, %mul3A_227 : i32
        %add3A_229 = arith.constant 4 : i32
        %add3A_230 = arith.addi %mul3A_228, %add3A_229 : i32
        %swap3A_231 = arith.constant 2 : i32
        %swap3A_232 = arith.index_cast %swap3A_231 : i32 to index
        %swap3A_233 = arith.index_cast %add3A_230 : i32 to index
        %swap3A_234 = arith.constant 0 : index
        %swap3A_235 = tpu.vector_load %arg19[%swap3A_232, %swap3A_233, %swap3A_234] {strides = array<i32>} : memref<3x2000x16xf32, #tpu.memory_space<vmem>>, vector<1x1x16xf32>,
        %swap3A_236 = vector.shape_cast %swap3A_235 : vector<1x1x16xf32> to vector<16xf32>
        %swap3A_237 = vector.shape_cast %add3A_226 : vector<16xf32> to vector<1x1x16xf32>
        tpu.vector_store %arg19[%swap3A_232, %swap3A_233, %swap3A_234], %swap3A_237 {strides = array<i32>} : memref<3x2000x16xf32, #tpu.memory_space<vmem>>, vector<1x1x16xf32>,
        %broadcast_in_dim3A_238 = arith.constant 5 : i32
        %broadcast_in_dim3A_239 = vector.broadcast %broadcast_in_dim3A_238 : i32 to vector<16x1xi32>
        %gather3A_240 = vector.shape_cast %broadcast_in_dim3A_239 : vector<16x1xi32> to vector<16xi32>
        %gather3A_241 = tpu.dynamic_gather %get3A_153[%gather3A_240] in [0] : vector<16xf32>, vector<16xi32> -> vector<16xf32>
        %mul3A_242 = arith.mulf %mul3A_138, %gather3A_241 : vector<16xf32>
        %add3A_243 = arith.addf %add3A_133, %mul3A_242 : vector<16xf32>
        %mul3A_244 = arith.constant 16 : i32
        %mul3A_245 = arith.muli %scan3A_145, %mul3A_244 : i32
        %add3A_246 = arith.constant 5 : i32
        %add3A_247 = arith.addi %mul3A_245, %add3A_246 : i32
        %swap3A_248 = arith.constant 2 : i32
        %swap3A_249 = arith.index_cast %swap3A_248 : i32 to index
        %swap3A_250 = arith.index_cast %add3A_247 : i32 to index
        %swap3A_251 = arith.constant 0 : index
        %swap3A_252 = tpu.vector_load %arg19[%swap3A_249, %swap3A_250, %swap3A_251] {strides = array<i32>} : memref<3x2000x16xf32, #tpu.memory_space<vmem>>, vector<1x1x16xf32>,
        %swap3A_253 = vector.shape_cast %swap3A_252 : vector<1x1x16xf32> to vector<16xf32>
        %swap3A_254 = vector.shape_cast %add3A_243 : vector<16xf32> to vector<1x1x16xf32>
        tpu.vector_store %arg19[%swap3A_249, %swap3A_250, %swap3A_251], %swap3A_254 {strides = array<i32>} : memref<3x2000x16xf32, #tpu.memory_space<vmem>>, vector<1x1x16xf32>,
        %broadcast_in_dim3A_255 = arith.constant 6 : i32
        %broadcast_in_dim3A_256 = vector.broadcast %broadcast_in_dim3A_255 : i32 to vector<16x1xi32>
        %gather3A_257 = vector.shape_cast %broadcast_in_dim3A_256 : vector<16x1xi32> to vector<16xi32>
        %gather3A_258 = tpu.dynamic_gather %get3A_153[%gather3A_257] in [0] : vector<16xf32>, vector<16xi32> -> vector<16xf32>
        %mul3A_259 = arith.mulf %mul3A_138, %gather3A_258 : vector<16xf32>
        %add3A_260 = arith.addf %add3A_133, %mul3A_259 : vector<16xf32>
        %mul3A_261 = arith.constant 16 : i32
        %mul3A_262 = arith.muli %scan3A_145, %mul3A_261 : i32
        %add3A_263 = arith.constant 6 : i32
        %add3A_264 = arith.addi %mul3A_262, %add3A_263 : i32
        %swap3A_265 = arith.constant 2 : i32
        %swap3A_266 = arith.index_cast %swap3A_265 : i32 to index
        %swap3A_267 = arith.index_cast %add3A_264 : i32 to index
        %swap3A_268 = arith.constant 0 : index
        %swap3A_269 = tpu.vector_load %arg19[%swap3A_266, %swap3A_267, %swap3A_268] {strides = array<i32>} : memref<3x2000x16xf32, #tpu.memory_space<vmem>>, vector<1x1x16xf32>,
        %swap3A_270 = vector.shape_cast %swap3A_269 : vector<1x1x16xf32> to vector<16xf32>
        %swap3A_271 = vector.shape_cast %add3A_260 : vector<16xf32> to vector<1x1x16xf32>
        tpu.vector_store %arg19[%swap3A_266, %swap3A_267, %swap3A_268], %swap3A_271 {strides = array<i32>} : memref<3x2000x16xf32, #tpu.memory_space<vmem>>, vector<1x1x16xf32>,
        %broadcast_in_dim3A_272 = arith.constant 7 : i32
        %broadcast_in_dim3A_273 = vector.broadcast %broadcast_in_dim3A_272 : i32 to vector<16x1xi32>
        %gather3A_274 = vector.shape_cast %broadcast_in_dim3A_273 : vector<16x1xi32> to vector<16xi32>
        %gather3A_275 = tpu.dynamic_gather %get3A_153[%gather3A_274] in [0] : vector<16xf32>, vector<16xi32> -> vector<16xf32>
        %mul3A_276 = arith.mulf %mul3A_138, %gather3A_275 : vector<16xf32>
        %add3A_277 = arith.addf %add3A_133, %mul3A_276 : vector<16xf32>
        %mul3A_278 = arith.constant 16 : i32
        %mul3A_279 = arith.muli %scan3A_145, %mul3A_278 : i32
        %add3A_280 = arith.constant 7 : i32
        %add3A_281 = arith.addi %mul3A_279, %add3A_280 : i32
        %swap3A_282 = arith.constant 2 : i32
        %swap3A_283 = arith.index_cast %swap3A_282 : i32 to index
        %swap3A_284 = arith.index_cast %add3A_281 : i32 to index
        %swap3A_285 = arith.constant 0 : index
        %swap3A_286 = tpu.vector_load %arg19[%swap3A_283, %swap3A_284, %swap3A_285] {strides = array<i32>} : memref<3x2000x16xf32, #tpu.memory_space<vmem>>, vector<1x1x16xf32>,
        %swap3A_287 = vector.shape_cast %swap3A_286 : vector<1x1x16xf32> to vector<16xf32>
        %swap3A_288 = vector.shape_cast %add3A_277 : vector<16xf32> to vector<1x1x16xf32>
        tpu.vector_store %arg19[%swap3A_283, %swap3A_284, %swap3A_285], %swap3A_288 {strides = array<i32>} : memref<3x2000x16xf32, #tpu.memory_space<vmem>>, vector<1x1x16xf32>,
        %broadcast_in_dim3A_289 = arith.constant 8 : i32
        %broadcast_in_dim3A_290 = vector.broadcast %broadcast_in_dim3A_289 : i32 to vector<16x1xi32>
        %gather3A_291 = vector.shape_cast %broadcast_in_dim3A_290 : vector<16x1xi32> to vector<16xi32>
        %gather3A_292 = tpu.dynamic_gather %get3A_153[%gather3A_291] in [0] : vector<16xf32>, vector<16xi32> -> vector<16xf32>
        %mul3A_293 = arith.mulf %mul3A_138, %gather3A_292 : vector<16xf32>
        %add3A_294 = arith.addf %add3A_133, %mul3A_293 : vector<16xf32>
        %mul3A_295 = arith.constant 16 : i32
        %mul3A_296 = arith.muli %scan3A_145, %mul3A_295 : i32
        %add3A_297 = arith.constant 8 : i32
        %add3A_298 = arith.addi %mul3A_296, %add3A_297 : i32
        %swap3A_299 = arith.constant 2 : i32
        %swap3A_300 = arith.index_cast %swap3A_299 : i32 to index
        %swap3A_301 = arith.index_cast %add3A_298 : i32 to index
        %swap3A_302 = arith.constant 0 : index
        %swap3A_303 = tpu.vector_load %arg19[%swap3A_300, %swap3A_301, %swap3A_302] {strides = array<i32>} : memref<3x2000x16xf32, #tpu.memory_space<vmem>>, vector<1x1x16xf32>,
        %swap3A_304 = vector.shape_cast %swap3A_303 : vector<1x1x16xf32> to vector<16xf32>
        %swap3A_305 = vector.shape_cast %add3A_294 : vector<16xf32> to vector<1x1x16xf32>
        tpu.vector_store %arg19[%swap3A_300, %swap3A_301, %swap3A_302], %swap3A_305 {strides = array<i32>} : memref<3x2000x16xf32, #tpu.memory_space<vmem>>, vector<1x1x16xf32>,
        %broadcast_in_dim3A_306 = arith.constant 9 : i32
        %broadcast_in_dim3A_307 = vector.broadcast %broadcast_in_dim3A_306 : i32 to vector<16x1xi32>
        %gather3A_308 = vector.shape_cast %broadcast_in_dim3A_307 : vector<16x1xi32> to vector<16xi32>
        %gather3A_309 = tpu.dynamic_gather %get3A_153[%gather3A_308] in [0] : vector<16xf32>, vector<16xi32> -> vector<16xf32>
        %mul3A_310 = arith.mulf %mul3A_138, %gather3A_309 : vector<16xf32>
        %add3A_311 = arith.addf %add3A_133, %mul3A_310 : vector<16xf32>
        %mul3A_312 = arith.constant 16 : i32
        %mul3A_313 = arith.muli %scan3A_145, %mul3A_312 : i32
        %add3A_314 = arith.constant 9 : i32
        %add3A_315 = arith.addi %mul3A_313, %add3A_314 : i32
        %swap3A_316 = arith.constant 2 : i32
        %swap3A_317 = arith.index_cast %swap3A_316 : i32 to index
        %swap3A_318 = arith.index_cast %add3A_315 : i32 to index
        %swap3A_319 = arith.constant 0 : index
        %swap3A_320 = tpu.vector_load %arg19[%swap3A_317, %swap3A_318, %swap3A_319] {strides = array<i32>} : memref<3x2000x16xf32, #tpu.memory_space<vmem>>, vector<1x1x16xf32>,
        %swap3A_321 = vector.shape_cast %swap3A_320 : vector<1x1x16xf32> to vector<16xf32>
        %swap3A_322 = vector.shape_cast %add3A_311 : vector<16xf32> to vector<1x1x16xf32>
        tpu.vector_store %arg19[%swap3A_317, %swap3A_318, %swap3A_319], %swap3A_322 {strides = array<i32>} : memref<3x2000x16xf32, #tpu.memory_space<vmem>>, vector<1x1x16xf32>,
        %broadcast_in_dim3A_323 = arith.constant 10 : i32
        %broadcast_in_dim3A_324 = vector.broadcast %broadcast_in_dim3A_323 : i32 to vector<16x1xi32>
        %gather3A_325 = vector.shape_cast %broadcast_in_dim3A_324 : vector<16x1xi32> to vector<16xi32>
        %gather3A_326 = tpu.dynamic_gather %get3A_153[%gather3A_325] in [0] : vector<16xf32>, vector<16xi32> -> vector<16xf32>
        %mul3A_327 = arith.mulf %mul3A_138, %gather3A_326 : vector<16xf32>
        %add3A_328 = arith.addf %add3A_133, %mul3A_327 : vector<16xf32>
        %mul3A_329 = arith.constant 16 : i32
        %mul3A_330 = arith.muli %scan3A_145, %mul3A_329 : i32
        %add3A_331 = arith.constant 10 : i32
        %add3A_332 = arith.addi %mul3A_330, %add3A_331 : i32
        %swap3A_333 = arith.constant 2 : i32
        %swap3A_334 = arith.index_cast %swap3A_333 : i32 to index
        %swap3A_335 = arith.index_cast %add3A_332 : i32 to index
        %swap3A_336 = arith.constant 0 : index
        %swap3A_337 = tpu.vector_load %arg19[%swap3A_334, %swap3A_335, %swap3A_336] {strides = array<i32>} : memref<3x2000x16xf32, #tpu.memory_space<vmem>>, vector<1x1x16xf32>,
        %swap3A_338 = vector.shape_cast %swap3A_337 : vector<1x1x16xf32> to vector<16xf32>
        %swap3A_339 = vector.shape_cast %add3A_328 : vector<16xf32> to vector<1x1x16xf32>
        tpu.vector_store %arg19[%swap3A_334, %swap3A_335, %swap3A_336], %swap3A_339 {strides = array<i32>} : memref<3x2000x16xf32, #tpu.memory_space<vmem>>, vector<1x1x16xf32>,
        %broadcast_in_dim3A_340 = arith.constant 11 : i32
        %broadcast_in_dim3A_341 = vector.broadcast %broadcast_in_dim3A_340 : i32 to vector<16x1xi32>
        %gather3A_342 = vector.shape_cast %broadcast_in_dim3A_341 : vector<16x1xi32> to vector<16xi32>
        %gather3A_343 = tpu.dynamic_gather %get3A_153[%gather3A_342] in [0] : vector<16xf32>, vector<16xi32> -> vector<16xf32>
        %mul3A_344 = arith.mulf %mul3A_138, %gather3A_343 : vector<16xf32>
        %add3A_345 = arith.addf %add3A_133, %mul3A_344 : vector<16xf32>
        %mul3A_346 = arith.constant 16 : i32
        %mul3A_347 = arith.muli %scan3A_145, %mul3A_346 : i32
        %add3A_348 = arith.constant 11 : i32
        %add3A_349 = arith.addi %mul3A_347, %add3A_348 : i32
        %swap3A_350 = arith.constant 2 : i32
        %swap3A_351 = arith.index_cast %swap3A_350 : i32 to index
        %swap3A_352 = arith.index_cast %add3A_349 : i32 to index
        %swap3A_353 = arith.constant 0 : index
        %swap3A_354 = tpu.vector_load %arg19[%swap3A_351, %swap3A_352, %swap3A_353] {strides = array<i32>} : memref<3x2000x16xf32, #tpu.memory_space<vmem>>, vector<1x1x16xf32>,
        %swap3A_355 = vector.shape_cast %swap3A_354 : vector<1x1x16xf32> to vector<16xf32>
        %swap3A_356 = vector.shape_cast %add3A_345 : vector<16xf32> to vector<1x1x16xf32>
        tpu.vector_store %arg19[%swap3A_351, %swap3A_352, %swap3A_353], %swap3A_356 {strides = array<i32>} : memref<3x2000x16xf32, #tpu.memory_space<vmem>>, vector<1x1x16xf32>,
        %broadcast_in_dim3A_357 = arith.constant 12 : i32
        %broadcast_in_dim3A_358 = vector.broadcast %broadcast_in_dim3A_357 : i32 to vector<16x1xi32>
        %gather3A_359 = vector.shape_cast %broadcast_in_dim3A_358 : vector<16x1xi32> to vector<16xi32>
        %gather3A_360 = tpu.dynamic_gather %get3A_153[%gather3A_359] in [0] : vector<16xf32>, vector<16xi32> -> vector<16xf32>
        %mul3A_361 = arith.mulf %mul3A_138, %gather3A_360 : vector<16xf32>
        %add3A_362 = arith.addf %add3A_133, %mul3A_361 : vector<16xf32>
        %mul3A_363 = arith.constant 16 : i32
        %mul3A_364 = arith.muli %scan3A_145, %mul3A_363 : i32
        %add3A_365 = arith.constant 12 : i32
        %add3A_366 = arith.addi %mul3A_364, %add3A_365 : i32
        %swap3A_367 = arith.constant 2 : i32
        %swap3A_368 = arith.index_cast %swap3A_367 : i32 to index
        %swap3A_369 = arith.index_cast %add3A_366 : i32 to index
        %swap3A_370 = arith.constant 0 : index
        %swap3A_371 = tpu.vector_load %arg19[%swap3A_368, %swap3A_369, %swap3A_370] {strides = array<i32>} : memref<3x2000x16xf32, #tpu.memory_space<vmem>>, vector<1x1x16xf32>,
        %swap3A_372 = vector.shape_cast %swap3A_371 : vector<1x1x16xf32> to vector<16xf32>
        %swap3A_373 = vector.shape_cast %add3A_362 : vector<16xf32> to vector<1x1x16xf32>
        tpu.vector_store %arg19[%swap3A_368, %swap3A_369, %swap3A_370], %swap3A_373 {strides = array<i32>} : memref<3x2000x16xf32, #tpu.memory_space<vmem>>, vector<1x1x16xf32>,
        %broadcast_in_dim3A_374 = arith.constant 13 : i32
        %broadcast_in_dim3A_375 = vector.broadcast %broadcast_in_dim3A_374 : i32 to vector<16x1xi32>
        %gather3A_376 = vector.shape_cast %broadcast_in_dim3A_375 : vector<16x1xi32> to vector<16xi32>
        %gather3A_377 = tpu.dynamic_gather %get3A_153[%gather3A_376] in [0] : vector<16xf32>, vector<16xi32> -> vector<16xf32>
        %mul3A_378 = arith.mulf %mul3A_138, %gather3A_377 : vector<16xf32>
        %add3A_379 = arith.addf %add3A_133, %mul3A_378 : vector<16xf32>
        %mul3A_380 = arith.constant 16 : i32
        %mul3A_381 = arith.muli %scan3A_145, %mul3A_380 : i32
        %add3A_382 = arith.constant 13 : i32
        %add3A_383 = arith.addi %mul3A_381, %add3A_382 : i32
        %swap3A_384 = arith.constant 2 : i32
        %swap3A_385 = arith.index_cast %swap3A_384 : i32 to index
        %swap3A_386 = arith.index_cast %add3A_383 : i32 to index
        %swap3A_387 = arith.constant 0 : index
        %swap3A_388 = tpu.vector_load %arg19[%swap3A_385, %swap3A_386, %swap3A_387] {strides = array<i32>} : memref<3x2000x16xf32, #tpu.memory_space<vmem>>, vector<1x1x16xf32>,
        %swap3A_389 = vector.shape_cast %swap3A_388 : vector<1x1x16xf32> to vector<16xf32>
        %swap3A_390 = vector.shape_cast %add3A_379 : vector<16xf32> to vector<1x1x16xf32>
        tpu.vector_store %arg19[%swap3A_385, %swap3A_386, %swap3A_387], %swap3A_390 {strides = array<i32>} : memref<3x2000x16xf32, #tpu.memory_space<vmem>>, vector<1x1x16xf32>,
        %broadcast_in_dim3A_391 = arith.constant 14 : i32
        %broadcast_in_dim3A_392 = vector.broadcast %broadcast_in_dim3A_391 : i32 to vector<16x1xi32>
        %gather3A_393 = vector.shape_cast %broadcast_in_dim3A_392 : vector<16x1xi32> to vector<16xi32>
        %gather3A_394 = tpu.dynamic_gather %get3A_153[%gather3A_393] in [0] : vector<16xf32>, vector<16xi32> -> vector<16xf32>
        %mul3A_395 = arith.mulf %mul3A_138, %gather3A_394 : vector<16xf32>
        %add3A_396 = arith.addf %add3A_133, %mul3A_395 : vector<16xf32>
        %mul3A_397 = arith.constant 16 : i32
        %mul3A_398 = arith.muli %scan3A_145, %mul3A_397 : i32
        %add3A_399 = arith.constant 14 : i32
        %add3A_400 = arith.addi %mul3A_398, %add3A_399 : i32
        %swap3A_401 = arith.constant 2 : i32
        %swap3A_402 = arith.index_cast %swap3A_401 : i32 to index
        %swap3A_403 = arith.index_cast %add3A_400 : i32 to index
        %swap3A_404 = arith.constant 0 : index
        %swap3A_405 = tpu.vector_load %arg19[%swap3A_402, %swap3A_403, %swap3A_404] {strides = array<i32>} : memref<3x2000x16xf32, #tpu.memory_space<vmem>>, vector<1x1x16xf32>,
        %swap3A_406 = vector.shape_cast %swap3A_405 : vector<1x1x16xf32> to vector<16xf32>
        %swap3A_407 = vector.shape_cast %add3A_396 : vector<16xf32> to vector<1x1x16xf32>
        tpu.vector_store %arg19[%swap3A_402, %swap3A_403, %swap3A_404], %swap3A_407 {strides = array<i32>} : memref<3x2000x16xf32, #tpu.memory_space<vmem>>, vector<1x1x16xf32>,
        %broadcast_in_dim3A_408 = arith.constant 15 : i32
        %broadcast_in_dim3A_409 = vector.broadcast %broadcast_in_dim3A_408 : i32 to vector<16x1xi32>
        %gather3A_410 = vector.shape_cast %broadcast_in_dim3A_409 : vector<16x1xi32> to vector<16xi32>
        %gather3A_411 = tpu.dynamic_gather %get3A_153[%gather3A_410] in [0] : vector<16xf32>, vector<16xi32> -> vector<16xf32>
        %mul3A_412 = arith.mulf %mul3A_138, %gather3A_411 : vector<16xf32>
        %add3A_413 = arith.addf %add3A_133, %mul3A_412 : vector<16xf32>
        %mul3A_414 = arith.constant 16 : i32
        %mul3A_415 = arith.muli %scan3A_145, %mul3A_414 : i32
        %add3A_416 = arith.constant 15 : i32
        %add3A_417 = arith.addi %mul3A_415, %add3A_416 : i32
        %swap3A_418 = arith.constant 2 : i32
        %swap3A_419 = arith.index_cast %swap3A_418 : i32 to index
        %swap3A_420 = arith.index_cast %add3A_417 : i32 to index
        %swap3A_421 = arith.constant 0 : index
        %swap3A_422 = tpu.vector_load %arg19[%swap3A_419, %swap3A_420, %swap3A_421] {strides = array<i32>} : memref<3x2000x16xf32, #tpu.memory_space<vmem>>, vector<1x1x16xf32>,
        %swap3A_423 = vector.shape_cast %swap3A_422 : vector<1x1x16xf32> to vector<16xf32>
        %swap3A_424 = vector.shape_cast %add3A_413 : vector<16xf32> to vector<1x1x16xf32>
        tpu.vector_store %arg19[%swap3A_419, %swap3A_420, %swap3A_421], %swap3A_424 {strides = array<i32>} : memref<3x2000x16xf32, #tpu.memory_space<vmem>>, vector<1x1x16xf32>,
        %scan3A_425 = arith.constant 0 : i32
        scf.yield %scan3A_425 : i32
      }
      %scan3A_144 = arith.constant 125 : i32
    } else {
    }
    %gt3A_94 = arith.constant 3 : i32
    %gt3A_95 = arith.cmpi sgt, %select_n3A_12, %gt3A_94 : i32
    %convert_element_type3A_96 = arith.extui %gt3A_95 : i1 to i32
    %cond3A_97 = arith.constant 0 : i32
    %cond3A_98 = arith.cmpi ne, %convert_element_type3A_96, %cond3A_97 : i32
    scf.if %cond3A_98 {
      %add3A_109 = arith.constant 3 : i32
      %add3A_110 = arith.addi %select_n3A, %add3A_109 : i32
      "tpu.region"() ({
        %run_scoped3A = tpu.sem_alloc : memref<!tpu.dma_semaphore, #tpu.memory_space<semaphore_mem>>
        %dma_start3A_111 = arith.constant 0 : i32
        %dma_start3A_112 = arith.constant 0 : i32
        %dma_start3A_113 = arith.constant 0 : i32
        %dma_start3A_114 = tpu.memref_slice %arg19[%dma_start3A_111, %dma_start3A_112, %dma_start3A_113] : memref<3x2000x16xf32, #tpu.memory_space<vmem>> -> memref<3x2000x16xf32, #tpu.memory_space<vmem>>
        %dma_start3A_115 = arith.constant 0 : i32
        %dma_start3A_116 = arith.constant 0 : i32
        %dma_start3A_117 = tpu.memref_slice %arg10[%add3A_110, %dma_start3A_115, %dma_start3A_116] : memref<200x2000x16xf32, #tpu.memory_space<hbm>> -> memref<3x2000x16xf32, #tpu.memory_space<hbm>>
        %dma_start3A_118 = arith.constant 0 : i32
        %dma_start3A_119 = arith.constant 0 : i32
        %dma_start3A_120 = tpu.memref_slice %arg10[%add3A_110, %dma_start3A_118, %dma_start3A_119] : memref<200x2000x16xf32, #tpu.memory_space<hbm>> -> memref<3x2000x16xf32, #tpu.memory_space<hbm>>
        %dma_start3A_121 = arith.constant 0 : i32
        %dma_start3A_122 = arith.constant 0 : i32
        %dma_start3A_123 = arith.constant 0 : i32
        %dma_start3A_124 = tpu.memref_slice %arg19[%dma_start3A_121, %dma_start3A_122, %dma_start3A_123] : memref<3x2000x16xf32, #tpu.memory_space<vmem>> -> memref<3x2000x16xf32, #tpu.memory_space<vmem>>
        tpu.enqueue_dma source(%dma_start3A_124 : memref<3x2000x16xf32, #tpu.memory_space<vmem>>) target(%dma_start3A_120 : memref<3x2000x16xf32, #tpu.memory_space<hbm>>) target_semaphore(%run_scoped3A : memref<!tpu.dma_semaphore, #tpu.memory_space<semaphore_mem>>)
        %dma_wait3A_125 = arith.constant 0 : i32
        %dma_wait3A_126 = arith.constant 0 : i32
        %dma_wait3A_127 = arith.constant 0 : i32
        %dma_wait3A_128 = tpu.memref_slice %arg19[%dma_wait3A_125, %dma_wait3A_126, %dma_wait3A_127] : memref<3x2000x16xf32, #tpu.memory_space<vmem>> -> memref<3x2000x16xf32, #tpu.memory_space<vmem>>
        %dma_wait3A_129 = arith.constant 0 : i32
        %dma_wait3A_130 = arith.constant 0 : i32
        %dma_wait3A_131 = tpu.memref_slice %arg10[%add3A_110, %dma_wait3A_129, %dma_wait3A_130] : memref<200x2000x16xf32, #tpu.memory_space<hbm>> -> memref<3x2000x16xf32, #tpu.memory_space<hbm>>
        %dma_wait3A_132 = arith.constant 0 : i32
        %dma_wait3A_133 = arith.constant 0 : i32
        %dma_wait3A_134 = tpu.memref_slice %arg10[%add3A_110, %dma_wait3A_132, %dma_wait3A_133] : memref<200x2000x16xf32, #tpu.memory_space<hbm>> -> memref<3x2000x16xf32, #tpu.memory_space<hbm>>
        %dma_wait3A_135 = arith.constant 0 : i32
        %dma_wait3A_136 = arith.constant 0 : i32
        %dma_wait3A_137 = arith.constant 0 : i32
        %dma_wait3A_138 = tpu.memref_slice %arg19[%dma_wait3A_135, %dma_wait3A_136, %dma_wait3A_137] : memref<3x2000x16xf32, #tpu.memory_space<vmem>> -> memref<3x2000x16xf32, #tpu.memory_space<vmem>>
        tpu.wait_dma2 semaphore(%run_scoped3A : memref<!tpu.dma_semaphore, #tpu.memory_space<semaphore_mem>>) src(%dma_wait3A_138 : memref<3x2000x16xf32, #tpu.memory_space<vmem>>) dst(%dma_wait3A_134 : memref<3x2000x16xf32, #tpu.memory_space<hbm>>)
        tpu.yield
      }) : () -> ()
    } else {
    }
    %gt3A_99 = arith.constant 6 : i32
    %gt3A_100 = arith.cmpi sgt, %select_n3A_12, %gt3A_99 : i32
    %convert_element_type3A_101 = arith.extui %gt3A_100 : i1 to i32
    %cond3A_102 = arith.constant 0 : i32
    %cond3A_103 = arith.cmpi ne, %convert_element_type3A_101, %cond3A_102 : i32
    scf.if %cond3A_103 {
      %broadcast_in_dim3A = arith.constant 6 : i32
      %broadcast_in_dim3A_109 = vector.broadcast %broadcast_in_dim3A : i32 to vector<16x1xi32>
      %gather3A = vector.shape_cast %broadcast_in_dim3A_109 : vector<16x1xi32> to vector<16xi32>
      %gather3A_110 = tpu.dynamic_gather %get3A_58[%gather3A] in [0] : vector<16xf32>, vector<16xi32> -> vector<16xf32>
      %broadcast_in_dim3A_111 = arith.constant 6 : i32
      %broadcast_in_dim3A_112 = vector.broadcast %broadcast_in_dim3A_111 : i32 to vector<16x1xi32>
      %gather3A_113 = vector.shape_cast %broadcast_in_dim3A_112 : vector<16x1xi32> to vector<16xi32>
      %gather3A_114 = tpu.dynamic_gather %get3A_61[%gather3A_113] in [0] : vector<16xf32>, vector<16xi32> -> vector<16xf32>
      %sub3A_115 = arith.subf %get3A_25, %get3A_20 : vector<16xf32>
      %mul3A_116 = arith.mulf %gather3A_110, %sub3A_115 : vector<16xf32>
      %add3A_117 = arith.addf %get3A_20, %mul3A_116 : vector<16xf32>
      %sub3A_118 = arith.subf %get3A_35, %get3A_30 : vector<16xf32>
      %mul3A_119 = arith.mulf %gather3A_110, %sub3A_118 : vector<16xf32>
      %add3A_120 = arith.addf %get3A_30, %mul3A_119 : vector<16xf32>
      %sub3A_121 = arith.subf %get3A_45, %get3A_40 : vector<16xf32>
      %mul3A_122 = arith.mulf %gather3A_110, %sub3A_121 : vector<16xf32>
      %add3A_123 = arith.addf %get3A_40, %mul3A_122 : vector<16xf32>
      %sub3A_124 = arith.subf %get3A_55, %get3A_50 : vector<16xf32>
      %mul3A_125 = arith.mulf %gather3A_110, %sub3A_124 : vector<16xf32>
      %add3A_126 = arith.addf %get3A_50, %mul3A_125 : vector<16xf32>
      %add3A_127 = arith.addf %add3A_117, %add3A_123 : vector<16xf32>
      %sub3A_128 = arith.subf %add3A_126, %add3A_123 : vector<16xf32>
      %mul3A_129 = arith.constant 2.000000e-03 : f32
      %mul3A_130 = vector.broadcast %mul3A_129 : f32 to vector<16xf32>
      %mul3A_131 = arith.mulf %gather3A_114, %mul3A_130 : vector<16xf32>
      %mul3A_132 = arith.mulf %sub3A_128, %mul3A_131 : vector<16xf32>
      %add3A_133 = arith.addf %add3A_127, %mul3A_132 : vector<16xf32>
      %sub3A_134 = arith.subf %add3A_120, %add3A_117 : vector<16xf32>
      %mul3A_135 = arith.constant 0.00999999977 : f32
      %mul3A_136 = vector.broadcast %mul3A_135 : f32 to vector<16xf32>
      %mul3A_137 = arith.mulf %gather3A_110, %mul3A_136 : vector<16xf32>
      %mul3A_138 = arith.mulf %sub3A_134, %mul3A_137 : vector<16xf32>
      %scan3A = arith.constant 0 : i32
      %scan3A_139 = arith.constant 0 : i32
      %scan3A_140 = arith.constant 125 : i32
      %scan3A_141 = arith.addi %scan3A_139, %scan3A_140 : i32
      %scan3A_142 = arith.constant 1 : i32
      %scan3A_143 = scf.for %scan3A_145 = %scan3A_139 to %scan3A_141 step %scan3A_142 iter_args(%scan3A_146 = %scan3A) -> (i32)  : i32 {
        %mul3A_147 = arith.constant 16 : i32
        %mul3A_148 = arith.muli %scan3A_145, %mul3A_147 : i32
        %get3A_149 = arith.constant 6 : i32
        %get3A_150 = arith.index_cast %get3A_149 : i32 to index
        %get3A_151 = arith.index_cast %mul3A_148 : i32 to index
        %get3A_152 = tpu.vector_load %arg18[%get3A_150, %get3A_151] {strides = array<i32>} : memref<8x2000xf32, #tpu.memory_space<vmem>>, vector<1x16xf32>,
        %get3A_153 = vector.shape_cast %get3A_152 : vector<1x16xf32> to vector<16xf32>
        %broadcast_in_dim3A_154 = arith.constant 0 : i32
        %broadcast_in_dim3A_155 = vector.broadcast %broadcast_in_dim3A_154 : i32 to vector<16x1xi32>
        %gather3A_156 = vector.shape_cast %broadcast_in_dim3A_155 : vector<16x1xi32> to vector<16xi32>
        %gather3A_157 = tpu.dynamic_gather %get3A_153[%gather3A_156] in [0] : vector<16xf32>, vector<16xi32> -> vector<16xf32>
        %mul3A_158 = arith.mulf %mul3A_138, %gather3A_157 : vector<16xf32>
        %add3A_159 = arith.addf %add3A_133, %mul3A_158 : vector<16xf32>
        %mul3A_160 = arith.constant 16 : i32
        %mul3A_161 = arith.muli %scan3A_145, %mul3A_160 : i32
        %add3A_162 = arith.constant 0 : i32
        %add3A_163 = arith.addi %mul3A_161, %add3A_162 : i32
        %swap3A = arith.constant 0 : i32
        %swap3A_164 = arith.index_cast %swap3A : i32 to index
        %swap3A_165 = arith.index_cast %add3A_163 : i32 to index
        %swap3A_166 = arith.constant 0 : index
        %swap3A_167 = tpu.vector_load %arg19[%swap3A_164, %swap3A_165, %swap3A_166] {strides = array<i32>} : memref<3x2000x16xf32, #tpu.memory_space<vmem>>, vector<1x1x16xf32>,
        %swap3A_168 = vector.shape_cast %swap3A_167 : vector<1x1x16xf32> to vector<16xf32>
        %swap3A_169 = vector.shape_cast %add3A_159 : vector<16xf32> to vector<1x1x16xf32>
        tpu.vector_store %arg19[%swap3A_164, %swap3A_165, %swap3A_166], %swap3A_169 {strides = array<i32>} : memref<3x2000x16xf32, #tpu.memory_space<vmem>>, vector<1x1x16xf32>,
        %broadcast_in_dim3A_170 = arith.constant 1 : i32
        %broadcast_in_dim3A_171 = vector.broadcast %broadcast_in_dim3A_170 : i32 to vector<16x1xi32>
        %gather3A_172 = vector.shape_cast %broadcast_in_dim3A_171 : vector<16x1xi32> to vector<16xi32>
        %gather3A_173 = tpu.dynamic_gather %get3A_153[%gather3A_172] in [0] : vector<16xf32>, vector<16xi32> -> vector<16xf32>
        %mul3A_174 = arith.mulf %mul3A_138, %gather3A_173 : vector<16xf32>
        %add3A_175 = arith.addf %add3A_133, %mul3A_174 : vector<16xf32>
        %mul3A_176 = arith.constant 16 : i32
        %mul3A_177 = arith.muli %scan3A_145, %mul3A_176 : i32
        %add3A_178 = arith.constant 1 : i32
        %add3A_179 = arith.addi %mul3A_177, %add3A_178 : i32
        %swap3A_180 = arith.constant 0 : i32
        %swap3A_181 = arith.index_cast %swap3A_180 : i32 to index
        %swap3A_182 = arith.index_cast %add3A_179 : i32 to index
        %swap3A_183 = arith.constant 0 : index
        %swap3A_184 = tpu.vector_load %arg19[%swap3A_181, %swap3A_182, %swap3A_183] {strides = array<i32>} : memref<3x2000x16xf32, #tpu.memory_space<vmem>>, vector<1x1x16xf32>,
        %swap3A_185 = vector.shape_cast %swap3A_184 : vector<1x1x16xf32> to vector<16xf32>
        %swap3A_186 = vector.shape_cast %add3A_175 : vector<16xf32> to vector<1x1x16xf32>
        tpu.vector_store %arg19[%swap3A_181, %swap3A_182, %swap3A_183], %swap3A_186 {strides = array<i32>} : memref<3x2000x16xf32, #tpu.memory_space<vmem>>, vector<1x1x16xf32>,
        %broadcast_in_dim3A_187 = arith.constant 2 : i32
        %broadcast_in_dim3A_188 = vector.broadcast %broadcast_in_dim3A_187 : i32 to vector<16x1xi32>
        %gather3A_189 = vector.shape_cast %broadcast_in_dim3A_188 : vector<16x1xi32> to vector<16xi32>
        %gather3A_190 = tpu.dynamic_gather %get3A_153[%gather3A_189] in [0] : vector<16xf32>, vector<16xi32> -> vector<16xf32>
        %mul3A_191 = arith.mulf %mul3A_138, %gather3A_190 : vector<16xf32>
        %add3A_192 = arith.addf %add3A_133, %mul3A_191 : vector<16xf32>
        %mul3A_193 = arith.constant 16 : i32
        %mul3A_194 = arith.muli %scan3A_145, %mul3A_193 : i32
        %add3A_195 = arith.constant 2 : i32
        %add3A_196 = arith.addi %mul3A_194, %add3A_195 : i32
        %swap3A_197 = arith.constant 0 : i32
        %swap3A_198 = arith.index_cast %swap3A_197 : i32 to index
        %swap3A_199 = arith.index_cast %add3A_196 : i32 to index
        %swap3A_200 = arith.constant 0 : index
        %swap3A_201 = tpu.vector_load %arg19[%swap3A_198, %swap3A_199, %swap3A_200] {strides = array<i32>} : memref<3x2000x16xf32, #tpu.memory_space<vmem>>, vector<1x1x16xf32>,
        %swap3A_202 = vector.shape_cast %swap3A_201 : vector<1x1x16xf32> to vector<16xf32>
        %swap3A_203 = vector.shape_cast %add3A_192 : vector<16xf32> to vector<1x1x16xf32>
        tpu.vector_store %arg19[%swap3A_198, %swap3A_199, %swap3A_200], %swap3A_203 {strides = array<i32>} : memref<3x2000x16xf32, #tpu.memory_space<vmem>>, vector<1x1x16xf32>,
        %broadcast_in_dim3A_204 = arith.constant 3 : i32
        %broadcast_in_dim3A_205 = vector.broadcast %broadcast_in_dim3A_204 : i32 to vector<16x1xi32>
        %gather3A_206 = vector.shape_cast %broadcast_in_dim3A_205 : vector<16x1xi32> to vector<16xi32>
        %gather3A_207 = tpu.dynamic_gather %get3A_153[%gather3A_206] in [0] : vector<16xf32>, vector<16xi32> -> vector<16xf32>
        %mul3A_208 = arith.mulf %mul3A_138, %gather3A_207 : vector<16xf32>
        %add3A_209 = arith.addf %add3A_133, %mul3A_208 : vector<16xf32>
        %mul3A_210 = arith.constant 16 : i32
        %mul3A_211 = arith.muli %scan3A_145, %mul3A_210 : i32
        %add3A_212 = arith.constant 3 : i32
        %add3A_213 = arith.addi %mul3A_211, %add3A_212 : i32
        %swap3A_214 = arith.constant 0 : i32
        %swap3A_215 = arith.index_cast %swap3A_214 : i32 to index
        %swap3A_216 = arith.index_cast %add3A_213 : i32 to index
        %swap3A_217 = arith.constant 0 : index
        %swap3A_218 = tpu.vector_load %arg19[%swap3A_215, %swap3A_216, %swap3A_217] {strides = array<i32>} : memref<3x2000x16xf32, #tpu.memory_space<vmem>>, vector<1x1x16xf32>,
        %swap3A_219 = vector.shape_cast %swap3A_218 : vector<1x1x16xf32> to vector<16xf32>
        %swap3A_220 = vector.shape_cast %add3A_209 : vector<16xf32> to vector<1x1x16xf32>
        tpu.vector_store %arg19[%swap3A_215, %swap3A_216, %swap3A_217], %swap3A_220 {strides = array<i32>} : memref<3x2000x16xf32, #tpu.memory_space<vmem>>, vector<1x1x16xf32>,
        %broadcast_in_dim3A_221 = arith.constant 4 : i32
        %broadcast_in_dim3A_222 = vector.broadcast %broadcast_in_dim3A_221 : i32 to vector<16x1xi32>
        %gather3A_223 = vector.shape_cast %broadcast_in_dim3A_222 : vector<16x1xi32> to vector<16xi32>
        %gather3A_224 = tpu.dynamic_gather %get3A_153[%gather3A_223] in [0] : vector<16xf32>, vector<16xi32> -> vector<16xf32>
        %mul3A_225 = arith.mulf %mul3A_138, %gather3A_224 : vector<16xf32>
        %add3A_226 = arith.addf %add3A_133, %mul3A_225 : vector<16xf32>
        %mul3A_227 = arith.constant 16 : i32
        %mul3A_228 = arith.muli %scan3A_145, %mul3A_227 : i32
        %add3A_229 = arith.constant 4 : i32
        %add3A_230 = arith.addi %mul3A_228, %add3A_229 : i32
        %swap3A_231 = arith.constant 0 : i32
        %swap3A_232 = arith.index_cast %swap3A_231 : i32 to index
        %swap3A_233 = arith.index_cast %add3A_230 : i32 to index
        %swap3A_234 = arith.constant 0 : index
        %swap3A_235 = tpu.vector_load %arg19[%swap3A_232, %swap3A_233, %swap3A_234] {strides = array<i32>} : memref<3x2000x16xf32, #tpu.memory_space<vmem>>, vector<1x1x16xf32>,
        %swap3A_236 = vector.shape_cast %swap3A_235 : vector<1x1x16xf32> to vector<16xf32>
        %swap3A_237 = vector.shape_cast %add3A_226 : vector<16xf32> to vector<1x1x16xf32>
        tpu.vector_store %arg19[%swap3A_232, %swap3A_233, %swap3A_234], %swap3A_237 {strides = array<i32>} : memref<3x2000x16xf32, #tpu.memory_space<vmem>>, vector<1x1x16xf32>,
        %broadcast_in_dim3A_238 = arith.constant 5 : i32
        %broadcast_in_dim3A_239 = vector.broadcast %broadcast_in_dim3A_238 : i32 to vector<16x1xi32>
        %gather3A_240 = vector.shape_cast %broadcast_in_dim3A_239 : vector<16x1xi32> to vector<16xi32>
        %gather3A_241 = tpu.dynamic_gather %get3A_153[%gather3A_240] in [0] : vector<16xf32>, vector<16xi32> -> vector<16xf32>
        %mul3A_242 = arith.mulf %mul3A_138, %gather3A_241 : vector<16xf32>
        %add3A_243 = arith.addf %add3A_133, %mul3A_242 : vector<16xf32>
        %mul3A_244 = arith.constant 16 : i32
        %mul3A_245 = arith.muli %scan3A_145, %mul3A_244 : i32
        %add3A_246 = arith.constant 5 : i32
        %add3A_247 = arith.addi %mul3A_245, %add3A_246 : i32
        %swap3A_248 = arith.constant 0 : i32
        %swap3A_249 = arith.index_cast %swap3A_248 : i32 to index
        %swap3A_250 = arith.index_cast %add3A_247 : i32 to index
        %swap3A_251 = arith.constant 0 : index
        %swap3A_252 = tpu.vector_load %arg19[%swap3A_249, %swap3A_250, %swap3A_251] {strides = array<i32>} : memref<3x2000x16xf32, #tpu.memory_space<vmem>>, vector<1x1x16xf32>,
        %swap3A_253 = vector.shape_cast %swap3A_252 : vector<1x1x16xf32> to vector<16xf32>
        %swap3A_254 = vector.shape_cast %add3A_243 : vector<16xf32> to vector<1x1x16xf32>
        tpu.vector_store %arg19[%swap3A_249, %swap3A_250, %swap3A_251], %swap3A_254 {strides = array<i32>} : memref<3x2000x16xf32, #tpu.memory_space<vmem>>, vector<1x1x16xf32>,
        %broadcast_in_dim3A_255 = arith.constant 6 : i32
        %broadcast_in_dim3A_256 = vector.broadcast %broadcast_in_dim3A_255 : i32 to vector<16x1xi32>
        %gather3A_257 = vector.shape_cast %broadcast_in_dim3A_256 : vector<16x1xi32> to vector<16xi32>
        %gather3A_258 = tpu.dynamic_gather %get3A_153[%gather3A_257] in [0] : vector<16xf32>, vector<16xi32> -> vector<16xf32>
        %mul3A_259 = arith.mulf %mul3A_138, %gather3A_258 : vector<16xf32>
        %add3A_260 = arith.addf %add3A_133, %mul3A_259 : vector<16xf32>
        %mul3A_261 = arith.constant 16 : i32
        %mul3A_262 = arith.muli %scan3A_145, %mul3A_261 : i32
        %add3A_263 = arith.constant 6 : i32
        %add3A_264 = arith.addi %mul3A_262, %add3A_263 : i32
        %swap3A_265 = arith.constant 0 : i32
        %swap3A_266 = arith.index_cast %swap3A_265 : i32 to index
        %swap3A_267 = arith.index_cast %add3A_264 : i32 to index
        %swap3A_268 = arith.constant 0 : index
        %swap3A_269 = tpu.vector_load %arg19[%swap3A_266, %swap3A_267, %swap3A_268] {strides = array<i32>} : memref<3x2000x16xf32, #tpu.memory_space<vmem>>, vector<1x1x16xf32>,
        %swap3A_270 = vector.shape_cast %swap3A_269 : vector<1x1x16xf32> to vector<16xf32>
        %swap3A_271 = vector.shape_cast %add3A_260 : vector<16xf32> to vector<1x1x16xf32>
        tpu.vector_store %arg19[%swap3A_266, %swap3A_267, %swap3A_268], %swap3A_271 {strides = array<i32>} : memref<3x2000x16xf32, #tpu.memory_space<vmem>>, vector<1x1x16xf32>,
        %broadcast_in_dim3A_272 = arith.constant 7 : i32
        %broadcast_in_dim3A_273 = vector.broadcast %broadcast_in_dim3A_272 : i32 to vector<16x1xi32>
        %gather3A_274 = vector.shape_cast %broadcast_in_dim3A_273 : vector<16x1xi32> to vector<16xi32>
        %gather3A_275 = tpu.dynamic_gather %get3A_153[%gather3A_274] in [0] : vector<16xf32>, vector<16xi32> -> vector<16xf32>
        %mul3A_276 = arith.mulf %mul3A_138, %gather3A_275 : vector<16xf32>
        %add3A_277 = arith.addf %add3A_133, %mul3A_276 : vector<16xf32>
        %mul3A_278 = arith.constant 16 : i32
        %mul3A_279 = arith.muli %scan3A_145, %mul3A_278 : i32
        %add3A_280 = arith.constant 7 : i32
        %add3A_281 = arith.addi %mul3A_279, %add3A_280 : i32
        %swap3A_282 = arith.constant 0 : i32
        %swap3A_283 = arith.index_cast %swap3A_282 : i32 to index
        %swap3A_284 = arith.index_cast %add3A_281 : i32 to index
        %swap3A_285 = arith.constant 0 : index
        %swap3A_286 = tpu.vector_load %arg19[%swap3A_283, %swap3A_284, %swap3A_285] {strides = array<i32>} : memref<3x2000x16xf32, #tpu.memory_space<vmem>>, vector<1x1x16xf32>,
        %swap3A_287 = vector.shape_cast %swap3A_286 : vector<1x1x16xf32> to vector<16xf32>
        %swap3A_288 = vector.shape_cast %add3A_277 : vector<16xf32> to vector<1x1x16xf32>
        tpu.vector_store %arg19[%swap3A_283, %swap3A_284, %swap3A_285], %swap3A_288 {strides = array<i32>} : memref<3x2000x16xf32, #tpu.memory_space<vmem>>, vector<1x1x16xf32>,
        %broadcast_in_dim3A_289 = arith.constant 8 : i32
        %broadcast_in_dim3A_290 = vector.broadcast %broadcast_in_dim3A_289 : i32 to vector<16x1xi32>
        %gather3A_291 = vector.shape_cast %broadcast_in_dim3A_290 : vector<16x1xi32> to vector<16xi32>
        %gather3A_292 = tpu.dynamic_gather %get3A_153[%gather3A_291] in [0] : vector<16xf32>, vector<16xi32> -> vector<16xf32>
        %mul3A_293 = arith.mulf %mul3A_138, %gather3A_292 : vector<16xf32>
        %add3A_294 = arith.addf %add3A_133, %mul3A_293 : vector<16xf32>
        %mul3A_295 = arith.constant 16 : i32
        %mul3A_296 = arith.muli %scan3A_145, %mul3A_295 : i32
        %add3A_297 = arith.constant 8 : i32
        %add3A_298 = arith.addi %mul3A_296, %add3A_297 : i32
        %swap3A_299 = arith.constant 0 : i32
        %swap3A_300 = arith.index_cast %swap3A_299 : i32 to index
        %swap3A_301 = arith.index_cast %add3A_298 : i32 to index
        %swap3A_302 = arith.constant 0 : index
        %swap3A_303 = tpu.vector_load %arg19[%swap3A_300, %swap3A_301, %swap3A_302] {strides = array<i32>} : memref<3x2000x16xf32, #tpu.memory_space<vmem>>, vector<1x1x16xf32>,
        %swap3A_304 = vector.shape_cast %swap3A_303 : vector<1x1x16xf32> to vector<16xf32>
        %swap3A_305 = vector.shape_cast %add3A_294 : vector<16xf32> to vector<1x1x16xf32>
        tpu.vector_store %arg19[%swap3A_300, %swap3A_301, %swap3A_302], %swap3A_305 {strides = array<i32>} : memref<3x2000x16xf32, #tpu.memory_space<vmem>>, vector<1x1x16xf32>,
        %broadcast_in_dim3A_306 = arith.constant 9 : i32
        %broadcast_in_dim3A_307 = vector.broadcast %broadcast_in_dim3A_306 : i32 to vector<16x1xi32>
        %gather3A_308 = vector.shape_cast %broadcast_in_dim3A_307 : vector<16x1xi32> to vector<16xi32>
        %gather3A_309 = tpu.dynamic_gather %get3A_153[%gather3A_308] in [0] : vector<16xf32>, vector<16xi32> -> vector<16xf32>
        %mul3A_310 = arith.mulf %mul3A_138, %gather3A_309 : vector<16xf32>
        %add3A_311 = arith.addf %add3A_133, %mul3A_310 : vector<16xf32>
        %mul3A_312 = arith.constant 16 : i32
        %mul3A_313 = arith.muli %scan3A_145, %mul3A_312 : i32
        %add3A_314 = arith.constant 9 : i32
        %add3A_315 = arith.addi %mul3A_313, %add3A_314 : i32
        %swap3A_316 = arith.constant 0 : i32
        %swap3A_317 = arith.index_cast %swap3A_316 : i32 to index
        %swap3A_318 = arith.index_cast %add3A_315 : i32 to index
        %swap3A_319 = arith.constant 0 : index
        %swap3A_320 = tpu.vector_load %arg19[%swap3A_317, %swap3A_318, %swap3A_319] {strides = array<i32>} : memref<3x2000x16xf32, #tpu.memory_space<vmem>>, vector<1x1x16xf32>,
        %swap3A_321 = vector.shape_cast %swap3A_320 : vector<1x1x16xf32> to vector<16xf32>
        %swap3A_322 = vector.shape_cast %add3A_311 : vector<16xf32> to vector<1x1x16xf32>
        tpu.vector_store %arg19[%swap3A_317, %swap3A_318, %swap3A_319], %swap3A_322 {strides = array<i32>} : memref<3x2000x16xf32, #tpu.memory_space<vmem>>, vector<1x1x16xf32>,
        %broadcast_in_dim3A_323 = arith.constant 10 : i32
        %broadcast_in_dim3A_324 = vector.broadcast %broadcast_in_dim3A_323 : i32 to vector<16x1xi32>
        %gather3A_325 = vector.shape_cast %broadcast_in_dim3A_324 : vector<16x1xi32> to vector<16xi32>
        %gather3A_326 = tpu.dynamic_gather %get3A_153[%gather3A_325] in [0] : vector<16xf32>, vector<16xi32> -> vector<16xf32>
        %mul3A_327 = arith.mulf %mul3A_138, %gather3A_326 : vector<16xf32>
        %add3A_328 = arith.addf %add3A_133, %mul3A_327 : vector<16xf32>
        %mul3A_329 = arith.constant 16 : i32
        %mul3A_330 = arith.muli %scan3A_145, %mul3A_329 : i32
        %add3A_331 = arith.constant 10 : i32
        %add3A_332 = arith.addi %mul3A_330, %add3A_331 : i32
        %swap3A_333 = arith.constant 0 : i32
        %swap3A_334 = arith.index_cast %swap3A_333 : i32 to index
        %swap3A_335 = arith.index_cast %add3A_332 : i32 to index
        %swap3A_336 = arith.constant 0 : index
        %swap3A_337 = tpu.vector_load %arg19[%swap3A_334, %swap3A_335, %swap3A_336] {strides = array<i32>} : memref<3x2000x16xf32, #tpu.memory_space<vmem>>, vector<1x1x16xf32>,
        %swap3A_338 = vector.shape_cast %swap3A_337 : vector<1x1x16xf32> to vector<16xf32>
        %swap3A_339 = vector.shape_cast %add3A_328 : vector<16xf32> to vector<1x1x16xf32>
        tpu.vector_store %arg19[%swap3A_334, %swap3A_335, %swap3A_336], %swap3A_339 {strides = array<i32>} : memref<3x2000x16xf32, #tpu.memory_space<vmem>>, vector<1x1x16xf32>,
        %broadcast_in_dim3A_340 = arith.constant 11 : i32
        %broadcast_in_dim3A_341 = vector.broadcast %broadcast_in_dim3A_340 : i32 to vector<16x1xi32>
        %gather3A_342 = vector.shape_cast %broadcast_in_dim3A_341 : vector<16x1xi32> to vector<16xi32>
        %gather3A_343 = tpu.dynamic_gather %get3A_153[%gather3A_342] in [0] : vector<16xf32>, vector<16xi32> -> vector<16xf32>
        %mul3A_344 = arith.mulf %mul3A_138, %gather3A_343 : vector<16xf32>
        %add3A_345 = arith.addf %add3A_133, %mul3A_344 : vector<16xf32>
        %mul3A_346 = arith.constant 16 : i32
        %mul3A_347 = arith.muli %scan3A_145, %mul3A_346 : i32
        %add3A_348 = arith.constant 11 : i32
        %add3A_349 = arith.addi %mul3A_347, %add3A_348 : i32
        %swap3A_350 = arith.constant 0 : i32
        %swap3A_351 = arith.index_cast %swap3A_350 : i32 to index
        %swap3A_352 = arith.index_cast %add3A_349 : i32 to index
        %swap3A_353 = arith.constant 0 : index
        %swap3A_354 = tpu.vector_load %arg19[%swap3A_351, %swap3A_352, %swap3A_353] {strides = array<i32>} : memref<3x2000x16xf32, #tpu.memory_space<vmem>>, vector<1x1x16xf32>,
        %swap3A_355 = vector.shape_cast %swap3A_354 : vector<1x1x16xf32> to vector<16xf32>
        %swap3A_356 = vector.shape_cast %add3A_345 : vector<16xf32> to vector<1x1x16xf32>
        tpu.vector_store %arg19[%swap3A_351, %swap3A_352, %swap3A_353], %swap3A_356 {strides = array<i32>} : memref<3x2000x16xf32, #tpu.memory_space<vmem>>, vector<1x1x16xf32>,
        %broadcast_in_dim3A_357 = arith.constant 12 : i32
        %broadcast_in_dim3A_358 = vector.broadcast %broadcast_in_dim3A_357 : i32 to vector<16x1xi32>
        %gather3A_359 = vector.shape_cast %broadcast_in_dim3A_358 : vector<16x1xi32> to vector<16xi32>
        %gather3A_360 = tpu.dynamic_gather %get3A_153[%gather3A_359] in [0] : vector<16xf32>, vector<16xi32> -> vector<16xf32>
        %mul3A_361 = arith.mulf %mul3A_138, %gather3A_360 : vector<16xf32>
        %add3A_362 = arith.addf %add3A_133, %mul3A_361 : vector<16xf32>
        %mul3A_363 = arith.constant 16 : i32
        %mul3A_364 = arith.muli %scan3A_145, %mul3A_363 : i32
        %add3A_365 = arith.constant 12 : i32
        %add3A_366 = arith.addi %mul3A_364, %add3A_365 : i32
        %swap3A_367 = arith.constant 0 : i32
        %swap3A_368 = arith.index_cast %swap3A_367 : i32 to index
        %swap3A_369 = arith.index_cast %add3A_366 : i32 to index
        %swap3A_370 = arith.constant 0 : index
        %swap3A_371 = tpu.vector_load %arg19[%swap3A_368, %swap3A_369, %swap3A_370] {strides = array<i32>} : memref<3x2000x16xf32, #tpu.memory_space<vmem>>, vector<1x1x16xf32>,
        %swap3A_372 = vector.shape_cast %swap3A_371 : vector<1x1x16xf32> to vector<16xf32>
        %swap3A_373 = vector.shape_cast %add3A_362 : vector<16xf32> to vector<1x1x16xf32>
        tpu.vector_store %arg19[%swap3A_368, %swap3A_369, %swap3A_370], %swap3A_373 {strides = array<i32>} : memref<3x2000x16xf32, #tpu.memory_space<vmem>>, vector<1x1x16xf32>,
        %broadcast_in_dim3A_374 = arith.constant 13 : i32
        %broadcast_in_dim3A_375 = vector.broadcast %broadcast_in_dim3A_374 : i32 to vector<16x1xi32>
        %gather3A_376 = vector.shape_cast %broadcast_in_dim3A_375 : vector<16x1xi32> to vector<16xi32>
        %gather3A_377 = tpu.dynamic_gather %get3A_153[%gather3A_376] in [0] : vector<16xf32>, vector<16xi32> -> vector<16xf32>
        %mul3A_378 = arith.mulf %mul3A_138, %gather3A_377 : vector<16xf32>
        %add3A_379 = arith.addf %add3A_133, %mul3A_378 : vector<16xf32>
        %mul3A_380 = arith.constant 16 : i32
        %mul3A_381 = arith.muli %scan3A_145, %mul3A_380 : i32
        %add3A_382 = arith.constant 13 : i32
        %add3A_383 = arith.addi %mul3A_381, %add3A_382 : i32
        %swap3A_384 = arith.constant 0 : i32
        %swap3A_385 = arith.index_cast %swap3A_384 : i32 to index
        %swap3A_386 = arith.index_cast %add3A_383 : i32 to index
        %swap3A_387 = arith.constant 0 : index
        %swap3A_388 = tpu.vector_load %arg19[%swap3A_385, %swap3A_386, %swap3A_387] {strides = array<i32>} : memref<3x2000x16xf32, #tpu.memory_space<vmem>>, vector<1x1x16xf32>,
        %swap3A_389 = vector.shape_cast %swap3A_388 : vector<1x1x16xf32> to vector<16xf32>
        %swap3A_390 = vector.shape_cast %add3A_379 : vector<16xf32> to vector<1x1x16xf32>
        tpu.vector_store %arg19[%swap3A_385, %swap3A_386, %swap3A_387], %swap3A_390 {strides = array<i32>} : memref<3x2000x16xf32, #tpu.memory_space<vmem>>, vector<1x1x16xf32>,
        %broadcast_in_dim3A_391 = arith.constant 14 : i32
        %broadcast_in_dim3A_392 = vector.broadcast %broadcast_in_dim3A_391 : i32 to vector<16x1xi32>
        %gather3A_393 = vector.shape_cast %broadcast_in_dim3A_392 : vector<16x1xi32> to vector<16xi32>
        %gather3A_394 = tpu.dynamic_gather %get3A_153[%gather3A_393] in [0] : vector<16xf32>, vector<16xi32> -> vector<16xf32>
        %mul3A_395 = arith.mulf %mul3A_138, %gather3A_394 : vector<16xf32>
        %add3A_396 = arith.addf %add3A_133, %mul3A_395 : vector<16xf32>
        %mul3A_397 = arith.constant 16 : i32
        %mul3A_398 = arith.muli %scan3A_145, %mul3A_397 : i32
        %add3A_399 = arith.constant 14 : i32
        %add3A_400 = arith.addi %mul3A_398, %add3A_399 : i32
        %swap3A_401 = arith.constant 0 : i32
        %swap3A_402 = arith.index_cast %swap3A_401 : i32 to index
        %swap3A_403 = arith.index_cast %add3A_400 : i32 to index
        %swap3A_404 = arith.constant 0 : index
        %swap3A_405 = tpu.vector_load %arg19[%swap3A_402, %swap3A_403, %swap3A_404] {strides = array<i32>} : memref<3x2000x16xf32, #tpu.memory_space<vmem>>, vector<1x1x16xf32>,
        %swap3A_406 = vector.shape_cast %swap3A_405 : vector<1x1x16xf32> to vector<16xf32>
        %swap3A_407 = vector.shape_cast %add3A_396 : vector<16xf32> to vector<1x1x16xf32>
        tpu.vector_store %arg19[%swap3A_402, %swap3A_403, %swap3A_404], %swap3A_407 {strides = array<i32>} : memref<3x2000x16xf32, #tpu.memory_space<vmem>>, vector<1x1x16xf32>,
        %broadcast_in_dim3A_408 = arith.constant 15 : i32
        %broadcast_in_dim3A_409 = vector.broadcast %broadcast_in_dim3A_408 : i32 to vector<16x1xi32>
        %gather3A_410 = vector.shape_cast %broadcast_in_dim3A_409 : vector<16x1xi32> to vector<16xi32>
        %gather3A_411 = tpu.dynamic_gather %get3A_153[%gather3A_410] in [0] : vector<16xf32>, vector<16xi32> -> vector<16xf32>
        %mul3A_412 = arith.mulf %mul3A_138, %gather3A_411 : vector<16xf32>
        %add3A_413 = arith.addf %add3A_133, %mul3A_412 : vector<16xf32>
        %mul3A_414 = arith.constant 16 : i32
        %mul3A_415 = arith.muli %scan3A_145, %mul3A_414 : i32
        %add3A_416 = arith.constant 15 : i32
        %add3A_417 = arith.addi %mul3A_415, %add3A_416 : i32
        %swap3A_418 = arith.constant 0 : i32
        %swap3A_419 = arith.index_cast %swap3A_418 : i32 to index
        %swap3A_420 = arith.index_cast %add3A_417 : i32 to index
        %swap3A_421 = arith.constant 0 : index
        %swap3A_422 = tpu.vector_load %arg19[%swap3A_419, %swap3A_420, %swap3A_421] {strides = array<i32>} : memref<3x2000x16xf32, #tpu.memory_space<vmem>>, vector<1x1x16xf32>,
        %swap3A_423 = vector.shape_cast %swap3A_422 : vector<1x1x16xf32> to vector<16xf32>
        %swap3A_424 = vector.shape_cast %add3A_413 : vector<16xf32> to vector<1x1x16xf32>
        tpu.vector_store %arg19[%swap3A_419, %swap3A_420, %swap3A_421], %swap3A_424 {strides = array<i32>} : memref<3x2000x16xf32, #tpu.memory_space<vmem>>, vector<1x1x16xf32>,
        %scan3A_425 = arith.constant 0 : i32
        scf.yield %scan3A_425 : i32
      }
      %scan3A_144 = arith.constant 125 : i32
    } else {
    }
    %gt3A_104 = arith.constant 6 : i32
    %gt3A_105 = arith.cmpi sgt, %select_n3A_12, %gt3A_104 : i32
    %convert_element_type3A_106 = arith.extui %gt3A_105 : i1 to i32
    %cond3A_107 = arith.constant 0 : i32
    %cond3A_108 = arith.cmpi ne, %convert_element_type3A_106, %cond3A_107 : i32
    scf.if %cond3A_108 {
      %add3A_109 = arith.constant 6 : i32
      %add3A_110 = arith.addi %select_n3A, %add3A_109 : i32
      "tpu.region"() ({
        %run_scoped3A = tpu.sem_alloc : memref<!tpu.dma_semaphore, #tpu.memory_space<semaphore_mem>>
        %dma_start3A_111 = arith.constant 0 : i32
        %dma_start3A_112 = arith.constant 0 : i32
        %dma_start3A_113 = arith.constant 0 : i32
        %dma_start3A_114 = tpu.memref_slice %arg19[%dma_start3A_111, %dma_start3A_112, %dma_start3A_113] : memref<3x2000x16xf32, #tpu.memory_space<vmem>> -> memref<1x2000x16xf32, #tpu.memory_space<vmem>>
        %dma_start3A_115 = arith.constant 0 : i32
        %dma_start3A_116 = arith.constant 0 : i32
        %dma_start3A_117 = tpu.memref_slice %arg10[%add3A_110, %dma_start3A_115, %dma_start3A_116] : memref<200x2000x16xf32, #tpu.memory_space<hbm>> -> memref<1x2000x16xf32, #tpu.memory_space<hbm>>
        %dma_start3A_118 = arith.constant 0 : i32
        %dma_start3A_119 = arith.constant 0 : i32
        %dma_start3A_120 = tpu.memref_slice %arg10[%add3A_110, %dma_start3A_118, %dma_start3A_119] : memref<200x2000x16xf32, #tpu.memory_space<hbm>> -> memref<1x2000x16xf32, #tpu.memory_space<hbm>>
        %dma_start3A_121 = arith.constant 0 : i32
        %dma_start3A_122 = arith.constant 0 : i32
        %dma_start3A_123 = arith.constant 0 : i32
        %dma_start3A_124 = tpu.memref_slice %arg19[%dma_start3A_121, %dma_start3A_122, %dma_start3A_123] : memref<3x2000x16xf32, #tpu.memory_space<vmem>> -> memref<1x2000x16xf32, #tpu.memory_space<vmem>>
        tpu.enqueue_dma source(%dma_start3A_124 : memref<1x2000x16xf32, #tpu.memory_space<vmem>>) target(%dma_start3A_120 : memref<1x2000x16xf32, #tpu.memory_space<hbm>>) target_semaphore(%run_scoped3A : memref<!tpu.dma_semaphore, #tpu.memory_space<semaphore_mem>>)
        %dma_wait3A_125 = arith.constant 0 : i32
        %dma_wait3A_126 = arith.constant 0 : i32
        %dma_wait3A_127 = arith.constant 0 : i32
        %dma_wait3A_128 = tpu.memref_slice %arg19[%dma_wait3A_125, %dma_wait3A_126, %dma_wait3A_127] : memref<3x2000x16xf32, #tpu.memory_space<vmem>> -> memref<1x2000x16xf32, #tpu.memory_space<vmem>>
        %dma_wait3A_129 = arith.constant 0 : i32
        %dma_wait3A_130 = arith.constant 0 : i32
        %dma_wait3A_131 = tpu.memref_slice %arg10[%add3A_110, %dma_wait3A_129, %dma_wait3A_130] : memref<200x2000x16xf32, #tpu.memory_space<hbm>> -> memref<1x2000x16xf32, #tpu.memory_space<hbm>>
        %dma_wait3A_132 = arith.constant 0 : i32
        %dma_wait3A_133 = arith.constant 0 : i32
        %dma_wait3A_134 = tpu.memref_slice %arg10[%add3A_110, %dma_wait3A_132, %dma_wait3A_133] : memref<200x2000x16xf32, #tpu.memory_space<hbm>> -> memref<1x2000x16xf32, #tpu.memory_space<hbm>>
        %dma_wait3A_135 = arith.constant 0 : i32
        %dma_wait3A_136 = arith.constant 0 : i32
        %dma_wait3A_137 = arith.constant 0 : i32
        %dma_wait3A_138 = tpu.memref_slice %arg19[%dma_wait3A_135, %dma_wait3A_136, %dma_wait3A_137] : memref<3x2000x16xf32, #tpu.memory_space<vmem>> -> memref<1x2000x16xf32, #tpu.memory_space<vmem>>
        tpu.wait_dma2 semaphore(%run_scoped3A : memref<!tpu.dma_semaphore, #tpu.memory_space<semaphore_mem>>) src(%dma_wait3A_138 : memref<1x2000x16xf32, #tpu.memory_space<vmem>>) dst(%dma_wait3A_134 : memref<1x2000x16xf32, #tpu.memory_space<hbm>>)
        tpu.yield
      }) : () -> ()
    } else {
    }
    return
  }
}

</mosaic_0001>

<sc_bundles>
// kernel: kernel.3.cloned.1.call-start
scs
__scs_entry_jumppad:
0x0: {  	(pc) =	sbr.rel $0x88, $3  }
0x1: {  	(tag) =	ssettag $0x0;
	lr =	simm.s32 $0x1  }
0x2: {  	[smem:$0x3F99] =	sst lr;
	_ =	strace $0xD0000000  }
0x3: {  	_ = 	snop  }
0x4: {  	_ = 	snop  }
0x5: {  	_ = 	snop  }
0x6: {  	_ = 	snop  }
0x7: {  	_ = 	snop  }
__scs_overlays_trampoline_lowered:
0x8: {  	[smem:$0x3FA8] =	sst s0  }
0x9: {  	[smem:$0x3FA9] =	sst s1  }
0xa: {  	[smem:$0x3FAA] =	sst s2  }
0xb: {  	[smem:$0x3FAB] =	sst s3  }
0xc: {  	[smem:$0x3FAC] =	sst s4  }
0xd: {  	[smem:$0x3FAD] =	sst s5  }
0xe: {  	[smem:$0x3FAE] =	sst s6  }
0xf: {  	[smem:$0x3FAF] =	sst s7  }
0x10: {  	[smem:$0x3FB0] =	sst s8  }
0x11: {  	[smem:$0x3FB1] =	sst s9;
	s0 =	simm.s32 @!p0 $0x0  }
0x12: {  	s1 =	sld [smem:$0x3F97];
	s0 =	simm.s32 @p0 $0x1  }
0x13: {  	[smem:$0x3FB2] =	sst s0;
	s0 =	simm.s32 @!p1 $0x0  }
0x14: {  	s2 =	sld [smem:$0x3F96];
	s0 =	simm.s32 @p1 $0x1  }
0x15: {  	[smem:$0x3FB3] =	sst s0;
	s0 =	simm.s32 @!p2 $0x0  }
0x16: {  	s3 =	sld [smem:$0x3FDB];
	s0 =	simm.s32 @p2 $0x1  }
0x17: {  	s4 =	simm.s32 $0x1BF5;
	[smem:$0x3FB5] =	sst s0  }
0x18: {  	s0 =	sld [smem:$0x3F98];
	_ =	swait.ge [sflag:s4], $0x0  }
0x19: {  	s7 =	sld [smem:$0x3F99]  }
0x1a: {  	s8 =	sadd.s32 $0xFFFFE003, lr  }
0x1b: {  	s9 =	sadd.s32 $0xFFFFFEF7, lr;
	s5 =	simm.s32 $0xFFFFFFFF;
	p2 =	slt.u32 s8, $0xFFFFF086  }
0x1c: {  	p1 =	slt.u32 s9, $0xF7A;
	s5 =	simm.s32 @!p2 $0x0  }
0x1d: {  	s5 =	simm.s32 @p1 $0x1;
	p0 =	seq.s32 s7, s2  }
0x1e: {  	s7 =	smul.u32 @!p0 $0xF7A, s2;
	p2 =	seq.s32 @!p0 s5, $0x0  }
0x1f: {  	s9 =	smul.u32 $0xF7A, s1;
	s8 =	simm.s32 @!p0 $0x1BF5;
	p2 =	por !p2, p0  }
0x20: {  	[sflag:s8] =	ssyncset.s32 @!p0 $0xFFFFF086;
	s6 =	sadd.s32 @!p0 s3, s7;
	s7 =	simm.s32 @!p0 $0x108  }
0x21: {  	s3 =	sadd.s32 s3, s9;
	s6 =	sadd.s32 @!p0 $0x88, s6;
	s7 =	simm.s32 @p2 $0x1082  }
0x22: {  	[simem:s7], [sflag:s8] =	dma.local @!p0 [hbm:s6], $0xF7A  }
0x23: {  	s9 =	sor.u32 $0xD0000000, s2;
	s6 =	simm.s32 $0x108;
	_ =	swait.ge @!p0 [sflag:s8], $0x0  }
0x24: {  	s3 =	sadd.s32 $0x88, s3;
	s6 =	simm.s32 @!p1 $0x1082;
	[sflag:s4] =	ssyncset.s32 $0xFFFFF086  }
0x25: {  	[simem:s6], [sflag:s4] =	dma.local [hbm:s3], $0xF7A  }
0x26: {  	[smem:$0x3F99] =	sst s1;
	(tag) =	ssettag s2;
	_ =	strace s9  }
0x27: {  	s1 =	sld [smem:$0x3FA9]  }
0x28: {  	s2 =	sld [smem:$0x3FAA]  }
0x29: {  	s4 =	sld [smem:$0x3FAC]  }
0x2a: {  	p0 =	seq.s32 s5, $0x0;
	s5 =	sld [smem:$0x3FAD]  }
0x2b: {  	s6 =	sld [smem:$0x3FAE]  }
0x2c: {  	s7 =	sld [smem:$0x3FAF]  }
0x2d: {  	s3 =	simm.s32 $0x108;
	s8 =	sld [smem:$0x3FB0]  }
0x2e: {  	s3 =	simm.s32 @!p0 $0x1082;
	s9 =	sld [smem:$0x3FB1]  }
0x2f: {  	lr =	sadd.s32 s0, s3;
	s0 =	sld [smem:$0x3FA8]  }
0x30: {  	s3 =	sld [smem:$0x3FAB]  }
0x31: {  	[smem:$0x3FB4] =	sst s10  }
0x32: {  	s10 =	sld [smem:$0x3FB2];
	_ =	sdelay $0x3  }
0x33: {  	p0 =	seq.s32 s10, $0x1;
	s10 =	sld [smem:$0x3FB4];
	_ =	sdelay $0x3  }
0x34: {  	[smem:$0x3FB4] =	sst s10  }
0x35: {  	s10 =	sld [smem:$0x3FB3];
	_ =	sdelay $0x3  }
0x36: {  	p1 =	seq.s32 s10, $0x1;
	s10 =	sld [smem:$0x3FB4];
	_ =	sdelay $0x3  }
0x37: {  	[smem:$0x3FB4] =	sst s10  }
0x38: {  	s10 =	sld [smem:$0x3FB5]  }
0x39: {  	_ = 	snop;
	(pc) =	sbr.ind lr, $3  }
0x3a: {  	_ = 	snop  }
0x3b: {  	_ = 	snop  }
0x3c: {  	p2 =	seq.s32 s10, $0x1;
	s10 =	sld [smem:$0x3FB4]  }
0x3d: {  	_ =	shalt  }
0x3e: {  	_ =	shalt  }
0x3f: {  	_ =	shalt  }
0x40: {  	_ =	shalt  }
0x41: {  	_ =	shalt  }
0x42: {  	_ =	shalt  }
0x43: {  	_ =	shalt  }
0x44: {  	_ =	shalt  }
0x45: {  	_ =	shalt  }
0x46: {  	_ =	shalt  }
0x47: {  	_ =	shalt  }
0x48: {  	_ =	shalt  }
0x49: {  	_ =	shalt  }
0x4a: {  	_ =	shalt  }
0x4b: {  	_ =	shalt  }
0x4c: {  	_ =	shalt  }
0x4d: {  	_ =	shalt  }
0x4e: {  	_ =	shalt  }
0x4f: {  	_ =	shalt  }
0x50: {  	_ =	shalt  }
0x51: {  	_ =	shalt  }
0x52: {  	_ =	shalt  }
0x53: {  	_ =	shalt  }
0x54: {  	_ =	shalt  }
0x55: {  	_ =	shalt  }
0x56: {  	_ =	shalt  }
0x57: {  	_ =	shalt  }
0x58: {  	_ =	shalt  }
0x59: {  	_ =	shalt  }
0x5a: {  	_ =	shalt  }
0x5b: {  	_ =	shalt  }
0x5c: {  	_ =	shalt  }
0x5d: {  	_ =	shalt  }
0x5e: {  	_ =	shalt  }
0x5f: {  	_ =	shalt  }
0x60: {  	_ =	shalt  }
0x61: {  	_ =	shalt  }
0x62: {  	_ =	shalt  }
0x63: {  	_ =	shalt  }
0x64: {  	_ =	shalt  }
0x65: {  	_ =	shalt  }
0x66: {  	_ =	shalt  }
0x67: {  	_ =	shalt  }
0x68: {  	_ =	shalt  }
0x69: {  	_ =	shalt  }
0x6a: {  	_ =	shalt  }
0x6b: {  	_ =	shalt  }
0x6c: {  	_ =	shalt  }
0x6d: {  	_ =	shalt  }
0x6e: {  	_ =	shalt  }
0x6f: {  	_ =	shalt  }
0x70: {  	_ =	shalt  }
0x71: {  	_ =	shalt  }
0x72: {  	_ =	shalt  }
0x73: {  	_ =	shalt  }
0x74: {  	_ =	shalt  }
0x75: {  	_ =	shalt  }
0x76: {  	_ =	shalt  }
0x77: {  	_ =	shalt  }
0x78: {  	_ =	shalt  }
0x79: {  	_ =	shalt  }
0x7a: {  	_ =	shalt  }
0x7b: {  	_ =	shalt  }
0x7c: {  	_ =	shalt  }
0x7d: {  	_ =	shalt  }
0x7e: {  	_ =	shalt  }
0x7f: {  	_ =	shalt  }
0x80: {  	_ =	shalt  }
0x81: {  	_ =	shalt  }
0x82: {  	_ =	shalt  }
0x83: {  	_ =	shalt  }
0x84: {  	_ =	shalt  }
0x85: {  	_ =	shalt  }
0x86: {  	_ =	shalt  }
0x87: {  	_ =	shalt  }
.Lfunc_end0:
.L_simem_size_0:
called_computation_lowered:
.L_overlay_start_0:
0x88: {  	s2 =	sld [smem:$0x3FD9]  }
0x89: {  	s3 =	sld [smem:$0x3FFE];
	_ =	sdelay $0x1  }
0x8a: {  	s1 =	srdreg.scid  }
0x8b: {  	s0 =	sand.u32 $0x1, s1  }
0x8c: {  	s17 =	sshll.u32 s0, $0xA;
	s2 =	sadd.s32 s3, s2  }
0x8d: {  	s2 =	sadd.s32 s2, s17  }
0x8e: {  	[smem:$0x3FC0] =	sst s2  }
0x8f: {  	_ = 	snop  }
0x90: {  	s2 =	sld [smem:$0x3FD0];
	(tm) =	ssettm $0x1  }
0x91: {  	s18 =	sld [smem:$0x3FFB];
	_ =	sdelay $0x3  }
0x92: {  	_ =	strace s18  }
0x93: {  	s3 =	sld [smem:$0x3FFC];
	_ =	sdelay $0x3  }
0x94: {  	_ =	strace s3  }
0x95: {  	s3 =	sld [smem:$0x3FFD];
	_ =	sdelay $0x3  }
0x96: {  	_ =	strace s3  }
0x97: {  	_ =	strace $0x8FFFFFFF  }
0x98: {  	s19 =	sld [smem:$0x3FDB];
	_ =	sdelay $0x1  }
0x99: {  	s4 =	simm.s32 $_scs_section_size  }
0x9a: {  	s5 =	simm.s32 $_size__tile_overlayer_lowered;
	s6 =	simm.s32 $_tile_overlayer_lowered  }
0x9b: {  	s22 =	simm.s32 $0x1BFF;
	s21 =	sshll.u32 s6, $0x1;
	s3 =	sadd.s32 s4, s19  }
0x9c: {  	s7 =	simm.s32 $0x0;
	s20 =	sshll.u32 s5, $0x1;
	s5 =	sadd.s32 s21, s3  }
0x9d: {  	[timem:s7], [sflag:s22] =	dma.local [hbm:s5], s20  }
0x9e: {  	_ =	swait.ge [sflag:s22], s20  }
0x9f: {  	s4 =	ssub.s32 $0x0, s20;
	[sflag:s22] =	ssyncset.done $0x0  }
0xa0: {  	[sflag:s22] =	ssyncadd.s32 s4;
	_ =	sdelay $0x1  }
0xa1: {  	s23 =	simm.s32 $0x1B8B  }
0xa2: {  	_ =	swait.ge [sflag:s23], $0x1  }
0xa3: {  	[sflag:s23] =	ssyncset.done $0x0  }
0xa4: {  	s25 =	simm.s32 $0x1B8E;
	s24 =	sld [smem:$0x3FFE];
	[sflag:s23] =	ssyncadd.s32 $0xFFFFFFFF  }
0xa5: {  	s26 =	simm.s32 $execute0_lowered;
	[smem:$0x3FD2] =	sst s25  }
0xa6: {  	s5 =	sshll.u32 s26, $0x1;
	_ =	strace $0x80000046;
	[dreg:$0x1] =	wrdreg $0xFFFFFFFF  }
0xa7: {  	s28 =	simm.s32 $_size_execute0_lowered;
	s3 =	sadd.s32 s3, s5;
	[dreg:$0x0] =	wrdreg $0x0  }
0xa8: {  	s5 =	sshll.u32 s28, $0x1;
	[dreg:$0x2] =	wrdreg s3  }
0xa9: {  	[dreg:$0x3] =	wrdreg s5  }
0xaa: {  	[dreg:$0x4] =	wrdreg $0xC0  }
0xab: {  	_ =	task [dreg:s7], $0x5FFFF  }
0xac: {  	[dreg:$0x1] =	wrdreg $0xFFFFFFFF  }
0xad: {  	[dreg:$0x0] =	wrdreg $0x60  }
0xae: {  	[dreg:$0x2] =	wrdreg s24  }
0xaf: {  	[dreg:$0x3] =	wrdreg s2  }
0xb0: {  	[dreg:$0x4] =	wrdreg $0x9  }
0xb1: {  	_ =	task.clear_ibuf [dreg:s7], $0x5FFFF;
	_ =	strace $0x90000046  }
0xb2: {  	s29 =	simm.s32 $0x9;
	_ =	strace $0x80000048  }
0xb3: {  	_ =	swait.ge [sflag:s29], $0x1  }
0xb4: {  	[sflag:s29] =	ssyncadd.s32 $0xFFFFFFFF  }
0xb5: {  	_ =	strace $0x90000048  }
0xb6: {  	_ =	sfence  }
0xb7: {  	s30 =	sld [smem:$0x0];
	_ =	sdelay $0x2  }
0xb8: {  	s31 =	sshll.u32 s1, $0xD;
	s1 =	sshrl.u32 s1, $0x2  }
0xb9: {  	s3 =	sand.u32 $0x4000, s31;
	s1 =	sadd.s32 s1, s30  }
0xba: {  	s0 =	sor.u32 s3, s0;
	s1 =	sshll.u32 s1, $0x11  }
0xbb: {  	s0 =	sor.u32 s1, s0  }
0xbc: {  	s0 =	sadd.s32 $0x8F2B, s0  }
0xbd: {  	[sflag:s0] =	ssyncadd.remote.s32 $0x1  }
0xbe: {  	_ =	sfence.sel $0xFFFF  }
0xbf: {  	[dreg:$0x0] =	wrdreg $0xFFFFFFFF;
	(pc) =	sbr.abs _section_cstart, $3  }
0xc0: {  	[dreg:$0x1] =	wrdreg $0xFFFFFFFF  }
0xc1: {  	_ =	task.clear_ibuf [dreg:s7], $0x2FFFF;
	_ =	strace $0x9FFFFFFF  }
0xc2: {  	(tm) =	ssettm $0x7FFFFFFF  }
0xc3: {  	_ =	shalt  }
tec
execute0_lowered:
.L_overlay_start_1:
0x0: {  	(tag) =	ssettag $0x1  }
0x1: {  	s7 =	rddreg [dreg:$0x0]  }
0x2: {  	s11 =	rddreg [dreg:$0x1]  }
0x3: {  	s0 =	rddreg [dreg:$0x2];
	s3 =	srdreg.scid  }
0x4: {  	s1 =	stileid.u32;
	s2 =	simm.s32 $0x0;
	s15 =	simm.s32 $0x80  }
0x5: {  	s16 =	simm.s32 $0x2;
	s17 =	simm.s32 $0x88;
	s18 =	simm.s32 $0x98  }
0x6: {  	s19 =	simm.s32 $0x20;
	s20 =	simm.s32 $0x40;
	s21 =	simm.s32 $0x60  }
0x7: {  	s22 =	simm.s32 $0x8;
	s23 =	simm.s32 $0xA8;
	s24 =	simm.s32 $0x1  }
0x8: {  	s25 =	simm.s32 $0x3F28;
	s6 =	sand.u32 $0x1, s3;
	s30 =	sshll.u32 s1, $0x1  }
0x9: {  	s26 =	simm.s32 $0x0;
	[smem:$0x7FF] =	sst s2;
	s3 =	sor.u32 s6, s30  }
0xa: {  	p0 =	slt.u32 s1, $0x4;
	_ =	strace $0x80000047;
	s4 =	smul.u32 $0x6, s3  }
0xb: {  	s31 =	ssub.s32 $0x2, s6;
	s6 =	sadd.s32 $0x1800, s7;
	s9 =	smul.u32 $0x7, s3  }
0xc: {  	s8 =	sadd.s32 s3, s7;
	s5 =	sshll.u32 s3, $0x1;
	s12 =	sadd.s32 $0x8, s4  }
0xd: {  	s3 =	sadd.s32 $0x1600, s7;
	s14 =	sshrl.u32 s31, $0x1;
	s12 =	smov.u32 @p0 s9  }
0xe: {  	v0 =	vimm.s32 $0x0;
	s10 =	sadd.s32 s5, s7;
	s5 =	sadd.s32 $0x1A00, s7;
	s13 =	smul.u32 $0x7D00, s12  }
.Ltmp0:
0xf: {  	v1 =	vimm.s32 $0x1;
	v2 =	vimm.s32 $0x2;
	v3 =	vimm.s32 $0x3;
	s14 =	ssub.s32 s31, s14;
	s8 =	sadd.s32 $0x7C200, s8;
	(pc) =	sbr.rel .LBB2_1-.Ltmp0, $4  }
0x10: {  	v4 =	vimm.s32 $0x4;
	v5 =	vimm.s32 $0x5;
	v6 =	vimm.s32 $0x6;
	s4 =	sadd.s32 $0x1400, s7;
	s7 =	sadd.s32 $0x2000, s7;
	s14 =	smax.u32 s14, $0x1  }
0x11: {  	v7 =	vimm.s32 $0x7;
	v8 =	vimm.s32 $0x8;
	v9 =	vimm.s32 $0x9;
	s9 =	sadd.s32 $0x1E00, s10;
	s12 =	smul.u32 $0xFA0, s12;
	s13 =	sshrl.u32 s13, $0x3  }
0x12: {  	v10 =	vimm.s32 $0xA;
	v11 =	vimm.s32 $0xB;
	v12 =	vimm.s32 $0xC;
	s10 =	sadd.s32 $0x1C00, s10;
	p0 =	sgt.u32 s1, $0x3;
	s13 =	sadd.s32 s11, s13  }
0x13: {  	v13 =	vimm.s32 $0xD;
	v14 =	vimm.s32 $0xE;
	v15 =	vimm.s32 $0xF;
	s11 =	sadd.s32 s11, s12;
	s12 =	sadd.s32 $0x2EE0, s13;
	s13 =	sadd.s32 $0x5DC0, s13  }
.LBB2_16:
0x14: {  	v18 =	vld [tilespmem:s30+$0x2F88];
	_ =	sdelay $0x4  }
0x15: {  	v19 =	vperm.xlane v18, v0  }
0x16: {  	v20 =	vperm.xlane v18, v1  }
0x17: {  	v21 =	vperm.xlane v18, v2;
	v19 =	vmul.f32 v19, v17  }
0x18: {  	v22 =	vperm.xlane v18, v3;
	v20 =	vmul.f32 v20, v17  }
0x19: {  	v36 =	vperm.xlane v18, v6;
	v21 =	vmul.f32 v21, v17;
	v19 =	vadd.f32 v19, v16  }
0x1a: {  	s28 =	sadd.s32 $0x100, s28;
	v38 =	vperm.xlane v18, v7;
	v22 =	vmul.f32 v22, v17;
	v20 =	vadd.f32 v20, v16  }
0x1b: {  	v40 =	vperm.xlane v18, v8;
	v39 =	vmul.f32 v36, v17;
	v21 =	vadd.f32 v21, v16;
	[tilespmem:s28+$0xFFFFFF80] =	vst v19  }
0x1c: {  	v42 =	vperm.xlane v18, v9;
	v41 =	vmul.f32 v38, v17;
	v22 =	vadd.f32 v22, v16;
	[tilespmem:s28+$0xFFFFFF90] =	vst v20  }
0x1d: {  	v45 =	vperm.xlane v18, v10;
	v44 =	vmul.f32 v40, v17;
	v43 =	vadd.f32 v39, v16;
	[tilespmem:s28+$0xFFFFFFA0] =	vst v21  }
0x1e: {  	v48 =	vperm.xlane v18, v11;
	v47 =	vmul.f32 v42, v17;
	v46 =	vadd.f32 v41, v16;
	[tilespmem:s28+$0xFFFFFFB0] =	vst v22  }
0x1f: {  	v51 =	vperm.xlane v18, v12;
	v50 =	vmul.f32 v45, v17;
	v49 =	vadd.f32 v44, v16;
	[tilespmem:s28+$0xFFFFFFE0] =	vst v43  }
0x20: {  	v54 =	vperm.xlane v18, v13;
	v53 =	vmul.f32 v48, v17;
	v52 =	vadd.f32 v47, v16;
	[tilespmem:s28+$0xFFFFFFF0] =	vst v46  }
0x21: {  	v57 =	vperm.xlane v18, v14;
	v56 =	vmul.f32 v51, v17;
	v55 =	vadd.f32 v50, v16;
	[tilespmem:s28+$0x0] =	vst v49  }
0x22: {  	v23 =	vperm.xlane v18, v4;
	v59 =	vmul.f32 v54, v17;
	v58 =	vadd.f32 v53, v16;
	[tilespmem:s28+$0x10] =	vst v52  }
0x23: {  	v24 =	vperm.xlane v18, v5;
	v61 =	vmul.f32 v57, v17;
	v60 =	vadd.f32 v56, v16;
	[tilespmem:s28+$0x20] =	vst v55  }
0x24: {  	v18 =	vperm.xlane v18, v15;
	v35 =	vmul.f32 v23, v17;
	v62 =	vadd.f32 v59, v16;
	[tilespmem:s28+$0x30] =	vst v58  }
0x25: {  	v37 =	vmul.f32 v24, v17;
	v63 =	vadd.f32 v61, v16;
	[tilespmem:s28+$0x40] =	vst v60  }
0x26: {  	v17 =	vmul.f32 v18, v17;
	v19 =	vadd.f32 v35, v16;
	[tilespmem:s28+$0x50] =	vst v62  }
0x27: {  	v20 =	vadd.f32 v37, v16;
	[tilespmem:s28+$0x60] =	vst v63  }
0x28: {  	v16 =	vadd.f32 v17, v16;
	[tilespmem:s28+$0xFFFFFFC0] =	vst v19  }
0x29: {  	[tilespmem:s28+$0xFFFFFFD0] =	vst v20  }
0x2a: {  	[tilespmem:s28+$0x70] =	vst v16  }
0x2b: {  	[hbm4b:s13+s2] =	stream.linear.scatter [tilespmem:s25], [sflag:$0x2], $0x7D00, $0x38;
	[tilespmem:$0x1B628] =	vst v63  }
0x2c: {  	_ =	swait.ge [sflag:s16], $0x7D00  }
0x2d: {  	[sflag:s16] =	ssyncset.done $0x0  }
0x2e: {  	[sflag:s16] =	ssyncadd.s32 $0xFFFF8300  }
.LBB2_17:
0x2f: {  	s26 =	sadd.s32 $0x1, s26  }
0x30: {  	p1 =	sne.s32 s26, s14  }
.Ltmp1:
0x31: {  	_ = 	snop;
	(pc) =	sbr.rel @!p1 .LBB2_18-.Ltmp1, $1  }
0x32: {  	_ =	sdelay $0x3  }
.LBB2_1:
0x33: {  	[tilespmem:s15], [sflag:$0x2] =	stream.linear.gather [hbm4b:s8+s2], $0x8, $0x38;
	[tilespmem:$0x1B628] =	vst v63  }
0x34: {  	_ =	swait.ge [sflag:s16], $0x8  }
0x35: {  	[sflag:s16] =	ssyncset.done $0x0  }
0x36: {  	[sflag:s16] =	ssyncadd.s32 $0xFFFFFFF8  }
0x37: {  	[tilespmem:s17], [sflag:$0x2] =	stream.linear.gather [hbm4b:s9+s2], $0x10, $0x38;
	[tilespmem:$0x1B628] =	vst v63  }
0x38: {  	_ =	swait.ge [sflag:s16], $0x10  }
0x39: {  	[sflag:s16] =	ssyncset.done $0x0  }
0x3a: {  	[sflag:s16] =	ssyncadd.s32 $0xFFFFFFF0  }
0x3b: {  	[tilespmem:s18], [sflag:$0x2] =	stream.linear.gather [hbm4b:s10+s2], $0x10, $0x38;
	[tilespmem:$0x1B628] =	vst v63  }
0x3c: {  	_ =	swait.ge [sflag:s16], $0x10  }
0x3d: {  	[sflag:s16] =	ssyncset.done $0x0  }
0x3e: {  	[sflag:s16] =	ssyncadd.s32 $0xFFFFFFF0  }
0x3f: {  	[tilespmem:s2], [sflag:$0x2] =	stream.linear.gather [hbm4b:s3+s2], $0x20, $0x38;
	[tilespmem:$0x1B628] =	vst v63  }
0x40: {  	_ =	swait.ge [sflag:s16], $0x20  }
0x41: {  	[sflag:s16] =	ssyncset.done $0x0  }
0x42: {  	[sflag:s16] =	ssyncadd.s32 $0xFFFFFFE0  }
0x43: {  	[tilespmem:s19], [sflag:$0x2] =	stream.linear.gather [hbm4b:s4+s2], $0x20, $0x38;
	[tilespmem:$0x1B628] =	vst v63  }
0x44: {  	_ =	swait.ge [sflag:s16], $0x20  }
0x45: {  	[sflag:s16] =	ssyncset.done $0x0  }
0x46: {  	[sflag:s16] =	ssyncadd.s32 $0xFFFFFFE0  }
0x47: {  	[tilespmem:s20], [sflag:$0x2] =	stream.linear.gather [hbm4b:s5+s2], $0x20, $0x38;
	[tilespmem:$0x1B628] =	vst v63  }
0x48: {  	_ =	swait.ge [sflag:s16], $0x20  }
0x49: {  	[sflag:s16] =	ssyncset.done $0x0  }
0x4a: {  	[sflag:s16] =	ssyncadd.s32 $0xFFFFFFE0  }
0x4b: {  	[tilespmem:s21], [sflag:$0x2] =	stream.linear.gather [hbm4b:s6+s2], $0x20, $0x38;
	[tilespmem:$0x1B628] =	vst v63  }
0x4c: {  	_ =	swait.ge [sflag:s16], $0x20  }
0x4d: {  	[sflag:s16] =	ssyncset.done $0x0  }
0x4e: {  	[sflag:s16] =	ssyncadd.s32 $0xFFFFFFE0  }
0x4f: {  	[tilespmem:s23], [sflag:$0x1] =	stream.indirect.gather [hbm4b:s7+s22], $0x7D0, s15, s22, $0xb8;
	[tilespmem:$0x1B628] =	vst v63  }
0x50: {  	_ =	swait.ge [sflag:s24], $0x3E80  }
0x51: {  	[sflag:s24] =	ssyncset.done $0x0  }
0x52: {  	[sflag:s24] =	ssyncadd.s32 $0xFFFFC180  }
0x53: {  	v16 =	vld [tilespmem:$0x0]  }
0x54: {  	v22 =	vld [tilespmem:$0x10]  }
0x55: {  	v17 =	vld [tilespmem:$0x20]  }
0x56: {  	v18 =	vld [tilespmem:$0x40]  }
0x57: {  	v23 =	vld [tilespmem:$0x50]  }
0x58: {  	v19 =	vld [tilespmem:$0x60]  }
0x59: {  	v25 =	vld [tilespmem:$0x70]  }
0x5a: {  	v21 =	vld [tilespmem:$0x88]  }
0x5b: {  	v26 =	vld [tilespmem:$0x30];
	_ =	sdelay $0x2  }
0x5c: {  	v20 =	vld [tilespmem:$0x98]  }
0x5d: {  	v27 =	vperm.xlane v21, v0;
	v24 =	vsub.f32 v23, v18;
	v25 =	vsub.f32 v25, v19  }
0x5e: {  	v22 =	vsub.f32 v22, v16;
	v23 =	vsub.f32 v26, v17  }
0x5f: {  	s28 =	simm.s32 $0x0;
	v26 =	vmul.f32 v27, v24;
	v28 =	vmul.f32 v27, v25  }
0x60: {  	v32 =	vld [tilespmem:s28+$0xA8];
	v29 =	vmul.f32 v27, v22;
	v30 =	vmul.f32 v27, v23  }
0x61: {  	v31 =	vperm.xlane v20, v0;
	v26 =	vadd.f32 v26, v18;
	v28 =	vadd.f32 v28, v19  }
0x62: {  	v29 =	vadd.f32 v29, v16;
	v30 =	vadd.f32 v30, v17  }
0x63: {  	v31 =	vmul.f32 $2.000000090e-03, v31  }
0x64: {  	v27 =	vmul.f32 $9.999999770e-03, v27;
	v28 =	vsub.f32 v28, v26;
	v30 =	vsub.f32 v30, v29  }
0x65: {  	v26 =	vadd.f32 v26, v29;
	v29 =	vperm.xlane v32, v0  }
0x66: {  	v28 =	vmul.f32 v28, v31;
	v27 =	vmul.f32 v30, v27  }
0x67: {  	v43 =	vperm.xlane v32, v1  }
0x68: {  	v26 =	vadd.f32 v28, v26;
	v28 =	vperm.xlane v32, v2;
	v29 =	vmul.f32 v29, v27  }
0x69: {  	v44 =	vperm.xlane v32, v3;
	v30 =	vmul.f32 v43, v27  }
0x6a: {  	v33 =	vperm.xlane v32, v4;
	v28 =	vmul.f32 v28, v27;
	v29 =	vadd.f32 v29, v26  }
0x6b: {  	s28 =	simm.s32 $0x3FA8;
	v47 =	vperm.xlane v32, v7;
	v31 =	vmul.f32 v44, v27;
	v30 =	vadd.f32 v30, v26  }
0x6c: {  	v45 =	vperm.xlane v32, v6;
	v28 =	vadd.f32 v28, v26;
	[tilespmem:s28+$0xFFFFFF80] =	vst v29;
	v29 =	vmul.f32 v33, v27  }
0x6d: {  	v50 =	vperm.xlane v32, v9;
	v49 =	vmul.f32 v47, v27;
	v31 =	vadd.f32 v31, v26;
	[tilespmem:s28+$0xFFFFFF90] =	vst v30  }
0x6e: {  	v48 =	vperm.xlane v32, v8;
	[tilespmem:s28+$0xFFFFFFA0] =	vst v28;
	v28 =	vadd.f32 v29, v26;
	v29 =	vmul.f32 v45, v27  }
0x6f: {  	v54 =	vperm.xlane v32, v11;
	v53 =	vmul.f32 v50, v27;
	v52 =	vadd.f32 v49, v26;
	[tilespmem:s28+$0xFFFFFFB0] =	vst v31  }
0x70: {  	v51 =	vperm.xlane v32, v10;
	[tilespmem:s28+$0xFFFFFFC0] =	vst v28;
	v28 =	vadd.f32 v29, v26;
	v29 =	vmul.f32 v48, v27  }
0x71: {  	v58 =	vperm.xlane v32, v13;
	v57 =	vmul.f32 v54, v27;
	v56 =	vadd.f32 v53, v26;
	[tilespmem:s28+$0xFFFFFFF0] =	vst v52  }
0x72: {  	v55 =	vperm.xlane v32, v12;
	[tilespmem:s28+$0xFFFFFFE0] =	vst v28;
	v28 =	vadd.f32 v29, v26;
	v29 =	vmul.f32 v51, v27  }
0x73: {  	v34 =	vperm.xlane v32, v5;
	v61 =	vmul.f32 v58, v27;
	v60 =	vadd.f32 v57, v26;
	[tilespmem:s28+$0x10] =	vst v56  }
0x74: {  	v59 =	vperm.xlane v32, v14;
	[tilespmem:s28+$0x0] =	vst v28;
	v28 =	vadd.f32 v29, v26;
	v29 =	vmul.f32 v55, v27  }
0x75: {  	v46 =	vmul.f32 v34, v27;
	v32 =	vperm.xlane v32, v15;
	v62 =	vadd.f32 v61, v26;
	[tilespmem:s28+$0x30] =	vst v60  }
0x76: {  	[tilespmem:s28+$0x20] =	vst v28;
	v28 =	vadd.f32 v29, v26;
	v29 =	vmul.f32 v59, v27  }
0x77: {  	v63 =	vmul.f32 v32, v27;
	v30 =	vadd.f32 v46, v26;
	[tilespmem:s28+$0x50] =	vst v62  }
0x78: {  	[tilespmem:s28+$0x40] =	vst v28;
	v28 =	vadd.f32 v29, v26  }
0x79: {  	[tilespmem:s28+$0xFFFFFFD0] =	vst v30;
	v29 =	vadd.f32 v63, v26  }
0x7a: {  	[tilespmem:s28+$0x60] =	vst v28  }
0x7b: {  	s30 =	simm.s32 $0x10;
	s29 =	simm.s32 $0x80;
	[tilespmem:s28+$0x70] =	vst v29  }
.LBB2_2:
0x7c: {  	p1 =	sne.s32 s29, $0x1F00;
	v28 =	vld [tilespmem:s30+$0xA8];
	_ =	sdelay $0x4  }
0x7d: {  	v29 =	vperm.xlane v28, v0;
	v30 =	vperm.xlane v28, v1  }
0x7e: {  	v31 =	vperm.xlane v28, v2;
	v32 =	vperm.xlane v28, v3  }
0x7f: {  	v29 =	vmul.f32 v29, v27;
	v30 =	vmul.f32 v30, v27  }
0x80: {  	v31 =	vmul.f32 v31, v27;
	v32 =	vmul.f32 v32, v27  }
0x81: {  	v33 =	vperm.xlane v28, v4;
	v29 =	vadd.f32 v29, v26;
	v30 =	vadd.f32 v30, v26  }
0x82: {  	s28 =	sadd.s32 $0x100, s28;
	v34 =	vperm.xlane v28, v5;
	v31 =	vadd.f32 v31, v26;
	v32 =	vadd.f32 v32, v26  }
0x83: {  	[tilespmem:s28+$0xFFFFFF80] =	vst v29;
	v29 =	vmul.f32 v33, v27;
	v33 =	vperm.xlane v28, v6  }
0x84: {  	[tilespmem:s28+$0xFFFFFF90] =	vst v30;
	v30 =	vmul.f32 v34, v27;
	v34 =	vperm.xlane v28, v7  }
0x85: {  	[tilespmem:s28+$0xFFFFFFA0] =	vst v31;
	v29 =	vadd.f32 v29, v26;
	v31 =	vmul.f32 v33, v27;
	v33 =	vperm.xlane v28, v8  }
0x86: {  	[tilespmem:s28+$0xFFFFFFB0] =	vst v32;
	v30 =	vadd.f32 v30, v26;
	v32 =	vmul.f32 v34, v27;
	v34 =	vperm.xlane v28, v9  }
0x87: {  	[tilespmem:s28+$0xFFFFFFC0] =	vst v29;
	v29 =	vadd.f32 v31, v26;
	v31 =	vmul.f32 v33, v27;
	v33 =	vperm.xlane v28, v10  }
0x88: {  	[tilespmem:s28+$0xFFFFFFD0] =	vst v30;
	v30 =	vadd.f32 v32, v26;
	v32 =	vmul.f32 v34, v27;
	v34 =	vperm.xlane v28, v11  }
0x89: {  	[tilespmem:s28+$0xFFFFFFE0] =	vst v29;
	v29 =	vadd.f32 v31, v26;
	v31 =	vmul.f32 v33, v27;
	v33 =	vperm.xlane v28, v12  }
0x8a: {  	[tilespmem:s28+$0xFFFFFFF0] =	vst v30;
	v30 =	vadd.f32 v32, v26;
	v32 =	vmul.f32 v34, v27;
	v34 =	vperm.xlane v28, v13  }
0x8b: {  	[tilespmem:s28+$0x0] =	vst v29;
	v29 =	vadd.f32 v31, v26;
	v31 =	vmul.f32 v33, v27;
	v33 =	vperm.xlane v28, v14  }
0x8c: {  	v28 =	vperm.xlane v28, v15;
	[tilespmem:s28+$0x10] =	vst v30;
	v30 =	vadd.f32 v32, v26;
	v32 =	vmul.f32 v34, v27  }
0x8d: {  	[tilespmem:s28+$0x20] =	vst v29;
	v29 =	vadd.f32 v31, v26;
	v31 =	vmul.f32 v33, v27  }
.Ltmp2:
0x8e: {  	v28 =	vmul.f32 v28, v27;
	[tilespmem:s28+$0x30] =	vst v30;
	v30 =	vadd.f32 v32, v26;
	(pc) =	sbr.rel @p1 .LBB2_2-.Ltmp2, $4  }
0x8f: {  	[tilespmem:s28+$0x40] =	vst v29;
	v29 =	vadd.f32 v31, v26  }
0x90: {  	v28 =	vadd.f32 v28, v26;
	[tilespmem:s28+$0x50] =	vst v30  }
0x91: {  	[tilespmem:s28+$0x60] =	vst v29  }
0x92: {  	s30 =	sshra.s32 s29, $0x2;
	s29 =	sadd.s32 $0x40, s29;
	[tilespmem:s28+$0x70] =	vst v28  }
0x93: {  	v28 =	vld [tilespmem:s30+$0xA8]  }
0x94: {  	v57 =	vperm.xlane v21, v1;
	_ =	sdelay $0x1  }
0x95: {  	v62 =	vperm.xlane v20, v1;
	v60 =	vmul.f32 v57, v24  }
0x96: {  	v61 =	vmul.f32 v57, v25;
	v38 =	vmul.f32 v57, v22  }
0x97: {  	v29 =	vperm.xlane v28, v0;
	v30 =	vperm.xlane v28, v1  }
0x98: {  	v31 =	vperm.xlane v28, v2;
	v32 =	vperm.xlane v28, v3  }
0x99: {  	v33 =	vperm.xlane v28, v4;
	v29 =	vmul.f32 v29, v27  }
0x9a: {  	v63 =	vadd.f32 v38, v16;
	v34 =	vperm.xlane v28, v5;
	v30 =	vmul.f32 v30, v27  }
0x9b: {  	v36 =	vperm.xlane v28, v7;
	v31 =	vmul.f32 v31, v27;
	v29 =	vadd.f32 v29, v26  }
0x9c: {  	s28 =	sadd.s32 $0x100, s28;
	v48 =	vperm.xlane v28, v11;
	v32 =	vmul.f32 v32, v27;
	v30 =	vadd.f32 v30, v26  }
0x9d: {  	v35 =	vperm.xlane v28, v6;
	v43 =	vmul.f32 v36, v27;
	v31 =	vadd.f32 v31, v26;
	[tilespmem:s28+$0xFFFFFF80] =	vst v29  }
0x9e: {  	v37 =	vperm.xlane v28, v8;
	v52 =	vmul.f32 v48, v27;
	v32 =	vadd.f32 v32, v26;
	[tilespmem:s28+$0xFFFFFF90] =	vst v30  }
0x9f: {  	v44 =	vperm.xlane v28, v9;
	v33 =	vmul.f32 v33, v27;
	v49 =	vadd.f32 v43, v26;
	[tilespmem:s28+$0xFFFFFFA0] =	vst v31  }
0xa0: {  	v46 =	vperm.xlane v28, v10;
	v34 =	vmul.f32 v34, v27;
	v58 =	vadd.f32 v52, v26;
	[tilespmem:s28+$0xFFFFFFB0] =	vst v32  }
0xa1: {  	v51 =	vperm.xlane v28, v12;
	v35 =	vmul.f32 v35, v27;
	v29 =	vadd.f32 v33, v26;
	[tilespmem:s28+$0xFFFFFFF0] =	vst v49  }
0xa2: {  	v53 =	vperm.xlane v28, v13;
	v45 =	vmul.f32 v37, v27;
	v30 =	vadd.f32 v34, v26;
	[tilespmem:s28+$0x30] =	vst v58  }
0xa3: {  	v55 =	vperm.xlane v28, v14;
	v50 =	vmul.f32 v46, v27;
	v31 =	vadd.f32 v35, v26;
	[tilespmem:s28+$0xFFFFFFC0] =	vst v29  }
0xa4: {  	v28 =	vperm.xlane v28, v15;
	v47 =	vmul.f32 v44, v27;
	v29 =	vadd.f32 v45, v26;
	[tilespmem:s28+$0xFFFFFFD0] =	vst v30  }
0xa5: {  	v54 =	vmul.f32 v51, v27;
	v56 =	vmul.f32 v53, v27;
	[tilespmem:s28+$0xFFFFFFE0] =	vst v31;
	v31 =	vadd.f32 v50, v26  }
0xa6: {  	v59 =	vmul.f32 v55, v27;
	v37 =	vadd.f32 v61, v19;
	v30 =	vadd.f32 v47, v26;
	[tilespmem:s28+$0x0] =	vst v29  }
0xa7: {  	v35 =	vadd.f32 v60, v18;
	v29 =	vadd.f32 v54, v26;
	[tilespmem:s28+$0x20] =	vst v31;
	v31 =	vmul.f32 v57, v23  }
0xa8: {  	v27 =	vmul.f32 v28, v27;
	v28 =	vadd.f32 v59, v26;
	[tilespmem:s28+$0x10] =	vst v30;
	v30 =	vadd.f32 v56, v26  }
0xa9: {  	v33 =	vmul.f32 $2.000000090e-03, v62;
	[tilespmem:s28+$0x40] =	vst v29;
	v29 =	vadd.f32 v31, v17;
	v31 =	vsub.f32 v37, v35  }
0xaa: {  	[tilespmem:s28+$0x60] =	vst v28;
	v26 =	vadd.f32 v27, v26;
	v27 =	vadd.f32 v35, v63  }
0xab: {  	[tilespmem:s28+$0x50] =	vst v30;
	v30 =	vmul.f32 $9.999999770e-03, v57;
	v28 =	vmul.f32 v31, v33;
	v29 =	vsub.f32 v29, v63  }
0xac: {  	s29 =	simm.s32 $0x878;
	[tilespmem:s28+$0x70] =	vst v26  }
0xad: {  	s30 =	simm.s32 $0x400;
	s28 =	simm.s32 $0x0;
	v26 =	vadd.f32 v28, v27;
	v27 =	vmul.f32 v29, v30;
	v28 =	vld [tilespmem:s29+$0x0]  }
.LBB2_4:
0xae: {  	p1 =	sne.s32 s30, $0x1F000;
	_ =	sdelay $0x3  }
0xaf: {  	v29 =	vperm.xlane v28, v0;
	v30 =	vperm.xlane v28, v1  }
0xb0: {  	v31 =	vperm.xlane v28, v2;
	v32 =	vperm.xlane v28, v3  }
0xb1: {  	v29 =	vmul.f32 v29, v27;
	v30 =	vmul.f32 v30, v27  }
0xb2: {  	v31 =	vmul.f32 v31, v27;
	v32 =	vmul.f32 v32, v27  }
0xb3: {  	v33 =	vperm.xlane v28, v4;
	v29 =	vadd.f32 v29, v26;
	v30 =	vadd.f32 v30, v26  }
0xb4: {  	s31 =	sshra.s32 s28, $0x2;
	s28 =	smov.u32 s30;
	v34 =	vperm.xlane v28, v5;
	v31 =	vadd.f32 v31, v26;
	v32 =	vadd.f32 v32, v26  }
0xb5: {  	[tilespmem:s31+$0xBC28] =	vst v29;
	v29 =	vmul.f32 v33, v27;
	v33 =	vperm.xlane v28, v6  }
0xb6: {  	[tilespmem:s31+$0xBC38] =	vst v30;
	v30 =	vmul.f32 v34, v27;
	v34 =	vperm.xlane v28, v7  }
0xb7: {  	[tilespmem:s31+$0xBC48] =	vst v31;
	v29 =	vadd.f32 v29, v26;
	v31 =	vmul.f32 v33, v27;
	v33 =	vperm.xlane v28, v8  }
0xb8: {  	[tilespmem:s31+$0xBC58] =	vst v32;
	v30 =	vadd.f32 v30, v26;
	v32 =	vmul.f32 v34, v27;
	v34 =	vperm.xlane v28, v9  }
0xb9: {  	[tilespmem:s31+$0xBC68] =	vst v29;
	v29 =	vadd.f32 v31, v26;
	v31 =	vmul.f32 v33, v27;
	v33 =	vperm.xlane v28, v10  }
0xba: {  	[tilespmem:s31+$0xBC78] =	vst v30;
	v30 =	vadd.f32 v32, v26;
	v32 =	vmul.f32 v34, v27;
	v34 =	vperm.xlane v28, v11  }
0xbb: {  	[tilespmem:s31+$0xBC88] =	vst v29;
	v29 =	vadd.f32 v31, v26;
	v31 =	vmul.f32 v33, v27;
	v33 =	vperm.xlane v28, v12  }
0xbc: {  	[tilespmem:s31+$0xBC98] =	vst v30;
	v30 =	vadd.f32 v32, v26;
	v32 =	vmul.f32 v34, v27;
	v34 =	vperm.xlane v28, v13  }
0xbd: {  	[tilespmem:s31+$0xBCA8] =	vst v29;
	v29 =	vadd.f32 v31, v26;
	v31 =	vmul.f32 v33, v27;
	v33 =	vperm.xlane v28, v14  }
0xbe: {  	v28 =	vperm.xlane v28, v15;
	[tilespmem:s31+$0xBCB8] =	vst v30;
	v30 =	vadd.f32 v32, v26;
	v32 =	vmul.f32 v34, v27  }
0xbf: {  	[tilespmem:s31+$0xBCC8] =	vst v29;
	v29 =	vadd.f32 v31, v26;
	v31 =	vmul.f32 v33, v27  }
0xc0: {  	v28 =	vmul.f32 v28, v27;
	[tilespmem:s31+$0xBCD8] =	vst v30;
	v30 =	vadd.f32 v32, v26  }
.Ltmp3:
0xc1: {  	[tilespmem:s31+$0xBCE8] =	vst v29;
	v29 =	vadd.f32 v31, v26;
	(pc) =	sbr.rel @p1 .LBB2_4-.Ltmp3, $4  }
0xc2: {  	v28 =	vadd.f32 v28, v26;
	[tilespmem:s31+$0xBCF8] =	vst v30  }
0xc3: {  	[tilespmem:s31+$0xBD08] =	vst v29  }
0xc4: {  	s29 =	sadd.s32 $0x10, s29;
	[tilespmem:s31+$0xBD18] =	vst v28  }
0xc5: {  	s30 =	sadd.s32 $0x400, s30;
	v28 =	vld [tilespmem:s29+$0x0]  }
0xc6: {  	_ = 	snop  }
0xc7: {  	v57 =	vperm.xlane v21, v2  }
0xc8: {  	v62 =	vperm.xlane v20, v2  }
0xc9: {  	v60 =	vmul.f32 v57, v24;
	v61 =	vmul.f32 v57, v25  }
0xca: {  	v38 =	vmul.f32 v57, v22;
	v29 =	vperm.xlane v28, v0  }
0xcb: {  	v30 =	vperm.xlane v28, v1;
	v31 =	vperm.xlane v28, v2  }
0xcc: {  	v32 =	vperm.xlane v28, v3;
	v33 =	vperm.xlane v28, v4  }
0xcd: {  	v34 =	vperm.xlane v28, v5;
	v29 =	vmul.f32 v29, v27  }
0xce: {  	v35 =	vperm.xlane v28, v6;
	v30 =	vmul.f32 v30, v27  }
0xcf: {  	v36 =	vperm.xlane v28, v7;
	v31 =	vmul.f32 v31, v27;
	v29 =	vadd.f32 v29, v26  }
0xd0: {  	s28 =	sshra.s32 s28, $0x2;
	v48 =	vperm.xlane v28, v11;
	v32 =	vmul.f32 v32, v27;
	v30 =	vadd.f32 v30, v26  }
0xd1: {  	v37 =	vperm.xlane v28, v8;
	v43 =	vmul.f32 v36, v27;
	v31 =	vadd.f32 v31, v26;
	[tilespmem:s28+$0xBC28] =	vst v29  }
0xd2: {  	v44 =	vperm.xlane v28, v9;
	v52 =	vmul.f32 v48, v27;
	v32 =	vadd.f32 v32, v26;
	[tilespmem:s28+$0xBC38] =	vst v30  }
0xd3: {  	v46 =	vperm.xlane v28, v10;
	v33 =	vmul.f32 v33, v27;
	v49 =	vadd.f32 v43, v26;
	[tilespmem:s28+$0xBC48] =	vst v31  }
0xd4: {  	v51 =	vperm.xlane v28, v12;
	v34 =	vmul.f32 v34, v27;
	v58 =	vadd.f32 v52, v26;
	[tilespmem:s28+$0xBC58] =	vst v32  }
0xd5: {  	v53 =	vperm.xlane v28, v13;
	v35 =	vmul.f32 v35, v27;
	v29 =	vadd.f32 v33, v26;
	[tilespmem:s28+$0xBC98] =	vst v49  }
0xd6: {  	v55 =	vperm.xlane v28, v14;
	v45 =	vmul.f32 v37, v27;
	v30 =	vadd.f32 v34, v26;
	[tilespmem:s28+$0xBCD8] =	vst v58  }
0xd7: {  	v28 =	vperm.xlane v28, v15;
	v50 =	vmul.f32 v46, v27;
	v31 =	vadd.f32 v35, v26;
	[tilespmem:s28+$0xBC68] =	vst v29  }
0xd8: {  	v63 =	vadd.f32 v38, v16;
	v47 =	vmul.f32 v44, v27;
	v29 =	vadd.f32 v45, v26;
	[tilespmem:s28+$0xBC78] =	vst v30  }
0xd9: {  	v54 =	vmul.f32 v51, v27;
	v56 =	vmul.f32 v53, v27;
	[tilespmem:s28+$0xBC88] =	vst v31;
	v31 =	vadd.f32 v50, v26  }
0xda: {  	v59 =	vmul.f32 v55, v27;
	v37 =	vadd.f32 v61, v19;
	v30 =	vadd.f32 v47, v26;
	[tilespmem:s28+$0xBCA8] =	vst v29  }
0xdb: {  	v35 =	vadd.f32 v60, v18;
	v29 =	vadd.f32 v54, v26;
	[tilespmem:s28+$0xBCC8] =	vst v31;
	v31 =	vmul.f32 v57, v23  }
0xdc: {  	v27 =	vmul.f32 v28, v27;
	v28 =	vadd.f32 v59, v26;
	[tilespmem:s28+$0xBCB8] =	vst v30;
	v30 =	vadd.f32 v56, v26  }
0xdd: {  	v33 =	vmul.f32 $2.000000090e-03, v62;
	[tilespmem:s28+$0xBCE8] =	vst v29;
	v29 =	vadd.f32 v31, v17;
	v31 =	vsub.f32 v37, v35  }
0xde: {  	[tilespmem:s28+$0xBD08] =	vst v28;
	v26 =	vadd.f32 v27, v26;
	v27 =	vadd.f32 v35, v63  }
0xdf: {  	[tilespmem:s28+$0xBCF8] =	vst v30;
	v30 =	vmul.f32 $9.999999770e-03, v57;
	v28 =	vmul.f32 v31, v33;
	v29 =	vsub.f32 v29, v63  }
0xe0: {  	s29 =	simm.s32 $0x1048;
	[tilespmem:s28+$0xBD18] =	vst v26  }
0xe1: {  	s30 =	simm.s32 $0x400;
	s28 =	simm.s32 $0x0;
	v26 =	vadd.f32 v28, v27;
	v27 =	vmul.f32 v29, v30;
	v28 =	vld [tilespmem:s29+$0x0]  }
.LBB2_6:
0xe2: {  	p1 =	sne.s32 s30, $0x1F000;
	_ =	sdelay $0x3  }
0xe3: {  	v29 =	vperm.xlane v28, v0;
	v30 =	vperm.xlane v28, v1  }
0xe4: {  	v31 =	vperm.xlane v28, v2;
	v32 =	vperm.xlane v28, v3  }
0xe5: {  	v29 =	vmul.f32 v29, v27;
	v30 =	vmul.f32 v30, v27  }
0xe6: {  	v31 =	vmul.f32 v31, v27;
	v32 =	vmul.f32 v32, v27  }
0xe7: {  	v33 =	vperm.xlane v28, v4;
	v29 =	vadd.f32 v29, v26;
	v30 =	vadd.f32 v30, v26  }
0xe8: {  	s31 =	sshra.s32 s28, $0x2;
	s28 =	smov.u32 s30;
	v34 =	vperm.xlane v28, v5;
	v31 =	vadd.f32 v31, v26;
	v32 =	vadd.f32 v32, v26  }
0xe9: {  	[tilespmem:s31+$0x13928] =	vst v29;
	v29 =	vmul.f32 v33, v27;
	v33 =	vperm.xlane v28, v6  }
0xea: {  	[tilespmem:s31+$0x13938] =	vst v30;
	v30 =	vmul.f32 v34, v27;
	v34 =	vperm.xlane v28, v7  }
0xeb: {  	[tilespmem:s31+$0x13948] =	vst v31;
	v29 =	vadd.f32 v29, v26;
	v31 =	vmul.f32 v33, v27;
	v33 =	vperm.xlane v28, v8  }
0xec: {  	[tilespmem:s31+$0x13958] =	vst v32;
	v30 =	vadd.f32 v30, v26;
	v32 =	vmul.f32 v34, v27;
	v34 =	vperm.xlane v28, v9  }
0xed: {  	[tilespmem:s31+$0x13968] =	vst v29;
	v29 =	vadd.f32 v31, v26;
	v31 =	vmul.f32 v33, v27;
	v33 =	vperm.xlane v28, v10  }
0xee: {  	[tilespmem:s31+$0x13978] =	vst v30;
	v30 =	vadd.f32 v32, v26;
	v32 =	vmul.f32 v34, v27;
	v34 =	vperm.xlane v28, v11  }
0xef: {  	[tilespmem:s31+$0x13988] =	vst v29;
	v29 =	vadd.f32 v31, v26;
	v31 =	vmul.f32 v33, v27;
	v33 =	vperm.xlane v28, v12  }
0xf0: {  	[tilespmem:s31+$0x13998] =	vst v30;
	v30 =	vadd.f32 v32, v26;
	v32 =	vmul.f32 v34, v27;
	v34 =	vperm.xlane v28, v13  }
0xf1: {  	[tilespmem:s31+$0x139A8] =	vst v29;
	v29 =	vadd.f32 v31, v26;
	v31 =	vmul.f32 v33, v27;
	v33 =	vperm.xlane v28, v14  }
0xf2: {  	v28 =	vperm.xlane v28, v15;
	[tilespmem:s31+$0x139B8] =	vst v30;
	v30 =	vadd.f32 v32, v26;
	v32 =	vmul.f32 v34, v27  }
0xf3: {  	[tilespmem:s31+$0x139C8] =	vst v29;
	v29 =	vadd.f32 v31, v26;
	v31 =	vmul.f32 v33, v27  }
0xf4: {  	v28 =	vmul.f32 v28, v27;
	[tilespmem:s31+$0x139D8] =	vst v30;
	v30 =	vadd.f32 v32, v26  }
.Ltmp4:
0xf5: {  	[tilespmem:s31+$0x139E8] =	vst v29;
	v29 =	vadd.f32 v31, v26;
	(pc) =	sbr.rel @p1 .LBB2_6-.Ltmp4, $4  }
0xf6: {  	v28 =	vadd.f32 v28, v26;
	[tilespmem:s31+$0x139F8] =	vst v30  }
0xf7: {  	[tilespmem:s31+$0x13A08] =	vst v29  }
0xf8: {  	s29 =	sadd.s32 $0x10, s29;
	[tilespmem:s31+$0x13A18] =	vst v28  }
0xf9: {  	s30 =	sadd.s32 $0x400, s30;
	v28 =	vld [tilespmem:s29+$0x0]  }
0xfa: {  	_ =	sdelay $0x3  }
0xfb: {  	v29 =	vperm.xlane v28, v0  }
0xfc: {  	v30 =	vperm.xlane v28, v1  }
0xfd: {  	v31 =	vperm.xlane v28, v2;
	v29 =	vmul.f32 v29, v27  }
0xfe: {  	v32 =	vperm.xlane v28, v3;
	v30 =	vmul.f32 v30, v27  }
0xff: {  	v45 =	vperm.xlane v28, v7;
	v31 =	vmul.f32 v31, v27;
	v29 =	vadd.f32 v29, v26  }
0x100: {  	s28 =	sshra.s32 s28, $0x2;
	v49 =	vperm.xlane v28, v9;
	v32 =	vmul.f32 v32, v27;
	v30 =	vadd.f32 v30, v26  }
0x101: {  	v33 =	vperm.xlane v28, v4;
	v48 =	vmul.f32 v45, v27;
	v31 =	vadd.f32 v31, v26;
	[tilespmem:s28+$0x13928] =	vst v29  }
0x102: {  	v54 =	vperm.xlane v28, v11;
	v53 =	vmul.f32 v49, v27;
	v32 =	vadd.f32 v32, v26;
	[tilespmem:s28+$0x13938] =	vst v30  }
0x103: {  	v43 =	vperm.xlane v28, v6;
	v52 =	vadd.f32 v48, v26;
	v29 =	vmul.f32 v33, v27;
	[tilespmem:s28+$0x13948] =	vst v31  }
0x104: {  	v59 =	vperm.xlane v28, v13;
	v58 =	vmul.f32 v54, v27;
	v57 =	vadd.f32 v53, v26;
	[tilespmem:s28+$0x13958] =	vst v32  }
0x105: {  	v47 =	vperm.xlane v28, v8;
	v46 =	vmul.f32 v43, v27;
	[tilespmem:s28+$0x13998] =	vst v52;
	v29 =	vadd.f32 v29, v26  }
0x106: {  	v34 =	vperm.xlane v28, v5;
	v63 =	vmul.f32 v59, v27;
	v62 =	vadd.f32 v58, v26;
	[tilespmem:s28+$0x139B8] =	vst v57  }
0x107: {  	v51 =	vperm.xlane v28, v10;
	v50 =	vmul.f32 v47, v27;
	[tilespmem:s28+$0x13968] =	vst v29;
	v29 =	vadd.f32 v46, v26  }
0x108: {  	v61 =	vperm.xlane v28, v14;
	v44 =	vmul.f32 v34, v27;
	v35 =	vadd.f32 v63, v26;
	[tilespmem:s28+$0x139D8] =	vst v62  }
0x109: {  	v56 =	vperm.xlane v28, v12;
	v55 =	vmul.f32 v51, v27;
	[tilespmem:s28+$0x13988] =	vst v29;
	v29 =	vadd.f32 v50, v26  }
0x10a: {  	v28 =	vperm.xlane v28, v15;
	v34 =	vmul.f32 v61, v27;
	v30 =	vadd.f32 v44, v26;
	[tilespmem:s28+$0x139F8] =	vst v35  }
0x10b: {  	v60 =	vmul.f32 v56, v27;
	[tilespmem:s28+$0x139A8] =	vst v29;
	v29 =	vadd.f32 v55, v26  }
0x10c: {  	v27 =	vmul.f32 v28, v27;
	v28 =	vadd.f32 v34, v26;
	[tilespmem:s28+$0x13978] =	vst v30  }
0x10d: {  	[tilespmem:s28+$0x139C8] =	vst v29;
	v29 =	vadd.f32 v60, v26  }
0x10e: {  	[tilespmem:s28+$0x13A08] =	vst v28;
	v26 =	vadd.f32 v27, v26  }
0x10f: {  	[tilespmem:s28+$0x139E8] =	vst v29  }
0x110: {  	[tilespmem:s28+$0x13A18] =	vst v26;
	s28 =	simm.s32 $0x0  }
0x111: {  	v26 =	vperm.xlane v21, v3;
	[hbm4b:s11+s28] =	stream.linear.scatter [tilespmem:s25], [sflag:$0x2], $0x17700, $0x38;
	[tilespmem:$0x1B628] =	vst v63  }
0x112: {  	_ =	swait.ge [sflag:s16], $0x17700  }
0x113: {  	v27 =	vmul.f32 v26, v24;
	v28 =	vmul.f32 v26, v25;
	[sflag:s16] =	ssyncset.done $0x0  }
0x114: {  	s28 =	simm.s32 $0x0;
	v29 =	vmul.f32 v26, v22;
	v36 =	vmul.f32 v26, v23;
	[sflag:s16] =	ssyncadd.s32 $0xFFFE8900  }
0x115: {  	v37 =	vperm.xlane v20, v3;
	v27 =	vadd.f32 v27, v18;
	v28 =	vadd.f32 v28, v19;
	v38 =	vld [tilespmem:s28+$0x1818]  }
0x116: {  	v29 =	vadd.f32 v29, v16;
	v30 =	vadd.f32 v36, v17  }
0x117: {  	v31 =	vmul.f32 $2.000000090e-03, v37;
	v28 =	vsub.f32 v28, v27  }
0x118: {  	v26 =	vmul.f32 $9.999999770e-03, v26;
	v30 =	vsub.f32 v30, v29  }
0x119: {  	v28 =	vmul.f32 v28, v31  }
0x11a: {  	v29 =	vadd.f32 v27, v29;
	v27 =	vmul.f32 v30, v26;
	v39 =	vperm.xlane v38, v0  }
0x11b: {  	v40 =	vperm.xlane v38, v1  }
0x11c: {  	v26 =	vadd.f32 v28, v29;
	v28 =	vperm.xlane v38, v2;
	v29 =	vmul.f32 v39, v27  }
0x11d: {  	v41 =	vperm.xlane v38, v3;
	v31 =	vmul.f32 v40, v27  }
0x11e: {  	v42 =	vperm.xlane v38, v4;
	v28 =	vmul.f32 v28, v27;
	v29 =	vadd.f32 v29, v26  }
0x11f: {  	s28 =	simm.s32 $0x3FA8;
	v43 =	vperm.xlane v38, v5;
	v30 =	vmul.f32 v41, v27;
	v31 =	vadd.f32 v31, v26  }
0x120: {  	v44 =	vperm.xlane v38, v6;
	v28 =	vadd.f32 v28, v26;
	[tilespmem:s28+$0xFFFFFF80] =	vst v29;
	v29 =	vmul.f32 v42, v27  }
0x121: {  	v46 =	vperm.xlane v38, v7;
	v45 =	vmul.f32 v43, v27;
	v30 =	vadd.f32 v30, v26;
	[tilespmem:s28+$0xFFFFFF90] =	vst v31  }
0x122: {  	v47 =	vperm.xlane v38, v8;
	[tilespmem:s28+$0xFFFFFFA0] =	vst v28;
	v28 =	vadd.f32 v29, v26;
	v29 =	vmul.f32 v44, v27  }
0x123: {  	v50 =	vperm.xlane v38, v9;
	v49 =	vmul.f32 v46, v27;
	v48 =	vadd.f32 v45, v26;
	[tilespmem:s28+$0xFFFFFFB0] =	vst v30  }
0x124: {  	v51 =	vperm.xlane v38, v10;
	[tilespmem:s28+$0xFFFFFFC0] =	vst v28;
	v28 =	vadd.f32 v29, v26;
	v29 =	vmul.f32 v47, v27  }
0x125: {  	v54 =	vperm.xlane v38, v11;
	v53 =	vmul.f32 v50, v27;
	v52 =	vadd.f32 v49, v26;
	[tilespmem:s28+$0xFFFFFFD0] =	vst v48  }
0x126: {  	v55 =	vperm.xlane v38, v12;
	[tilespmem:s28+$0xFFFFFFE0] =	vst v28;
	v28 =	vadd.f32 v29, v26;
	v29 =	vmul.f32 v51, v27  }
0x127: {  	v58 =	vperm.xlane v38, v13;
	v57 =	vmul.f32 v54, v27;
	v56 =	vadd.f32 v53, v26;
	[tilespmem:s28+$0xFFFFFFF0] =	vst v52  }
0x128: {  	v59 =	vperm.xlane v38, v14;
	[tilespmem:s28+$0x0] =	vst v28;
	v28 =	vadd.f32 v29, v26;
	v29 =	vmul.f32 v55, v27  }
0x129: {  	v32 =	vperm.xlane v38, v15;
	v61 =	vmul.f32 v58, v27;
	v60 =	vadd.f32 v57, v26;
	[tilespmem:s28+$0x10] =	vst v56  }
0x12a: {  	[tilespmem:s28+$0x20] =	vst v28;
	v28 =	vadd.f32 v29, v26;
	v29 =	vmul.f32 v59, v27  }
0x12b: {  	v63 =	vmul.f32 v32, v27;
	v62 =	vadd.f32 v61, v26;
	[tilespmem:s28+$0x30] =	vst v60  }
0x12c: {  	[tilespmem:s28+$0x40] =	vst v28;
	v28 =	vadd.f32 v29, v26  }
0x12d: {  	[tilespmem:s28+$0x50] =	vst v62;
	v29 =	vadd.f32 v63, v26  }
0x12e: {  	[tilespmem:s28+$0x60] =	vst v28  }
0x12f: {  	s30 =	simm.s32 $0x10;
	s29 =	simm.s32 $0x80;
	[tilespmem:s28+$0x70] =	vst v29  }
.LBB2_8:
0x130: {  	p1 =	sne.s32 s29, $0x1F00;
	v28 =	vld [tilespmem:s30+$0x1818];
	_ =	sdelay $0x4  }
0x131: {  	v29 =	vperm.xlane v28, v0;
	v30 =	vperm.xlane v28, v1  }
0x132: {  	v31 =	vperm.xlane v28, v2;
	v32 =	vperm.xlane v28, v3  }
0x133: {  	v29 =	vmul.f32 v29, v27;
	v30 =	vmul.f32 v30, v27  }
0x134: {  	v31 =	vmul.f32 v31, v27;
	v32 =	vmul.f32 v32, v27  }
0x135: {  	v33 =	vperm.xlane v28, v4;
	v29 =	vadd.f32 v29, v26;
	v30 =	vadd.f32 v30, v26  }
0x136: {  	s28 =	sadd.s32 $0x100, s28;
	v34 =	vperm.xlane v28, v5;
	v31 =	vadd.f32 v31, v26;
	v32 =	vadd.f32 v32, v26  }
0x137: {  	[tilespmem:s28+$0xFFFFFF80] =	vst v29;
	v29 =	vmul.f32 v33, v27;
	v33 =	vperm.xlane v28, v6  }
0x138: {  	[tilespmem:s28+$0xFFFFFF90] =	vst v30;
	v30 =	vmul.f32 v34, v27;
	v34 =	vperm.xlane v28, v7  }
0x139: {  	[tilespmem:s28+$0xFFFFFFA0] =	vst v31;
	v29 =	vadd.f32 v29, v26;
	v31 =	vmul.f32 v33, v27;
	v33 =	vperm.xlane v28, v8  }
0x13a: {  	[tilespmem:s28+$0xFFFFFFB0] =	vst v32;
	v30 =	vadd.f32 v30, v26;
	v32 =	vmul.f32 v34, v27;
	v34 =	vperm.xlane v28, v9  }
0x13b: {  	[tilespmem:s28+$0xFFFFFFC0] =	vst v29;
	v29 =	vadd.f32 v31, v26;
	v31 =	vmul.f32 v33, v27;
	v33 =	vperm.xlane v28, v10  }
0x13c: {  	[tilespmem:s28+$0xFFFFFFD0] =	vst v30;
	v30 =	vadd.f32 v32, v26;
	v32 =	vmul.f32 v34, v27;
	v34 =	vperm.xlane v28, v11  }
0x13d: {  	[tilespmem:s28+$0xFFFFFFE0] =	vst v29;
	v29 =	vadd.f32 v31, v26;
	v31 =	vmul.f32 v33, v27;
	v33 =	vperm.xlane v28, v12  }
0x13e: {  	[tilespmem:s28+$0xFFFFFFF0] =	vst v30;
	v30 =	vadd.f32 v32, v26;
	v32 =	vmul.f32 v34, v27;
	v34 =	vperm.xlane v28, v13  }
0x13f: {  	[tilespmem:s28+$0x0] =	vst v29;
	v29 =	vadd.f32 v31, v26;
	v31 =	vmul.f32 v33, v27;
	v33 =	vperm.xlane v28, v14  }
0x140: {  	v28 =	vperm.xlane v28, v15;
	[tilespmem:s28+$0x10] =	vst v30;
	v30 =	vadd.f32 v32, v26;
	v32 =	vmul.f32 v34, v27  }
0x141: {  	[tilespmem:s28+$0x20] =	vst v29;
	v29 =	vadd.f32 v31, v26;
	v31 =	vmul.f32 v33, v27  }
.Ltmp5:
0x142: {  	v28 =	vmul.f32 v28, v27;
	[tilespmem:s28+$0x30] =	vst v30;
	v30 =	vadd.f32 v32, v26;
	(pc) =	sbr.rel @p1 .LBB2_8-.Ltmp5, $4  }
0x143: {  	[tilespmem:s28+$0x40] =	vst v29;
	v29 =	vadd.f32 v31, v26  }
0x144: {  	v28 =	vadd.f32 v28, v26;
	[tilespmem:s28+$0x50] =	vst v30  }
0x145: {  	[tilespmem:s28+$0x60] =	vst v29  }
0x146: {  	s30 =	sshra.s32 s29, $0x2;
	s29 =	sadd.s32 $0x40, s29;
	[tilespmem:s28+$0x70] =	vst v28  }
0x147: {  	v28 =	vld [tilespmem:s30+$0x1818]  }
0x148: {  	v57 =	vperm.xlane v21, v4;
	_ =	sdelay $0x1  }
0x149: {  	v62 =	vperm.xlane v20, v4;
	v60 =	vmul.f32 v57, v24  }
0x14a: {  	v61 =	vmul.f32 v57, v25;
	v38 =	vmul.f32 v57, v22  }
0x14b: {  	v29 =	vperm.xlane v28, v0;
	v30 =	vperm.xlane v28, v1  }
0x14c: {  	v31 =	vperm.xlane v28, v2;
	v32 =	vperm.xlane v28, v3  }
0x14d: {  	v33 =	vperm.xlane v28, v4;
	v29 =	vmul.f32 v29, v27  }
0x14e: {  	v63 =	vadd.f32 v38, v16;
	v34 =	vperm.xlane v28, v5;
	v30 =	vmul.f32 v30, v27  }
0x14f: {  	v36 =	vperm.xlane v28, v7;
	v31 =	vmul.f32 v31, v27;
	v29 =	vadd.f32 v29, v26  }
0x150: {  	s28 =	sadd.s32 $0x100, s28;
	v48 =	vperm.xlane v28, v11;
	v32 =	vmul.f32 v32, v27;
	v30 =	vadd.f32 v30, v26  }
0x151: {  	v35 =	vperm.xlane v28, v6;
	v43 =	vmul.f32 v36, v27;
	v31 =	vadd.f32 v31, v26;
	[tilespmem:s28+$0xFFFFFF80] =	vst v29  }
0x152: {  	v37 =	vperm.xlane v28, v8;
	v52 =	vmul.f32 v48, v27;
	v32 =	vadd.f32 v32, v26;
	[tilespmem:s28+$0xFFFFFF90] =	vst v30  }
0x153: {  	v44 =	vperm.xlane v28, v9;
	v33 =	vmul.f32 v33, v27;
	v49 =	vadd.f32 v43, v26;
	[tilespmem:s28+$0xFFFFFFA0] =	vst v31  }
0x154: {  	v46 =	vperm.xlane v28, v10;
	v34 =	vmul.f32 v34, v27;
	v58 =	vadd.f32 v52, v26;
	[tilespmem:s28+$0xFFFFFFB0] =	vst v32  }
0x155: {  	v51 =	vperm.xlane v28, v12;
	v35 =	vmul.f32 v35, v27;
	v29 =	vadd.f32 v33, v26;
	[tilespmem:s28+$0xFFFFFFF0] =	vst v49  }
0x156: {  	v53 =	vperm.xlane v28, v13;
	v45 =	vmul.f32 v37, v27;
	v30 =	vadd.f32 v34, v26;
	[tilespmem:s28+$0x30] =	vst v58  }
0x157: {  	v55 =	vperm.xlane v28, v14;
	v50 =	vmul.f32 v46, v27;
	v31 =	vadd.f32 v35, v26;
	[tilespmem:s28+$0xFFFFFFC0] =	vst v29  }
0x158: {  	v28 =	vperm.xlane v28, v15;
	v47 =	vmul.f32 v44, v27;
	v29 =	vadd.f32 v45, v26;
	[tilespmem:s28+$0xFFFFFFD0] =	vst v30  }
0x159: {  	v54 =	vmul.f32 v51, v27;
	v56 =	vmul.f32 v53, v27;
	[tilespmem:s28+$0xFFFFFFE0] =	vst v31;
	v31 =	vadd.f32 v50, v26  }
0x15a: {  	v59 =	vmul.f32 v55, v27;
	v37 =	vadd.f32 v61, v19;
	v30 =	vadd.f32 v47, v26;
	[tilespmem:s28+$0x0] =	vst v29  }
0x15b: {  	v35 =	vadd.f32 v60, v18;
	v29 =	vadd.f32 v54, v26;
	[tilespmem:s28+$0x20] =	vst v31;
	v31 =	vmul.f32 v57, v23  }
0x15c: {  	v27 =	vmul.f32 v28, v27;
	v28 =	vadd.f32 v59, v26;
	[tilespmem:s28+$0x10] =	vst v30;
	v30 =	vadd.f32 v56, v26  }
0x15d: {  	v33 =	vmul.f32 $2.000000090e-03, v62;
	[tilespmem:s28+$0x40] =	vst v29;
	v29 =	vadd.f32 v31, v17;
	v31 =	vsub.f32 v37, v35  }
0x15e: {  	[tilespmem:s28+$0x60] =	vst v28;
	v26 =	vadd.f32 v27, v26;
	v27 =	vadd.f32 v35, v63  }
0x15f: {  	[tilespmem:s28+$0x50] =	vst v30;
	v30 =	vmul.f32 $9.999999770e-03, v57;
	v28 =	vmul.f32 v31, v33;
	v29 =	vsub.f32 v29, v63  }
0x160: {  	s29 =	simm.s32 $0x1FE8;
	[tilespmem:s28+$0x70] =	vst v26  }
0x161: {  	s30 =	simm.s32 $0x400;
	s28 =	simm.s32 $0x0;
	v26 =	vadd.f32 v28, v27;
	v27 =	vmul.f32 v29, v30;
	v28 =	vld [tilespmem:s29+$0x0]  }
.LBB2_10:
0x162: {  	p1 =	sne.s32 s30, $0x1F000;
	_ =	sdelay $0x3  }
0x163: {  	v29 =	vperm.xlane v28, v0;
	v30 =	vperm.xlane v28, v1  }
0x164: {  	v31 =	vperm.xlane v28, v2;
	v32 =	vperm.xlane v28, v3  }
0x165: {  	v29 =	vmul.f32 v29, v27;
	v30 =	vmul.f32 v30, v27  }
0x166: {  	v31 =	vmul.f32 v31, v27;
	v32 =	vmul.f32 v32, v27  }
0x167: {  	v33 =	vperm.xlane v28, v4;
	v29 =	vadd.f32 v29, v26;
	v30 =	vadd.f32 v30, v26  }
0x168: {  	s31 =	sshra.s32 s28, $0x2;
	s28 =	smov.u32 s30;
	v34 =	vperm.xlane v28, v5;
	v31 =	vadd.f32 v31, v26;
	v32 =	vadd.f32 v32, v26  }
0x169: {  	[tilespmem:s31+$0xBC28] =	vst v29;
	v29 =	vmul.f32 v33, v27;
	v33 =	vperm.xlane v28, v6  }
0x16a: {  	[tilespmem:s31+$0xBC38] =	vst v30;
	v30 =	vmul.f32 v34, v27;
	v34 =	vperm.xlane v28, v7  }
0x16b: {  	[tilespmem:s31+$0xBC48] =	vst v31;
	v29 =	vadd.f32 v29, v26;
	v31 =	vmul.f32 v33, v27;
	v33 =	vperm.xlane v28, v8  }
0x16c: {  	[tilespmem:s31+$0xBC58] =	vst v32;
	v30 =	vadd.f32 v30, v26;
	v32 =	vmul.f32 v34, v27;
	v34 =	vperm.xlane v28, v9  }
0x16d: {  	[tilespmem:s31+$0xBC68] =	vst v29;
	v29 =	vadd.f32 v31, v26;
	v31 =	vmul.f32 v33, v27;
	v33 =	vperm.xlane v28, v10  }
0x16e: {  	[tilespmem:s31+$0xBC78] =	vst v30;
	v30 =	vadd.f32 v32, v26;
	v32 =	vmul.f32 v34, v27;
	v34 =	vperm.xlane v28, v11  }
0x16f: {  	[tilespmem:s31+$0xBC88] =	vst v29;
	v29 =	vadd.f32 v31, v26;
	v31 =	vmul.f32 v33, v27;
	v33 =	vperm.xlane v28, v12  }
0x170: {  	[tilespmem:s31+$0xBC98] =	vst v30;
	v30 =	vadd.f32 v32, v26;
	v32 =	vmul.f32 v34, v27;
	v34 =	vperm.xlane v28, v13  }
0x171: {  	[tilespmem:s31+$0xBCA8] =	vst v29;
	v29 =	vadd.f32 v31, v26;
	v31 =	vmul.f32 v33, v27;
	v33 =	vperm.xlane v28, v14  }
0x172: {  	v28 =	vperm.xlane v28, v15;
	[tilespmem:s31+$0xBCB8] =	vst v30;
	v30 =	vadd.f32 v32, v26;
	v32 =	vmul.f32 v34, v27  }
0x173: {  	[tilespmem:s31+$0xBCC8] =	vst v29;
	v29 =	vadd.f32 v31, v26;
	v31 =	vmul.f32 v33, v27  }
0x174: {  	v28 =	vmul.f32 v28, v27;
	[tilespmem:s31+$0xBCD8] =	vst v30;
	v30 =	vadd.f32 v32, v26  }
.Ltmp6:
0x175: {  	[tilespmem:s31+$0xBCE8] =	vst v29;
	v29 =	vadd.f32 v31, v26;
	(pc) =	sbr.rel @p1 .LBB2_10-.Ltmp6, $4  }
0x176: {  	v28 =	vadd.f32 v28, v26;
	[tilespmem:s31+$0xBCF8] =	vst v30  }
0x177: {  	[tilespmem:s31+$0xBD08] =	vst v29  }
0x178: {  	s29 =	sadd.s32 $0x10, s29;
	[tilespmem:s31+$0xBD18] =	vst v28  }
0x179: {  	s30 =	sadd.s32 $0x400, s30;
	v28 =	vld [tilespmem:s29+$0x0]  }
0x17a: {  	_ = 	snop  }
0x17b: {  	v57 =	vperm.xlane v21, v5  }
0x17c: {  	v62 =	vperm.xlane v20, v5  }
0x17d: {  	v60 =	vmul.f32 v57, v24;
	v61 =	vmul.f32 v57, v25  }
0x17e: {  	v38 =	vmul.f32 v57, v22;
	v29 =	vperm.xlane v28, v0  }
0x17f: {  	v30 =	vperm.xlane v28, v1;
	v31 =	vperm.xlane v28, v2  }
0x180: {  	v32 =	vperm.xlane v28, v3;
	v33 =	vperm.xlane v28, v4  }
0x181: {  	v34 =	vperm.xlane v28, v5;
	v29 =	vmul.f32 v29, v27  }
0x182: {  	v35 =	vperm.xlane v28, v6;
	v30 =	vmul.f32 v30, v27  }
0x183: {  	v36 =	vperm.xlane v28, v7;
	v31 =	vmul.f32 v31, v27;
	v29 =	vadd.f32 v29, v26  }
0x184: {  	s28 =	sshra.s32 s28, $0x2;
	v48 =	vperm.xlane v28, v11;
	v32 =	vmul.f32 v32, v27;
	v30 =	vadd.f32 v30, v26  }
0x185: {  	v37 =	vperm.xlane v28, v8;
	v43 =	vmul.f32 v36, v27;
	v31 =	vadd.f32 v31, v26;
	[tilespmem:s28+$0xBC28] =	vst v29  }
0x186: {  	v44 =	vperm.xlane v28, v9;
	v52 =	vmul.f32 v48, v27;
	v32 =	vadd.f32 v32, v26;
	[tilespmem:s28+$0xBC38] =	vst v30  }
0x187: {  	v46 =	vperm.xlane v28, v10;
	v33 =	vmul.f32 v33, v27;
	v49 =	vadd.f32 v43, v26;
	[tilespmem:s28+$0xBC48] =	vst v31  }
0x188: {  	v51 =	vperm.xlane v28, v12;
	v34 =	vmul.f32 v34, v27;
	v58 =	vadd.f32 v52, v26;
	[tilespmem:s28+$0xBC58] =	vst v32  }
0x189: {  	v53 =	vperm.xlane v28, v13;
	v35 =	vmul.f32 v35, v27;
	v29 =	vadd.f32 v33, v26;
	[tilespmem:s28+$0xBC98] =	vst v49  }
0x18a: {  	v55 =	vperm.xlane v28, v14;
	v45 =	vmul.f32 v37, v27;
	v30 =	vadd.f32 v34, v26;
	[tilespmem:s28+$0xBCD8] =	vst v58  }
0x18b: {  	v28 =	vperm.xlane v28, v15;
	v50 =	vmul.f32 v46, v27;
	v31 =	vadd.f32 v35, v26;
	[tilespmem:s28+$0xBC68] =	vst v29  }
0x18c: {  	v63 =	vadd.f32 v38, v16;
	v47 =	vmul.f32 v44, v27;
	v29 =	vadd.f32 v45, v26;
	[tilespmem:s28+$0xBC78] =	vst v30  }
0x18d: {  	v54 =	vmul.f32 v51, v27;
	v56 =	vmul.f32 v53, v27;
	[tilespmem:s28+$0xBC88] =	vst v31;
	v31 =	vadd.f32 v50, v26  }
0x18e: {  	v59 =	vmul.f32 v55, v27;
	v37 =	vadd.f32 v61, v19;
	v30 =	vadd.f32 v47, v26;
	[tilespmem:s28+$0xBCA8] =	vst v29  }
0x18f: {  	v35 =	vadd.f32 v60, v18;
	v29 =	vadd.f32 v54, v26;
	[tilespmem:s28+$0xBCC8] =	vst v31;
	v31 =	vmul.f32 v57, v23  }
0x190: {  	v27 =	vmul.f32 v28, v27;
	v28 =	vadd.f32 v59, v26;
	[tilespmem:s28+$0xBCB8] =	vst v30;
	v30 =	vadd.f32 v56, v26  }
0x191: {  	v33 =	vmul.f32 $2.000000090e-03, v62;
	[tilespmem:s28+$0xBCE8] =	vst v29;
	v29 =	vadd.f32 v31, v17;
	v31 =	vsub.f32 v37, v35  }
0x192: {  	[tilespmem:s28+$0xBD08] =	vst v28;
	v26 =	vadd.f32 v27, v26;
	v27 =	vadd.f32 v35, v63  }
0x193: {  	[tilespmem:s28+$0xBCF8] =	vst v30;
	v30 =	vmul.f32 $9.999999770e-03, v57;
	v28 =	vmul.f32 v31, v33;
	v29 =	vsub.f32 v29, v63  }
0x194: {  	s29 =	simm.s32 $0x27B8;
	[tilespmem:s28+$0xBD18] =	vst v26  }
0x195: {  	s30 =	simm.s32 $0x400;
	s28 =	simm.s32 $0x0;
	v26 =	vadd.f32 v28, v27;
	v27 =	vmul.f32 v29, v30;
	v28 =	vld [tilespmem:s29+$0x0]  }
.LBB2_12:
0x196: {  	p1 =	sne.s32 s30, $0x1F000;
	_ =	sdelay $0x3  }
0x197: {  	v29 =	vperm.xlane v28, v0;
	v30 =	vperm.xlane v28, v1  }
0x198: {  	v31 =	vperm.xlane v28, v2;
	v32 =	vperm.xlane v28, v3  }
0x199: {  	v29 =	vmul.f32 v29, v27;
	v30 =	vmul.f32 v30, v27  }
0x19a: {  	v31 =	vmul.f32 v31, v27;
	v32 =	vmul.f32 v32, v27  }
0x19b: {  	v33 =	vperm.xlane v28, v4;
	v29 =	vadd.f32 v29, v26;
	v30 =	vadd.f32 v30, v26  }
0x19c: {  	s31 =	sshra.s32 s28, $0x2;
	s28 =	smov.u32 s30;
	v34 =	vperm.xlane v28, v5;
	v31 =	vadd.f32 v31, v26;
	v32 =	vadd.f32 v32, v26  }
0x19d: {  	[tilespmem:s31+$0x13928] =	vst v29;
	v29 =	vmul.f32 v33, v27;
	v33 =	vperm.xlane v28, v6  }
0x19e: {  	[tilespmem:s31+$0x13938] =	vst v30;
	v30 =	vmul.f32 v34, v27;
	v34 =	vperm.xlane v28, v7  }
0x19f: {  	[tilespmem:s31+$0x13948] =	vst v31;
	v29 =	vadd.f32 v29, v26;
	v31 =	vmul.f32 v33, v27;
	v33 =	vperm.xlane v28, v8  }
0x1a0: {  	[tilespmem:s31+$0x13958] =	vst v32;
	v30 =	vadd.f32 v30, v26;
	v32 =	vmul.f32 v34, v27;
	v34 =	vperm.xlane v28, v9  }
0x1a1: {  	[tilespmem:s31+$0x13968] =	vst v29;
	v29 =	vadd.f32 v31, v26;
	v31 =	vmul.f32 v33, v27;
	v33 =	vperm.xlane v28, v10  }
0x1a2: {  	[tilespmem:s31+$0x13978] =	vst v30;
	v30 =	vadd.f32 v32, v26;
	v32 =	vmul.f32 v34, v27;
	v34 =	vperm.xlane v28, v11  }
0x1a3: {  	[tilespmem:s31+$0x13988] =	vst v29;
	v29 =	vadd.f32 v31, v26;
	v31 =	vmul.f32 v33, v27;
	v33 =	vperm.xlane v28, v12  }
0x1a4: {  	[tilespmem:s31+$0x13998] =	vst v30;
	v30 =	vadd.f32 v32, v26;
	v32 =	vmul.f32 v34, v27;
	v34 =	vperm.xlane v28, v13  }
0x1a5: {  	[tilespmem:s31+$0x139A8] =	vst v29;
	v29 =	vadd.f32 v31, v26;
	v31 =	vmul.f32 v33, v27;
	v33 =	vperm.xlane v28, v14  }
0x1a6: {  	v28 =	vperm.xlane v28, v15;
	[tilespmem:s31+$0x139B8] =	vst v30;
	v30 =	vadd.f32 v32, v26;
	v32 =	vmul.f32 v34, v27  }
0x1a7: {  	[tilespmem:s31+$0x139C8] =	vst v29;
	v29 =	vadd.f32 v31, v26;
	v31 =	vmul.f32 v33, v27  }
0x1a8: {  	v28 =	vmul.f32 v28, v27;
	[tilespmem:s31+$0x139D8] =	vst v30;
	v30 =	vadd.f32 v32, v26  }
.Ltmp7:
0x1a9: {  	[tilespmem:s31+$0x139E8] =	vst v29;
	v29 =	vadd.f32 v31, v26;
	(pc) =	sbr.rel @p1 .LBB2_12-.Ltmp7, $4  }
0x1aa: {  	v28 =	vadd.f32 v28, v26;
	[tilespmem:s31+$0x139F8] =	vst v30  }
0x1ab: {  	[tilespmem:s31+$0x13A08] =	vst v29  }
0x1ac: {  	s29 =	sadd.s32 $0x10, s29;
	[tilespmem:s31+$0x13A18] =	vst v28  }
0x1ad: {  	s30 =	sadd.s32 $0x400, s30;
	v28 =	vld [tilespmem:s29+$0x0]  }
0x1ae: {  	_ =	sdelay $0x3  }
0x1af: {  	v29 =	vperm.xlane v28, v0  }
0x1b0: {  	v30 =	vperm.xlane v28, v1  }
0x1b1: {  	v31 =	vperm.xlane v28, v2;
	v29 =	vmul.f32 v29, v27  }
0x1b2: {  	v32 =	vperm.xlane v28, v3;
	v30 =	vmul.f32 v30, v27  }
0x1b3: {  	v63 =	vperm.xlane v28, v6;
	v31 =	vmul.f32 v31, v27;
	v29 =	vadd.f32 v29, v26  }
0x1b4: {  	s28 =	sshra.s32 s28, $0x2;
	v37 =	vperm.xlane v28, v7;
	v32 =	vmul.f32 v32, v27;
	v30 =	vadd.f32 v30, v26  }
0x1b5: {  	v39 =	vperm.xlane v28, v8;
	v38 =	vmul.f32 v63, v27;
	v31 =	vadd.f32 v31, v26;
	[tilespmem:s28+$0x13928] =	vst v29  }
0x1b6: {  	v41 =	vperm.xlane v28, v9;
	v40 =	vmul.f32 v37, v27;
	v32 =	vadd.f32 v32, v26;
	[tilespmem:s28+$0x13938] =	vst v30  }
0x1b7: {  	v44 =	vperm.xlane v28, v10;
	v43 =	vmul.f32 v39, v27;
	v42 =	vadd.f32 v38, v26;
	[tilespmem:s28+$0x13948] =	vst v31  }
0x1b8: {  	v47 =	vperm.xlane v28, v11;
	v46 =	vmul.f32 v41, v27;
	v45 =	vadd.f32 v40, v26;
	[tilespmem:s28+$0x13958] =	vst v32  }
0x1b9: {  	v50 =	vperm.xlane v28, v12;
	v49 =	vmul.f32 v44, v27;
	v48 =	vadd.f32 v43, v26;
	[tilespmem:s28+$0x13988] =	vst v42  }
0x1ba: {  	v56 =	vperm.xlane v28, v14;
	v52 =	vmul.f32 v47, v27;
	v51 =	vadd.f32 v46, v26;
	[tilespmem:s28+$0x13998] =	vst v45  }
0x1bb: {  	v33 =	vperm.xlane v28, v4;
	v55 =	vmul.f32 v50, v27;
	v54 =	vadd.f32 v49, v26;
	[tilespmem:s28+$0x139A8] =	vst v48  }
0x1bc: {  	v34 =	vperm.xlane v28, v5;
	v61 =	vmul.f32 v56, v27;
	v57 =	vadd.f32 v52, v26;
	[tilespmem:s28+$0x139B8] =	vst v51  }
0x1bd: {  	v53 =	vperm.xlane v28, v13;
	v62 =	vmul.f32 v33, v27;
	v60 =	vadd.f32 v55, v26;
	[tilespmem:s28+$0x139C8] =	vst v54  }
0x1be: {  	v59 =	vperm.xlane v28, v15;
	v36 =	vmul.f32 v34, v27;
	v63 =	vadd.f32 v61, v26;
	[tilespmem:s28+$0x139D8] =	vst v57  }
0x1bf: {  	v58 =	vmul.f32 v53, v27;
	v29 =	vadd.f32 v62, v26;
	[tilespmem:s28+$0x139E8] =	vst v60  }
0x1c0: {  	v27 =	vmul.f32 v59, v27;
	v30 =	vadd.f32 v36, v26;
	[tilespmem:s28+$0x13A08] =	vst v63  }
0x1c1: {  	v62 =	vadd.f32 v58, v26;
	[tilespmem:s28+$0x13968] =	vst v29  }
0x1c2: {  	v26 =	vadd.f32 v27, v26;
	[tilespmem:s28+$0x13978] =	vst v30  }
0x1c3: {  	[tilespmem:s28+$0x139F8] =	vst v62  }
.Ltmp8:
0x1c4: {  	[tilespmem:s28+$0x13A18] =	vst v26;
	(pc) =	sbr.rel @p0 .LBB2_17-.Ltmp8, $4  }
0x1c5: {  	[hbm4b:s12+s2] =	stream.linear.scatter [tilespmem:s25], [sflag:$0x2], $0x17700, $0x38;
	[tilespmem:$0x1B628] =	vst v63  }
0x1c6: {  	_ =	swait.ge [sflag:s16], $0x17700  }
0x1c7: {  	[sflag:s16] =	ssyncset.done $0x0  }
0x1c8: {  	[sflag:s16] =	ssyncadd.s32 $0xFFFE8900  }
0x1c9: {  	v21 =	vperm.xlane v21, v6;
	_ =	sdelay $0x1  }
0x1ca: {  	s28 =	simm.s32 $0x0;
	v24 =	vmul.f32 v21, v24;
	v25 =	vmul.f32 v21, v25  }
0x1cb: {  	v39 =	vld [tilespmem:s28+$0x2F88];
	v22 =	vmul.f32 v21, v22;
	v23 =	vmul.f32 v21, v23  }
0x1cc: {  	v20 =	vperm.xlane v20, v6;
	v18 =	vadd.f32 v24, v18;
	v19 =	vadd.f32 v25, v19  }
0x1cd: {  	v16 =	vadd.f32 v22, v16;
	v17 =	vadd.f32 v23, v17  }
0x1ce: {  	v20 =	vmul.f32 $2.000000090e-03, v20  }
0x1cf: {  	v21 =	vmul.f32 $9.999999770e-03, v21;
	v19 =	vsub.f32 v19, v18;
	v17 =	vsub.f32 v17, v16  }
0x1d0: {  	v16 =	vadd.f32 v18, v16;
	v18 =	vperm.xlane v39, v0  }
0x1d1: {  	v19 =	vmul.f32 v19, v20;
	v17 =	vmul.f32 v17, v21  }
0x1d2: {  	v40 =	vperm.xlane v39, v1  }
0x1d3: {  	v16 =	vadd.f32 v19, v16;
	v19 =	vperm.xlane v39, v2;
	v18 =	vmul.f32 v18, v17  }
0x1d4: {  	v41 =	vperm.xlane v39, v3;
	v20 =	vmul.f32 v40, v17  }
0x1d5: {  	v42 =	vperm.xlane v39, v4;
	v19 =	vmul.f32 v19, v17;
	v18 =	vadd.f32 v18, v16  }
0x1d6: {  	s28 =	simm.s32 $0x3FA8;
	v46 =	vperm.xlane v39, v7;
	v21 =	vmul.f32 v41, v17;
	v20 =	vadd.f32 v20, v16  }
0x1d7: {  	v44 =	vperm.xlane v39, v6;
	v19 =	vadd.f32 v19, v16;
	[tilespmem:s28+$0xFFFFFF80] =	vst v18;
	v18 =	vmul.f32 v42, v17  }
0x1d8: {  	v49 =	vperm.xlane v39, v9;
	v48 =	vmul.f32 v46, v17;
	v21 =	vadd.f32 v21, v16;
	[tilespmem:s28+$0xFFFFFF90] =	vst v20  }
0x1d9: {  	v47 =	vperm.xlane v39, v8;
	[tilespmem:s28+$0xFFFFFFA0] =	vst v19;
	v18 =	vadd.f32 v18, v16;
	v19 =	vmul.f32 v44, v17  }
0x1da: {  	v53 =	vperm.xlane v39, v11;
	v52 =	vmul.f32 v49, v17;
	v51 =	vadd.f32 v48, v16;
	[tilespmem:s28+$0xFFFFFFB0] =	vst v21  }
0x1db: {  	v50 =	vperm.xlane v39, v10;
	[tilespmem:s28+$0xFFFFFFC0] =	vst v18;
	v18 =	vadd.f32 v19, v16;
	v19 =	vmul.f32 v47, v17  }
0x1dc: {  	v57 =	vperm.xlane v39, v13;
	v56 =	vmul.f32 v53, v17;
	v55 =	vadd.f32 v52, v16;
	[tilespmem:s28+$0xFFFFFFF0] =	vst v51  }
0x1dd: {  	v54 =	vperm.xlane v39, v12;
	[tilespmem:s28+$0xFFFFFFE0] =	vst v18;
	v18 =	vadd.f32 v19, v16;
	v19 =	vmul.f32 v50, v17  }
0x1de: {  	v43 =	vperm.xlane v39, v5;
	v60 =	vmul.f32 v57, v17;
	v59 =	vadd.f32 v56, v16;
	[tilespmem:s28+$0x10] =	vst v55  }
0x1df: {  	v58 =	vperm.xlane v39, v14;
	[tilespmem:s28+$0x0] =	vst v18;
	v18 =	vadd.f32 v19, v16;
	v19 =	vmul.f32 v54, v17  }
0x1e0: {  	v61 =	vperm.xlane v39, v15;
	v45 =	vmul.f32 v43, v17;
	v62 =	vadd.f32 v60, v16;
	[tilespmem:s28+$0x30] =	vst v59  }
0x1e1: {  	[tilespmem:s28+$0x20] =	vst v18;
	v18 =	vadd.f32 v19, v16;
	v19 =	vmul.f32 v58, v17  }
0x1e2: {  	v63 =	vmul.f32 v61, v17;
	v20 =	vadd.f32 v45, v16;
	[tilespmem:s28+$0x50] =	vst v62  }
0x1e3: {  	[tilespmem:s28+$0x40] =	vst v18;
	v18 =	vadd.f32 v19, v16  }
0x1e4: {  	[tilespmem:s28+$0xFFFFFFD0] =	vst v20;
	v19 =	vadd.f32 v63, v16  }
0x1e5: {  	[tilespmem:s28+$0x60] =	vst v18  }
0x1e6: {  	s30 =	simm.s32 $0x10;
	s29 =	simm.s32 $0x80;
	[tilespmem:s28+$0x70] =	vst v19  }
.LBB2_15:
0x1e7: {  	p1 =	sne.s32 s29, $0x1F00;
	v18 =	vld [tilespmem:s30+$0x2F88];
	_ =	sdelay $0x4  }
0x1e8: {  	v19 =	vperm.xlane v18, v0;
	v20 =	vperm.xlane v18, v1  }
0x1e9: {  	v21 =	vperm.xlane v18, v2;
	v22 =	vperm.xlane v18, v3  }
0x1ea: {  	v19 =	vmul.f32 v19, v17;
	v20 =	vmul.f32 v20, v17  }
0x1eb: {  	v21 =	vmul.f32 v21, v17;
	v22 =	vmul.f32 v22, v17  }
0x1ec: {  	v23 =	vperm.xlane v18, v4;
	v19 =	vadd.f32 v19, v16;
	v20 =	vadd.f32 v20, v16  }
0x1ed: {  	s28 =	sadd.s32 $0x100, s28;
	v24 =	vperm.xlane v18, v5;
	v21 =	vadd.f32 v21, v16;
	v22 =	vadd.f32 v22, v16  }
0x1ee: {  	[tilespmem:s28+$0xFFFFFF80] =	vst v19;
	v19 =	vmul.f32 v23, v17;
	v23 =	vperm.xlane v18, v6  }
0x1ef: {  	[tilespmem:s28+$0xFFFFFF90] =	vst v20;
	v20 =	vmul.f32 v24, v17;
	v24 =	vperm.xlane v18, v7  }
0x1f0: {  	[tilespmem:s28+$0xFFFFFFA0] =	vst v21;
	v19 =	vadd.f32 v19, v16;
	v21 =	vmul.f32 v23, v17;
	v23 =	vperm.xlane v18, v8  }
0x1f1: {  	[tilespmem:s28+$0xFFFFFFB0] =	vst v22;
	v20 =	vadd.f32 v20, v16;
	v22 =	vmul.f32 v24, v17;
	v24 =	vperm.xlane v18, v9  }
0x1f2: {  	[tilespmem:s28+$0xFFFFFFC0] =	vst v19;
	v19 =	vadd.f32 v21, v16;
	v21 =	vmul.f32 v23, v17;
	v23 =	vperm.xlane v18, v10  }
0x1f3: {  	[tilespmem:s28+$0xFFFFFFD0] =	vst v20;
	v20 =	vadd.f32 v22, v16;
	v22 =	vmul.f32 v24, v17;
	v24 =	vperm.xlane v18, v11  }
0x1f4: {  	[tilespmem:s28+$0xFFFFFFE0] =	vst v19;
	v19 =	vadd.f32 v21, v16;
	v21 =	vmul.f32 v23, v17;
	v23 =	vperm.xlane v18, v12  }
0x1f5: {  	[tilespmem:s28+$0xFFFFFFF0] =	vst v20;
	v20 =	vadd.f32 v22, v16;
	v22 =	vmul.f32 v24, v17;
	v24 =	vperm.xlane v18, v13  }
0x1f6: {  	[tilespmem:s28+$0x0] =	vst v19;
	v19 =	vadd.f32 v21, v16;
	v21 =	vmul.f32 v23, v17;
	v23 =	vperm.xlane v18, v14  }
0x1f7: {  	v18 =	vperm.xlane v18, v15;
	[tilespmem:s28+$0x10] =	vst v20;
	v20 =	vadd.f32 v22, v16;
	v22 =	vmul.f32 v24, v17  }
0x1f8: {  	[tilespmem:s28+$0x20] =	vst v19;
	v19 =	vadd.f32 v21, v16;
	v21 =	vmul.f32 v23, v17  }
.Ltmp9:
0x1f9: {  	v18 =	vmul.f32 v18, v17;
	[tilespmem:s28+$0x30] =	vst v20;
	v20 =	vadd.f32 v22, v16;
	(pc) =	sbr.rel @p1 .LBB2_15-.Ltmp9, $4  }
0x1fa: {  	[tilespmem:s28+$0x40] =	vst v19;
	v19 =	vadd.f32 v21, v16  }
0x1fb: {  	v18 =	vadd.f32 v18, v16;
	[tilespmem:s28+$0x50] =	vst v20  }
0x1fc: {  	[tilespmem:s28+$0x60] =	vst v19  }
0x1fd: {  	s30 =	sshra.s32 s29, $0x2;
	s29 =	sadd.s32 $0x40, s29;
	[tilespmem:s28+$0x70] =	vst v18  }
.Ltmp10:
0x1fe: {  	_ = 	snop;
	(pc) =	sbr.rel .LBB2_16-.Ltmp10, $1  }
0x1ff: {  	_ =	sdelay $0x3  }
.LBB2_18:
0x200: {  	_ =	sfence.sel $0x180000  }
0x201: {  	[bflag:$0x0] =	sbarrier.arrive $0xFFFF  }
0x202: {  	p0 =	sne.s32 s1, $0x0;
	_ =	strace $0x90000047  }
0x203: {  	s0 =	sadd.s32 @!p0 $0x100000, s0;
	[bflag:$0x2] =	sbarrier.arrive $0xFFFF  }
0x204: {  	[sflag:s0] =	ssyncadd.tile.s32 @!p0 $0x1;
	_ =	shalt  }
.Lfunc_end2:
_tile_overlayer_lowered:
.L_overlay_start_2:
0x205: {  	(tag) =	ssettag $0x2  }
0x206: {  	s0 =	rddreg [dreg:$0x0];
	s2 =	stileid.u32  }
0x207: {  	s1 =	rddreg [dreg:$0x1];
	p0 =	sne.s32 s2, $0x0  }
0x208: {  	s3 =	rddreg [dreg:$0x2];
	[bflag:$0x3] =	sbarrier.arrive $0xFFFF;
	s2 =	simm.s32 @!p0 $0x1C02  }
0x209: {  	[timem:s3], [sflag:s2] =	dma.local @!p0 [hbm:s0], s1  }
0x20a: {  	s0 =	simm.s32 @!p0 $0x2  }
0x20b: {  	_ =	swait.ge @!p0 [sflag:s0], s1  }
0x20c: {  	s1 =	ssub.s32 @!p0 $0x0, s1;
	[sflag:s0] =	ssyncset.done @!p0 $0x0  }
0x20d: {  	[sflag:s0] =	ssyncadd.s32 @!p0 s1  }
0x20e: {  	[bflag:$0x3] =	sbarrier.arrive $0xFFFF  }
0x20f: {  	_ =	shalt  }

</sc_bundles>
